<compile_context>
chip_gen: v7x
topology: tpu7x:2x2x1
jax: 0.10.2.dev20260603
libtpu: 0.0.44.dev20260713+nightly
codegen_flags: <defaults>
</compile_context>

<pallas_src>
import jax
import jax.numpy as jnp
from jax import lax
from jax.experimental import pallas as pl
from jax.experimental.pallas import tpu as pltpu
from jax.experimental.pallas import tpu_sc as plsc

F32 = jnp.float32
I32 = jnp.int32

NC = 2
NS = 16
NW = NC * NS
LANES = 16
CH = 128
RB = 5120

_MESH = dict(core_axis_name="c", subcore_axis_name="s")


def _pad_to(v, m):
    return ((v + m - 1) // m) * m


def _zero_fill(ref):
    rows, cols = ref.shape
    z = jnp.zeros((LANES,), F32)

    def body(i, _):
        r = i // (cols // LANES)
        c = lax.rem(i, cols // LANES)
        ref[r, pl.ds(c * LANES, LANES)] = z
        return 0

    lax.fori_loop(0, rows * (cols // LANES), body, 0)


def _sc_degree(e3, n_pad):
    _, nw, nch, ch = e3.shape
    rpt = n_pad // NS

    def body(e_hbm, out_hbm, dst_v, ones_v, acc_sh):
        c = lax.axis_index("c")
        s = lax.axis_index("s")
        w = s * NC + c
        pltpu.sync_copy(e_hbm.at[1, w], dst_v)
        _zero_fill(ones_v)
        for k in range(rpt // CH):
            pltpu.sync_copy(ones_v, acc_sh.at[pl.ds(s * rpt + k * CH, CH)])
        one = jnp.ones((LANES,), F32)

        def fill(i, _):
            ones_v[i, pl.ds(0, LANES)] = one
            return 0

        lax.fori_loop(0, CH, fill, 0)
        plsc.subcore_barrier()

        def step(j, _):
            pltpu.sync_copy(ones_v, acc_sh.at[dst_v.at[j]], add=True)
            return 0

        lax.fori_loop(0, nch, step, 0)
        plsc.subcore_barrier()
        for k in range(rpt // CH):
            pltpu.sync_copy(acc_sh.at[pl.ds(s * rpt + k * CH, CH)],
                            out_hbm.at[c, pl.ds(s * rpt + k * CH, CH)])

    return pl.kernel(
        body,
        out_type=jax.ShapeDtypeStruct((NC, n_pad, LANES), F32),
        mesh=plsc.VectorSubcoreMesh(**_MESH),
        compiler_params=pltpu.CompilerParams(use_tc_tiling_on_sc=False),
        scratch_types=[
            pltpu.VMEM((nch, ch), I32),
            pltpu.VMEM((CH, LANES), F32),
            pltpu.VMEM_SHARED((n_pad, LANES), F32),
        ],
    )(e3)


def _sc_scatter(table, e3):
    n_pad, h = table.shape
    _, nw, nch, ch = e3.shape
    rpt = n_pad // NS

    def body(tab_hbm, e_hbm, out_hbm, src_v, dst_v, rows_v, acc_sh,
             tab_sh, sem, gsem, ssem):
        c = lax.axis_index("c")
        s = lax.axis_index("s")
        w = s * NC + c
        pltpu.async_copy(e_hbm.at[0, w], src_v, sem)
        pltpu.async_copy(e_hbm.at[1, w], dst_v, sem)
        pltpu.async_copy(tab_hbm.at[pl.ds(s * rpt, rpt)],
                         tab_sh.at[pl.ds(s * rpt, rpt)], sem)
        _zero_fill(rows_v.at[0])
        for k in range(rpt // CH):
            pltpu.sync_copy(rows_v.at[0], acc_sh.at[pl.ds(s * rpt + k * CH, CH)])
        pltpu.make_async_copy(e_hbm.at[0, w], src_v, sem).wait()
        pltpu.make_async_copy(e_hbm.at[1, w], dst_v, sem).wait()
        pltpu.make_async_copy(tab_hbm.at[pl.ds(s * rpt, rpt)],
                              tab_sh.at[pl.ds(s * rpt, rpt)], sem).wait()
        plsc.subcore_barrier()

        for p in range(3):
            pltpu.async_copy(tab_sh.at[src_v.at[p]], rows_v.at[p], gsem.at[p])

        def step(j, _):
            b = lax.rem(j, 3)
            pltpu.make_async_copy(tab_sh.at[src_v.at[j]], rows_v.at[b],
                                  gsem.at[b]).wait()
            pltpu.async_copy(rows_v.at[b], acc_sh.at[dst_v.at[j]], ssem.at[b],
                             add=True)

            @pl.when(j + 3 < nch)
            def _():
                pltpu.make_async_copy(rows_v.at[b], acc_sh.at[dst_v.at[j]],
                                      ssem.at[b]).wait()
                pltpu.async_copy(tab_sh.at[src_v.at[j + 3]], rows_v.at[b],
                                 gsem.at[b])

            return 0

        lax.fori_loop(0, nch, step, 0)
        for p in range(3):
            j = nch - 3 + p
            b = j % 3
            pltpu.make_async_copy(rows_v.at[b], acc_sh.at[dst_v.at[j]],
                                  ssem.at[b]).wait()
        plsc.subcore_barrier()
        for k in range(rpt // CH):
            pltpu.async_copy(acc_sh.at[pl.ds(s * rpt + k * CH, CH)],
                             out_hbm.at[c, pl.ds(s * rpt + k * CH, CH)], sem)
        for k in range(rpt // CH):
            pltpu.make_async_copy(acc_sh.at[pl.ds(s * rpt + k * CH, CH)],
                                  out_hbm.at[c, pl.ds(s * rpt + k * CH, CH)],
                                  sem).wait()

    return pl.kernel(
        body,
        out_type=jax.ShapeDtypeStruct((NC, n_pad, h), F32),
        mesh=plsc.VectorSubcoreMesh(**_MESH),
        compiler_params=pltpu.CompilerParams(use_tc_tiling_on_sc=False),
        scratch_types=[
            pltpu.VMEM((nch, ch), I32),
            pltpu.VMEM((nch, ch), I32),
            pltpu.VMEM((3, CH, h), F32),
            pltpu.VMEM_SHARED((n_pad, h), F32),
            pltpu.VMEM_SHARED((n_pad, h), F32),
            pltpu.SemaphoreType.DMA,
            pltpu.SemaphoreType.DMA((3,)),
            pltpu.SemaphoreType.DMA((3,)),
        ],
    )(table, e3)


def _tc_k1(x, w1t, degp, n_pad):
    d = x.shape[1]
    h = w1t.shape[1]
    grid = (n_pad // RB,)

    def body(x_ref, w_ref, dg_ref, hp1s_ref, dinv_ref):
        dg = dg_ref[...]
        deg = dg[0, :, 0:1] + dg[1, :, 0:1] + 1.0
        dinv = lax.rsqrt(deg)
        hp1 = jnp.dot(x_ref[...], w_ref[...], preferred_element_type=F32)
        hp1s_ref[...] = hp1 * dinv
        dinv_ref[...] = dinv

    return pl.pallas_call(
        body,
        grid=grid,
        in_specs=[
            pl.BlockSpec((RB, d), lambda i: (i, 0)),
            pl.BlockSpec((d, h), lambda i: (0, 0)),
            pl.BlockSpec((NC, RB, LANES), lambda i: (0, i, 0)),
        ],
        out_specs=[
            pl.BlockSpec((RB, h), lambda i: (i, 0)),
            pl.BlockSpec((RB, 1), lambda i: (i, 0)),
        ],
        out_shape=[
            jax.ShapeDtypeStruct((n_pad, h), F32),
            jax.ShapeDtypeStruct((n_pad, 1), F32),
        ],
    )(x, w1t, degp)


def _tc_k2(s1, hp1s, dinv, b1, g1, be1, rm1, rv1, w2t):
    n_pad, h = hp1s.shape
    grid = (n_pad // RB,)

    def body(s_ref, hp_ref, dv_ref, b_ref, g_ref, be_ref, rm_ref, rv_ref,
             w_ref, out_ref):
        s = s_ref[...]
        dinv = dv_ref[...]
        conv = dinv * (s[0] + s[1] + hp_ref[...]) + b_ref[...]
        scale = g_ref[...] * lax.rsqrt(rv_ref[...] + 1e-5)
        hh = jnp.maximum((conv - rm_ref[...]) * scale + be_ref[...], 0.0)
        hp2 = jnp.dot(hh, w_ref[...], preferred_element_type=F32)
        out_ref[...] = hp2 * dinv

    vec = lambda: pl.BlockSpec((1, h), lambda i: (0, 0))
    return pl.pallas_call(
        body,
        grid=grid,
        in_specs=[
            pl.BlockSpec((NC, RB, h), lambda i: (0, i, 0)),
            pl.BlockSpec((RB, h), lambda i: (i, 0)),
            pl.BlockSpec((RB, 1), lambda i: (i, 0)),
            vec(), vec(), vec(), vec(), vec(),
            pl.BlockSpec((h, h), lambda i: (0, 0)),
        ],
        out_specs=pl.BlockSpec((RB, h), lambda i: (i, 0)),
        out_shape=jax.ShapeDtypeStruct((n_pad, h), F32),
    )(s1, hp1s, dinv, b1, g1, be1, rm1, rv1, w2t)


def _tc_k3(s2, hp2s, dinv, b2, g2, be2, rm2, rv2, fc1t, fc1b, fc2t, fc2b, n):
    n_pad, h = hp2s.shape
    h2 = fc1t.shape[1]
    grid = (n_pad // RB,)

    def body(s_ref, hp_ref, dv_ref, b_ref, g_ref, be_ref, rm_ref, rv_ref,
             f1_ref, f1b_ref, f2_ref, f2b_ref, out_ref):
        s = s_ref[...]
        dinv = dv_ref[...]
        conv = dinv * (s[0] + s[1] + hp_ref[...]) + b_ref[...]
        scale = g_ref[...] * lax.rsqrt(rv_ref[...] + 1e-5)
        hh = jnp.maximum((conv - rm_ref[...]) * scale + be_ref[...], 0.0)
        hh = jnp.maximum(
            jnp.dot(hh, f1_ref[...], preferred_element_type=F32) + f1b_ref[...],
            0.0)
        out_ref[...] = (jnp.dot(hh, f2_ref[...], preferred_element_type=F32)
                        + f2b_ref[...])

    vec = lambda k: pl.BlockSpec((1, k), lambda i: (0, 0))
    return pl.pallas_call(
        body,
        grid=grid,
        in_specs=[
            pl.BlockSpec((NC, RB, h), lambda i: (0, i, 0)),
            pl.BlockSpec((RB, h), lambda i: (i, 0)),
            pl.BlockSpec((RB, 1), lambda i: (i, 0)),
            vec(h), vec(h), vec(h), vec(h), vec(h),
            pl.BlockSpec((h, h2), lambda i: (0, 0)),
            vec(h2),
            pl.BlockSpec((h2, 1), lambda i: (0, 0)),
            vec(1),
        ],
        out_specs=pl.BlockSpec((RB, 1), lambda i: (i, 0)),
        out_shape=jax.ShapeDtypeStruct((n, 1), F32),
    )(s2, hp2s, dinv, b2, g2, be2, rm2, rv2, fc1t, fc1b, fc2t, fc2b)


def kernel(x, edge_index, W1, b1, W2, b2, g1, be1, rm1, rv1, g2, be2, rm2,
           rv2, fc1_w, fc1_b, fc2_w, fc2_b):
    n, d = x.shape
    e = edge_index.shape[1]

    n_pad = _pad_to(n + 1, NS * CH)
    e_pad = _pad_to(e, NW * CH)
    nch = e_pad // (NW * CH)

    e3 = jnp.pad(edge_index.astype(I32), ((0, 0), (0, e_pad - e)),
                 constant_values=n).reshape(2, NW, nch, CH)

    row = lambda v: v.reshape(1, -1)

    degp = _sc_degree(e3, n_pad)
    hp1s, dinv = _tc_k1(x, W1.T, degp, n_pad)
    s1 = _sc_scatter(hp1s, e3)
    hp2s = _tc_k2(s1, hp1s, dinv, row(b1), row(g1), row(be1), row(rm1),
                  row(rv1), W2.T)
    s2 = _sc_scatter(hp2s, e3)
    return _tc_k3(s2, hp2s, dinv, row(b2), row(g2), row(be2), row(rm2),
                  row(rv2), fc1_w.T, row(fc1_b), fc2_w.T, row(fc2_b), n)

# --- scband reference (transcript-rebuilt; emitter-appended) ---
"""Pipeline reference for scband-stock-gnn-80229989089422 (READ-ONLY COPY).

The authoritative reference and input builder live on the scoring server;
editing this copy changes nothing except your own understanding.
"""

import jax, jax.numpy as jnp
import numpy as np

N = 10000
E = 320000
D = 128
H = 64


def setup_inputs(seed: int = 0) -> dict:
    key = jax.random.key(seed)
    ks = jax.random.split(key, 8)
    x = jax.random.normal(ks[0], (N, D), dtype=jnp.float32)
    edge_index = jax.random.randint(ks[1], (2, E), 0, N, dtype=jnp.int32)
    W1 = jax.random.normal(ks[2], (H, D), dtype=jnp.float32) * 0.05
    b1 = jnp.zeros((H,), jnp.float32)
    W2 = jax.random.normal(ks[3], (H, H), dtype=jnp.float32) * 0.05
    b2 = jnp.zeros((H,), jnp.float32)
    g1 = jnp.ones((H,), jnp.float32); be1 = jnp.zeros((H,), jnp.float32)
    rm1 = jnp.zeros((H,), jnp.float32); rv1 = jnp.ones((H,), jnp.float32)
    g2 = jnp.ones((H,), jnp.float32); be2 = jnp.zeros((H,), jnp.float32)
    rm2 = jnp.zeros((H,), jnp.float32); rv2 = jnp.ones((H,), jnp.float32)
    fc1_w = jax.random.normal(ks[4], (H // 2, H), dtype=jnp.float32) * 0.05
    fc1_b = jnp.zeros((H // 2,), jnp.float32)
    fc2_w = jax.random.normal(ks[5], (1, H // 2), dtype=jnp.float32) * 0.05
    fc2_b = jnp.zeros((1,), jnp.float32)
    return {"x": x, "edge_index": edge_index, "W1": W1, "b1": b1, "W2": W2, "b2": b2,
            "g1": g1, "be1": be1, "rm1": rm1, "rv1": rv1,
            "g2": g2, "be2": be2, "rm2": rm2, "rv2": rv2,
            "fc1_w": fc1_w, "fc1_b": fc1_b, "fc2_w": fc2_w, "fc2_b": fc2_b}


def reference(x, edge_index, W1, b1, W2, b2, g1, be1, rm1, rv1, g2, be2, rm2, rv2, fc1_w, fc1_b, fc2_w, fc2_b):
    n = x.shape[0]
    loop = jnp.arange(n, dtype=edge_index.dtype)
    src = jnp.concatenate([edge_index[0], loop])
    dst = jnp.concatenate([edge_index[1], loop])
    # GCN symmetric normalization with self-loops (PyG GCNConv default)
    deg = jnp.zeros((n,), x.dtype).at[dst].add(1.0)
    dinv = jax.lax.rsqrt(jnp.maximum(deg, 1.0))
    norm = dinv[src] * dinv[dst]

    def conv(h, W, b):
        h = h @ W.T
        msg = jnp.take(h, src, axis=0) * norm[:, None]
        agg = jnp.zeros((n, h.shape[1]), h.dtype).at[dst].add(msg)
        return agg + b

    def bn(h, g, be, rm, rv):
        return (h - rm) * (g * jax.lax.rsqrt(rv + 1e-5)) + be

    h = jax.nn.relu(bn(conv(x, W1, b1), g1, be1, rm1, rv1))
    h = jax.nn.relu(bn(conv(h, W2, b2), g2, be2, rm2, rv2))
    h = jax.nn.relu(h @ fc1_w.T + fc1_b)
    out = h @ fc2_w.T + fc2_b
    return out

if __name__ == "__main__":
    import jax
    _d = setup_inputs()
    print(jax.jit(kernel)(*tuple(_d.values())))

</pallas_src>

<mosaic_0001>
#map = affine_map<(d0, d1) -> (0, 0)>
#map1 = affine_map<(d0, d1) -> (0, 0, 0, 0)>
#map2 = affine_map<(d0, d1) -> (0, 0, 0)>
module attributes {stable_mosaic.version = 14 : i64} {
  func.func @body(%arg0: i32, %arg1: i32, %arg2: memref<10240x64xf32, #tpu.memory_space<hbm>>, %arg3: memref<2x32x79x128xi32, #tpu.memory_space<hbm>>, %arg4: memref<2x10240x64xf32, #tpu.memory_space<hbm>>, %arg5: memref<79x128xi32, #tpu.memory_space<vmem>>, %arg6: memref<79x128xi32, #tpu.memory_space<vmem>>, %arg7: memref<3x128x64xf32, #tpu.memory_space<vmem>>, %arg8: memref<10240x64xf32, #tpu.memory_space<vmem_shared>>, %arg9: memref<10240x64xf32, #tpu.memory_space<vmem_shared>>, %arg10: memref<!tpu.dma_semaphore, #tpu.memory_space<semaphore_mem>>, %arg11: memref<3x!tpu.dma_semaphore, #tpu.memory_space<semaphore_mem>>, %arg12: memref<3x!tpu.dma_semaphore, #tpu.memory_space<semaphore_mem>>) attributes {dimension_semantics = [#tpu.dimension_semantics<core_parallel>, #tpu.dimension_semantics<subcore_parallel>], iteration_bounds = array<i64: 2, 16>, scalar_prefetch = 0 : i64, scratch_operands = 8 : i64, tpu.core_type = #tpu.core_type<sc_vector_subcore>, window_params = [{transform_indices = #map}, {transform_indices = #map1}, {transform_indices = #map2}]} {
    %mul3A = arith.constant 2 : i32
    %mul3A_0 = arith.muli %arg1, %mul3A : i32
    %add3A = arith.addi %mul3A_0, %arg0 : i32
    %dma_start3A = arith.constant 0 : i32
    %dma_start3A_1 = arith.constant 0 : i32
    %dma_start3A_2 = arith.constant 0 : i32
    %dma_start3A_3 = tpu.memref_slice %arg3[%dma_start3A, %add3A, %dma_start3A_1, %dma_start3A_2] : memref<2x32x79x128xi32, #tpu.memory_space<hbm>> -> memref<1x1x79x128xi32, #tpu.memory_space<hbm>>
    %dma_start3A_4 = tpu.memref_squeeze %dma_start3A_3 : memref<1x1x79x128xi32, #tpu.memory_space<hbm>> -> memref<79x128xi32, #tpu.memory_space<hbm>>
    %dma_start3A_5 = arith.constant 0 : i32
    %dma_start3A_6 = arith.constant 0 : i32
    %dma_start3A_7 = tpu.memref_slice %arg3[%dma_start3A, %add3A, %dma_start3A_5, %dma_start3A_6] : memref<2x32x79x128xi32, #tpu.memory_space<hbm>> -> memref<1x1x79x128xi32, #tpu.memory_space<hbm>>
    %dma_start3A_8 = tpu.memref_squeeze %dma_start3A_7 : memref<1x1x79x128xi32, #tpu.memory_space<hbm>> -> memref<79x128xi32, #tpu.memory_space<hbm>>
    tpu.enqueue_dma source(%dma_start3A_8 : memref<79x128xi32, #tpu.memory_space<hbm>>) target(%arg5 : memref<79x128xi32, #tpu.memory_space<vmem>>) target_semaphore(%arg10 : memref<!tpu.dma_semaphore, #tpu.memory_space<semaphore_mem>>)
    %dma_start3A_9 = arith.constant 1 : i32
    %dma_start3A_10 = arith.constant 0 : i32
    %dma_start3A_11 = arith.constant 0 : i32
    %dma_start3A_12 = tpu.memref_slice %arg3[%dma_start3A_9, %add3A, %dma_start3A_10, %dma_start3A_11] : memref<2x32x79x128xi32, #tpu.memory_space<hbm>> -> memref<1x1x79x128xi32, #tpu.memory_space<hbm>>
    %dma_start3A_13 = tpu.memref_squeeze %dma_start3A_12 : memref<1x1x79x128xi32, #tpu.memory_space<hbm>> -> memref<79x128xi32, #tpu.memory_space<hbm>>
    %dma_start3A_14 = arith.constant 0 : i32
    %dma_start3A_15 = arith.constant 0 : i32
    %dma_start3A_16 = tpu.memref_slice %arg3[%dma_start3A_9, %add3A, %dma_start3A_14, %dma_start3A_15] : memref<2x32x79x128xi32, #tpu.memory_space<hbm>> -> memref<1x1x79x128xi32, #tpu.memory_space<hbm>>
    %dma_start3A_17 = tpu.memref_squeeze %dma_start3A_16 : memref<1x1x79x128xi32, #tpu.memory_space<hbm>> -> memref<79x128xi32, #tpu.memory_space<hbm>>
    tpu.enqueue_dma source(%dma_start3A_17 : memref<79x128xi32, #tpu.memory_space<hbm>>) target(%arg6 : memref<79x128xi32, #tpu.memory_space<vmem>>) target_semaphore(%arg10 : memref<!tpu.dma_semaphore, #tpu.memory_space<semaphore_mem>>)
    %mul3A_18 = arith.constant 640 : i32
    %mul3A_19 = arith.muli %arg1, %mul3A_18 : i32
    %mul3A_20 = arith.constant 640 : i32
    %mul3A_21 = arith.muli %arg1, %mul3A_20 : i32
    %dma_start3A_22 = arith.constant 0 : i32
    %dma_start3A_23 = tpu.memref_slice %arg9[%mul3A_21, %dma_start3A_22] : memref<10240x64xf32, #tpu.memory_space<vmem_shared>> -> memref<640x64xf32, #tpu.memory_space<vmem_shared>>
    %dma_start3A_24 = arith.constant 0 : i32
    %dma_start3A_25 = tpu.memref_slice %arg2[%mul3A_19, %dma_start3A_24] : memref<10240x64xf32, #tpu.memory_space<hbm>> -> memref<640x64xf32, #tpu.memory_space<hbm>>
    tpu.enqueue_dma source(%dma_start3A_25 : memref<640x64xf32, #tpu.memory_space<hbm>>) target(%dma_start3A_23 : memref<640x64xf32, #tpu.memory_space<vmem_shared>>) target_semaphore(%arg10 : memref<!tpu.dma_semaphore, #tpu.memory_space<semaphore_mem>>)
    %broadcast_in_dim3A = arith.constant 0.000000e+00 : f32
    %broadcast_in_dim3A_26 = vector.broadcast %broadcast_in_dim3A : f32 to vector<16xf32>
    %scan3A = arith.constant 0 : i32
    %scan3A_27 = arith.constant 0 : i32
    %scan3A_28 = arith.constant 0 : i32
    %scan3A_29 = arith.constant 512 : i32
    %scan3A_30 = arith.addi %scan3A_28, %scan3A_29 : i32
    %scan3A_31 = arith.constant 1 : i32
    %scan3A_32 = scf.for %scan3A_311 = %scan3A_28 to %scan3A_30 step %scan3A_31 iter_args(%scan3A_312 = %scan3A_27) -> (i32)  : i32 {
      %jit3A = arith.constant 4 : i32
      %div3A = arith.divsi %scan3A_311, %jit3A : i32
      %sign3A = arith.constant 0 : i32
      %sign3A_313 = arith.cmpi sgt, %scan3A_311, %sign3A : i32
      %sign3A_314 = arith.extui %sign3A_313 : i1 to i32
      %sign3A_315 = arith.constant 0 : i32
      %sign3A_316 = arith.cmpi slt, %scan3A_311, %sign3A_315 : i32
      %sign3A_317 = arith.extui %sign3A_316 : i1 to i32
      %sign3A_318 = arith.subi %sign3A_314, %sign3A_317 : i32
      %sign3A_319 = arith.constant 0 : i32
      %sign3A_320 = arith.cmpi sgt, %jit3A, %sign3A_319 : i32
      %sign3A_321 = arith.extui %sign3A_320 : i1 to i32
      %sign3A_322 = arith.constant 0 : i32
      %sign3A_323 = arith.cmpi slt, %jit3A, %sign3A_322 : i32
      %sign3A_324 = arith.extui %sign3A_323 : i1 to i32
      %sign3A_325 = arith.subi %sign3A_321, %sign3A_324 : i32
      %ne3A = arith.cmpi ne, %sign3A_318, %sign3A_325 : i32
      %rem3A = arith.remsi %scan3A_311, %jit3A : i32
      %ne3A_326 = arith.constant 0 : i32
      %ne3A_327 = arith.cmpi ne, %rem3A, %ne3A_326 : i32
      %and3A = arith.andi %ne3A, %ne3A_327 : i1
      %sub3A = arith.constant 1 : i32
      %sub3A_328 = arith.subi %div3A, %sub3A : i32
      %select_n3A = arith.select %and3A, %sub3A_328, %div3A : i32
      %rem3A_329 = arith.constant 4 : i32
      %rem3A_330 = arith.remsi %scan3A_311, %rem3A_329 : i32
      %mul3A_331 = arith.constant 16 : i32
      %mul3A_332 = arith.muli %rem3A_330, %mul3A_331 : i32
      %swap3A = arith.constant 0 : i32
      %swap3A_333 = arith.constant 0 : i32
      %swap3A_334 = tpu.memref_slice %arg7[%scan3A, %swap3A, %swap3A_333] : memref<3x128x64xf32, #tpu.memory_space<vmem>> -> memref<1x128x64xf32, #tpu.memory_space<vmem>>
      %swap3A_335 = tpu.memref_squeeze %swap3A_334 : memref<1x128x64xf32, #tpu.memory_space<vmem>> -> memref<128x64xf32, #tpu.memory_space<vmem>>
      %swap3A_336 = arith.index_cast %select_n3A : i32 to index
      %swap3A_337 = arith.index_cast %mul3A_332 : i32 to index
      %swap3A_338 = tpu.vector_load %swap3A_335[%swap3A_336, %swap3A_337] {strides = array<i32>} : memref<128x64xf32, #tpu.memory_space<vmem>>, vector<1x16xf32>,
      %swap3A_339 = vector.shape_cast %swap3A_338 : vector<1x16xf32> to vector<16xf32>
      %swap3A_340 = vector.shape_cast %broadcast_in_dim3A_26 : vector<16xf32> to vector<1x16xf32>
      tpu.vector_store %swap3A_335[%swap3A_336, %swap3A_337], %swap3A_340 {strides = array<i32>} : memref<128x64xf32, #tpu.memory_space<vmem>>, vector<1x16xf32>,
      %scan3A_341 = arith.constant 0 : i32
      scf.yield %scan3A_341 : i32
    }
    %scan3A_33 = arith.constant 512 : i32
    %mul3A_34 = arith.constant 640 : i32
    %mul3A_35 = arith.muli %arg1, %mul3A_34 : i32
    %add3A_36 = arith.constant 0 : i32
    %add3A_37 = arith.addi %mul3A_35, %add3A_36 : i32
    %run_scoped3A = arith.constant 0 : i32
    "tpu.region"() ({
      %run_scoped3A_311 = tpu.sem_alloc : memref<!tpu.dma_semaphore, #tpu.memory_space<semaphore_mem>>
      %dma_start3A_312 = arith.constant 0 : i32
      %dma_start3A_313 = arith.constant 0 : i32
      %dma_start3A_314 = tpu.memref_slice %arg7[%run_scoped3A, %dma_start3A_312, %dma_start3A_313] : memref<3x128x64xf32, #tpu.memory_space<vmem>> -> memref<1x128x64xf32, #tpu.memory_space<vmem>>
      %dma_start3A_315 = tpu.memref_squeeze %dma_start3A_314 : memref<1x128x64xf32, #tpu.memory_space<vmem>> -> memref<128x64xf32, #tpu.memory_space<vmem>>
      %dma_start3A_316 = arith.constant 0 : i32
      %dma_start3A_317 = tpu.memref_slice %arg8[%add3A_37, %dma_start3A_316] : memref<10240x64xf32, #tpu.memory_space<vmem_shared>> -> memref<128x64xf32, #tpu.memory_space<vmem_shared>>
      %dma_start3A_318 = arith.constant 0 : i32
      %dma_start3A_319 = tpu.memref_slice %arg8[%add3A_37, %dma_start3A_318] : memref<10240x64xf32, #tpu.memory_space<vmem_shared>> -> memref<128x64xf32, #tpu.memory_space<vmem_shared>>
      %dma_start3A_320 = arith.constant 0 : i32
      %dma_start3A_321 = arith.constant 0 : i32
      %dma_start3A_322 = tpu.memref_slice %arg7[%run_scoped3A, %dma_start3A_320, %dma_start3A_321] : memref<3x128x64xf32, #tpu.memory_space<vmem>> -> memref<1x128x64xf32, #tpu.memory_space<vmem>>
      %dma_start3A_323 = tpu.memref_squeeze %dma_start3A_322 : memref<1x128x64xf32, #tpu.memory_space<vmem>> -> memref<128x64xf32, #tpu.memory_space<vmem>>
      tpu.enqueue_dma source(%dma_start3A_323 : memref<128x64xf32, #tpu.memory_space<vmem>>) target(%dma_start3A_319 : memref<128x64xf32, #tpu.memory_space<vmem_shared>>) target_semaphore(%run_scoped3A_311 : memref<!tpu.dma_semaphore, #tpu.memory_space<semaphore_mem>>)
      %dma_wait3A_324 = arith.constant 0 : i32
      %dma_wait3A_325 = arith.constant 0 : i32
      %dma_wait3A_326 = tpu.memref_slice %arg7[%run_scoped3A, %dma_wait3A_324, %dma_wait3A_325] : memref<3x128x64xf32, #tpu.memory_space<vmem>> -> memref<1x128x64xf32, #tpu.memory_space<vmem>>
      %dma_wait3A_327 = tpu.memref_squeeze %dma_wait3A_326 : memref<1x128x64xf32, #tpu.memory_space<vmem>> -> memref<128x64xf32, #tpu.memory_space<vmem>>
      %dma_wait3A_328 = arith.constant 0 : i32
      %dma_wait3A_329 = tpu.memref_slice %arg8[%add3A_37, %dma_wait3A_328] : memref<10240x64xf32, #tpu.memory_space<vmem_shared>> -> memref<128x64xf32, #tpu.memory_space<vmem_shared>>
      %dma_wait3A_330 = arith.constant 0 : i32
      %dma_wait3A_331 = tpu.memref_slice %arg8[%add3A_37, %dma_wait3A_330] : memref<10240x64xf32, #tpu.memory_space<vmem_shared>> -> memref<128x64xf32, #tpu.memory_space<vmem_shared>>
      %dma_wait3A_332 = arith.constant 0 : i32
      %dma_wait3A_333 = arith.constant 0 : i32
      %dma_wait3A_334 = tpu.memref_slice %arg7[%run_scoped3A, %dma_wait3A_332, %dma_wait3A_333] : memref<3x128x64xf32, #tpu.memory_space<vmem>> -> memref<1x128x64xf32, #tpu.memory_space<vmem>>
      %dma_wait3A_335 = tpu.memref_squeeze %dma_wait3A_334 : memref<1x128x64xf32, #tpu.memory_space<vmem>> -> memref<128x64xf32, #tpu.memory_space<vmem>>
      tpu.wait_dma2 semaphore(%run_scoped3A_311 : memref<!tpu.dma_semaphore, #tpu.memory_space<semaphore_mem>>) src(%dma_wait3A_335 : memref<128x64xf32, #tpu.memory_space<vmem>>) dst(%dma_wait3A_331 : memref<128x64xf32, #tpu.memory_space<vmem_shared>>)
      tpu.yield
    }) : () -> ()
    %mul3A_38 = arith.constant 640 : i32
    %mul3A_39 = arith.muli %arg1, %mul3A_38 : i32
    %add3A_40 = arith.constant 128 : i32
    %add3A_41 = arith.addi %mul3A_39, %add3A_40 : i32
    %run_scoped3A_42 = arith.constant 0 : i32
    "tpu.region"() ({
      %run_scoped3A_311 = tpu.sem_alloc : memref<!tpu.dma_semaphore, #tpu.memory_space<semaphore_mem>>
      %dma_start3A_312 = arith.constant 0 : i32
      %dma_start3A_313 = arith.constant 0 : i32
      %dma_start3A_314 = tpu.memref_slice %arg7[%run_scoped3A_42, %dma_start3A_312, %dma_start3A_313] : memref<3x128x64xf32, #tpu.memory_space<vmem>> -> memref<1x128x64xf32, #tpu.memory_space<vmem>>
      %dma_start3A_315 = tpu.memref_squeeze %dma_start3A_314 : memref<1x128x64xf32, #tpu.memory_space<vmem>> -> memref<128x64xf32, #tpu.memory_space<vmem>>
      %dma_start3A_316 = arith.constant 0 : i32
      %dma_start3A_317 = tpu.memref_slice %arg8[%add3A_41, %dma_start3A_316] : memref<10240x64xf32, #tpu.memory_space<vmem_shared>> -> memref<128x64xf32, #tpu.memory_space<vmem_shared>>
      %dma_start3A_318 = arith.constant 0 : i32
      %dma_start3A_319 = tpu.memref_slice %arg8[%add3A_41, %dma_start3A_318] : memref<10240x64xf32, #tpu.memory_space<vmem_shared>> -> memref<128x64xf32, #tpu.memory_space<vmem_shared>>
      %dma_start3A_320 = arith.constant 0 : i32
      %dma_start3A_321 = arith.constant 0 : i32
      %dma_start3A_322 = tpu.memref_slice %arg7[%run_scoped3A_42, %dma_start3A_320, %dma_start3A_321] : memref<3x128x64xf32, #tpu.memory_space<vmem>> -> memref<1x128x64xf32, #tpu.memory_space<vmem>>
      %dma_start3A_323 = tpu.memref_squeeze %dma_start3A_322 : memref<1x128x64xf32, #tpu.memory_space<vmem>> -> memref<128x64xf32, #tpu.memory_space<vmem>>
      tpu.enqueue_dma source(%dma_start3A_323 : memref<128x64xf32, #tpu.memory_space<vmem>>) target(%dma_start3A_319 : memref<128x64xf32, #tpu.memory_space<vmem_shared>>) target_semaphore(%run_scoped3A_311 : memref<!tpu.dma_semaphore, #tpu.memory_space<semaphore_mem>>)
      %dma_wait3A_324 = arith.constant 0 : i32
      %dma_wait3A_325 = arith.constant 0 : i32
      %dma_wait3A_326 = tpu.memref_slice %arg7[%run_scoped3A_42, %dma_wait3A_324, %dma_wait3A_325] : memref<3x128x64xf32, #tpu.memory_space<vmem>> -> memref<1x128x64xf32, #tpu.memory_space<vmem>>
      %dma_wait3A_327 = tpu.memref_squeeze %dma_wait3A_326 : memref<1x128x64xf32, #tpu.memory_space<vmem>> -> memref<128x64xf32, #tpu.memory_space<vmem>>
      %dma_wait3A_328 = arith.constant 0 : i32
      %dma_wait3A_329 = tpu.memref_slice %arg8[%add3A_41, %dma_wait3A_328] : memref<10240x64xf32, #tpu.memory_space<vmem_shared>> -> memref<128x64xf32, #tpu.memory_space<vmem_shared>>
      %dma_wait3A_330 = arith.constant 0 : i32
      %dma_wait3A_331 = tpu.memref_slice %arg8[%add3A_41, %dma_wait3A_330] : memref<10240x64xf32, #tpu.memory_space<vmem_shared>> -> memref<128x64xf32, #tpu.memory_space<vmem_shared>>
      %dma_wait3A_332 = arith.constant 0 : i32
      %dma_wait3A_333 = arith.constant 0 : i32
      %dma_wait3A_334 = tpu.memref_slice %arg7[%run_scoped3A_42, %dma_wait3A_332, %dma_wait3A_333] : memref<3x128x64xf32, #tpu.memory_space<vmem>> -> memref<1x128x64xf32, #tpu.memory_space<vmem>>
      %dma_wait3A_335 = tpu.memref_squeeze %dma_wait3A_334 : memref<1x128x64xf32, #tpu.memory_space<vmem>> -> memref<128x64xf32, #tpu.memory_space<vmem>>
      tpu.wait_dma2 semaphore(%run_scoped3A_311 : memref<!tpu.dma_semaphore, #tpu.memory_space<semaphore_mem>>) src(%dma_wait3A_335 : memref<128x64xf32, #tpu.memory_space<vmem>>) dst(%dma_wait3A_331 : memref<128x64xf32, #tpu.memory_space<vmem_shared>>)
      tpu.yield
    }) : () -> ()
    %mul3A_43 = arith.constant 640 : i32
    %mul3A_44 = arith.muli %arg1, %mul3A_43 : i32
    %add3A_45 = arith.constant 256 : i32
    %add3A_46 = arith.addi %mul3A_44, %add3A_45 : i32
    %run_scoped3A_47 = arith.constant 0 : i32
    "tpu.region"() ({
      %run_scoped3A_311 = tpu.sem_alloc : memref<!tpu.dma_semaphore, #tpu.memory_space<semaphore_mem>>
      %dma_start3A_312 = arith.constant 0 : i32
      %dma_start3A_313 = arith.constant 0 : i32
      %dma_start3A_314 = tpu.memref_slice %arg7[%run_scoped3A_47, %dma_start3A_312, %dma_start3A_313] : memref<3x128x64xf32, #tpu.memory_space<vmem>> -> memref<1x128x64xf32, #tpu.memory_space<vmem>>
      %dma_start3A_315 = tpu.memref_squeeze %dma_start3A_314 : memref<1x128x64xf32, #tpu.memory_space<vmem>> -> memref<128x64xf32, #tpu.memory_space<vmem>>
      %dma_start3A_316 = arith.constant 0 : i32
      %dma_start3A_317 = tpu.memref_slice %arg8[%add3A_46, %dma_start3A_316] : memref<10240x64xf32, #tpu.memory_space<vmem_shared>> -> memref<128x64xf32, #tpu.memory_space<vmem_shared>>
      %dma_start3A_318 = arith.constant 0 : i32
      %dma_start3A_319 = tpu.memref_slice %arg8[%add3A_46, %dma_start3A_318] : memref<10240x64xf32, #tpu.memory_space<vmem_shared>> -> memref<128x64xf32, #tpu.memory_space<vmem_shared>>
      %dma_start3A_320 = arith.constant 0 : i32
      %dma_start3A_321 = arith.constant 0 : i32
      %dma_start3A_322 = tpu.memref_slice %arg7[%run_scoped3A_47, %dma_start3A_320, %dma_start3A_321] : memref<3x128x64xf32, #tpu.memory_space<vmem>> -> memref<1x128x64xf32, #tpu.memory_space<vmem>>
      %dma_start3A_323 = tpu.memref_squeeze %dma_start3A_322 : memref<1x128x64xf32, #tpu.memory_space<vmem>> -> memref<128x64xf32, #tpu.memory_space<vmem>>
      tpu.enqueue_dma source(%dma_start3A_323 : memref<128x64xf32, #tpu.memory_space<vmem>>) target(%dma_start3A_319 : memref<128x64xf32, #tpu.memory_space<vmem_shared>>) target_semaphore(%run_scoped3A_311 : memref<!tpu.dma_semaphore, #tpu.memory_space<semaphore_mem>>)
      %dma_wait3A_324 = arith.constant 0 : i32
      %dma_wait3A_325 = arith.constant 0 : i32
      %dma_wait3A_326 = tpu.memref_slice %arg7[%run_scoped3A_47, %dma_wait3A_324, %dma_wait3A_325] : memref<3x128x64xf32, #tpu.memory_space<vmem>> -> memref<1x128x64xf32, #tpu.memory_space<vmem>>
      %dma_wait3A_327 = tpu.memref_squeeze %dma_wait3A_326 : memref<1x128x64xf32, #tpu.memory_space<vmem>> -> memref<128x64xf32, #tpu.memory_space<vmem>>
      %dma_wait3A_328 = arith.constant 0 : i32
      %dma_wait3A_329 = tpu.memref_slice %arg8[%add3A_46, %dma_wait3A_328] : memref<10240x64xf32, #tpu.memory_space<vmem_shared>> -> memref<128x64xf32, #tpu.memory_space<vmem_shared>>
      %dma_wait3A_330 = arith.constant 0 : i32
      %dma_wait3A_331 = tpu.memref_slice %arg8[%add3A_46, %dma_wait3A_330] : memref<10240x64xf32, #tpu.memory_space<vmem_shared>> -> memref<128x64xf32, #tpu.memory_space<vmem_shared>>
      %dma_wait3A_332 = arith.constant 0 : i32
      %dma_wait3A_333 = arith.constant 0 : i32
      %dma_wait3A_334 = tpu.memref_slice %arg7[%run_scoped3A_47, %dma_wait3A_332, %dma_wait3A_333] : memref<3x128x64xf32, #tpu.memory_space<vmem>> -> memref<1x128x64xf32, #tpu.memory_space<vmem>>
      %dma_wait3A_335 = tpu.memref_squeeze %dma_wait3A_334 : memref<1x128x64xf32, #tpu.memory_space<vmem>> -> memref<128x64xf32, #tpu.memory_space<vmem>>
      tpu.wait_dma2 semaphore(%run_scoped3A_311 : memref<!tpu.dma_semaphore, #tpu.memory_space<semaphore_mem>>) src(%dma_wait3A_335 : memref<128x64xf32, #tpu.memory_space<vmem>>) dst(%dma_wait3A_331 : memref<128x64xf32, #tpu.memory_space<vmem_shared>>)
      tpu.yield
    }) : () -> ()
    %mul3A_48 = arith.constant 640 : i32
    %mul3A_49 = arith.muli %arg1, %mul3A_48 : i32
    %add3A_50 = arith.constant 384 : i32
    %add3A_51 = arith.addi %mul3A_49, %add3A_50 : i32
    %run_scoped3A_52 = arith.constant 0 : i32
    "tpu.region"() ({
      %run_scoped3A_311 = tpu.sem_alloc : memref<!tpu.dma_semaphore, #tpu.memory_space<semaphore_mem>>
      %dma_start3A_312 = arith.constant 0 : i32
      %dma_start3A_313 = arith.constant 0 : i32
      %dma_start3A_314 = tpu.memref_slice %arg7[%run_scoped3A_52, %dma_start3A_312, %dma_start3A_313] : memref<3x128x64xf32, #tpu.memory_space<vmem>> -> memref<1x128x64xf32, #tpu.memory_space<vmem>>
      %dma_start3A_315 = tpu.memref_squeeze %dma_start3A_314 : memref<1x128x64xf32, #tpu.memory_space<vmem>> -> memref<128x64xf32, #tpu.memory_space<vmem>>
      %dma_start3A_316 = arith.constant 0 : i32
      %dma_start3A_317 = tpu.memref_slice %arg8[%add3A_51, %dma_start3A_316] : memref<10240x64xf32, #tpu.memory_space<vmem_shared>> -> memref<128x64xf32, #tpu.memory_space<vmem_shared>>
      %dma_start3A_318 = arith.constant 0 : i32
      %dma_start3A_319 = tpu.memref_slice %arg8[%add3A_51, %dma_start3A_318] : memref<10240x64xf32, #tpu.memory_space<vmem_shared>> -> memref<128x64xf32, #tpu.memory_space<vmem_shared>>
      %dma_start3A_320 = arith.constant 0 : i32
      %dma_start3A_321 = arith.constant 0 : i32
      %dma_start3A_322 = tpu.memref_slice %arg7[%run_scoped3A_52, %dma_start3A_320, %dma_start3A_321] : memref<3x128x64xf32, #tpu.memory_space<vmem>> -> memref<1x128x64xf32, #tpu.memory_space<vmem>>
      %dma_start3A_323 = tpu.memref_squeeze %dma_start3A_322 : memref<1x128x64xf32, #tpu.memory_space<vmem>> -> memref<128x64xf32, #tpu.memory_space<vmem>>
      tpu.enqueue_dma source(%dma_start3A_323 : memref<128x64xf32, #tpu.memory_space<vmem>>) target(%dma_start3A_319 : memref<128x64xf32, #tpu.memory_space<vmem_shared>>) target_semaphore(%run_scoped3A_311 : memref<!tpu.dma_semaphore, #tpu.memory_space<semaphore_mem>>)
      %dma_wait3A_324 = arith.constant 0 : i32
      %dma_wait3A_325 = arith.constant 0 : i32
      %dma_wait3A_326 = tpu.memref_slice %arg7[%run_scoped3A_52, %dma_wait3A_324, %dma_wait3A_325] : memref<3x128x64xf32, #tpu.memory_space<vmem>> -> memref<1x128x64xf32, #tpu.memory_space<vmem>>
      %dma_wait3A_327 = tpu.memref_squeeze %dma_wait3A_326 : memref<1x128x64xf32, #tpu.memory_space<vmem>> -> memref<128x64xf32, #tpu.memory_space<vmem>>
      %dma_wait3A_328 = arith.constant 0 : i32
      %dma_wait3A_329 = tpu.memref_slice %arg8[%add3A_51, %dma_wait3A_328] : memref<10240x64xf32, #tpu.memory_space<vmem_shared>> -> memref<128x64xf32, #tpu.memory_space<vmem_shared>>
      %dma_wait3A_330 = arith.constant 0 : i32
      %dma_wait3A_331 = tpu.memref_slice %arg8[%add3A_51, %dma_wait3A_330] : memref<10240x64xf32, #tpu.memory_space<vmem_shared>> -> memref<128x64xf32, #tpu.memory_space<vmem_shared>>
      %dma_wait3A_332 = arith.constant 0 : i32
      %dma_wait3A_333 = arith.constant 0 : i32
      %dma_wait3A_334 = tpu.memref_slice %arg7[%run_scoped3A_52, %dma_wait3A_332, %dma_wait3A_333] : memref<3x128x64xf32, #tpu.memory_space<vmem>> -> memref<1x128x64xf32, #tpu.memory_space<vmem>>
      %dma_wait3A_335 = tpu.memref_squeeze %dma_wait3A_334 : memref<1x128x64xf32, #tpu.memory_space<vmem>> -> memref<128x64xf32, #tpu.memory_space<vmem>>
      tpu.wait_dma2 semaphore(%run_scoped3A_311 : memref<!tpu.dma_semaphore, #tpu.memory_space<semaphore_mem>>) src(%dma_wait3A_335 : memref<128x64xf32, #tpu.memory_space<vmem>>) dst(%dma_wait3A_331 : memref<128x64xf32, #tpu.memory_space<vmem_shared>>)
      tpu.yield
    }) : () -> ()
    %mul3A_53 = arith.constant 640 : i32
    %mul3A_54 = arith.muli %arg1, %mul3A_53 : i32
    %add3A_55 = arith.constant 512 : i32
    %add3A_56 = arith.addi %mul3A_54, %add3A_55 : i32
    %run_scoped3A_57 = arith.constant 0 : i32
    "tpu.region"() ({
      %run_scoped3A_311 = tpu.sem_alloc : memref<!tpu.dma_semaphore, #tpu.memory_space<semaphore_mem>>
      %dma_start3A_312 = arith.constant 0 : i32
      %dma_start3A_313 = arith.constant 0 : i32
      %dma_start3A_314 = tpu.memref_slice %arg7[%run_scoped3A_57, %dma_start3A_312, %dma_start3A_313] : memref<3x128x64xf32, #tpu.memory_space<vmem>> -> memref<1x128x64xf32, #tpu.memory_space<vmem>>
      %dma_start3A_315 = tpu.memref_squeeze %dma_start3A_314 : memref<1x128x64xf32, #tpu.memory_space<vmem>> -> memref<128x64xf32, #tpu.memory_space<vmem>>
      %dma_start3A_316 = arith.constant 0 : i32
      %dma_start3A_317 = tpu.memref_slice %arg8[%add3A_56, %dma_start3A_316] : memref<10240x64xf32, #tpu.memory_space<vmem_shared>> -> memref<128x64xf32, #tpu.memory_space<vmem_shared>>
      %dma_start3A_318 = arith.constant 0 : i32
      %dma_start3A_319 = tpu.memref_slice %arg8[%add3A_56, %dma_start3A_318] : memref<10240x64xf32, #tpu.memory_space<vmem_shared>> -> memref<128x64xf32, #tpu.memory_space<vmem_shared>>
      %dma_start3A_320 = arith.constant 0 : i32
      %dma_start3A_321 = arith.constant 0 : i32
      %dma_start3A_322 = tpu.memref_slice %arg7[%run_scoped3A_57, %dma_start3A_320, %dma_start3A_321] : memref<3x128x64xf32, #tpu.memory_space<vmem>> -> memref<1x128x64xf32, #tpu.memory_space<vmem>>
      %dma_start3A_323 = tpu.memref_squeeze %dma_start3A_322 : memref<1x128x64xf32, #tpu.memory_space<vmem>> -> memref<128x64xf32, #tpu.memory_space<vmem>>
      tpu.enqueue_dma source(%dma_start3A_323 : memref<128x64xf32, #tpu.memory_space<vmem>>) target(%dma_start3A_319 : memref<128x64xf32, #tpu.memory_space<vmem_shared>>) target_semaphore(%run_scoped3A_311 : memref<!tpu.dma_semaphore, #tpu.memory_space<semaphore_mem>>)
      %dma_wait3A_324 = arith.constant 0 : i32
      %dma_wait3A_325 = arith.constant 0 : i32
      %dma_wait3A_326 = tpu.memref_slice %arg7[%run_scoped3A_57, %dma_wait3A_324, %dma_wait3A_325] : memref<3x128x64xf32, #tpu.memory_space<vmem>> -> memref<1x128x64xf32, #tpu.memory_space<vmem>>
      %dma_wait3A_327 = tpu.memref_squeeze %dma_wait3A_326 : memref<1x128x64xf32, #tpu.memory_space<vmem>> -> memref<128x64xf32, #tpu.memory_space<vmem>>
      %dma_wait3A_328 = arith.constant 0 : i32
      %dma_wait3A_329 = tpu.memref_slice %arg8[%add3A_56, %dma_wait3A_328] : memref<10240x64xf32, #tpu.memory_space<vmem_shared>> -> memref<128x64xf32, #tpu.memory_space<vmem_shared>>
      %dma_wait3A_330 = arith.constant 0 : i32
      %dma_wait3A_331 = tpu.memref_slice %arg8[%add3A_56, %dma_wait3A_330] : memref<10240x64xf32, #tpu.memory_space<vmem_shared>> -> memref<128x64xf32, #tpu.memory_space<vmem_shared>>
      %dma_wait3A_332 = arith.constant 0 : i32
      %dma_wait3A_333 = arith.constant 0 : i32
      %dma_wait3A_334 = tpu.memref_slice %arg7[%run_scoped3A_57, %dma_wait3A_332, %dma_wait3A_333] : memref<3x128x64xf32, #tpu.memory_space<vmem>> -> memref<1x128x64xf32, #tpu.memory_space<vmem>>
      %dma_wait3A_335 = tpu.memref_squeeze %dma_wait3A_334 : memref<1x128x64xf32, #tpu.memory_space<vmem>> -> memref<128x64xf32, #tpu.memory_space<vmem>>
      tpu.wait_dma2 semaphore(%run_scoped3A_311 : memref<!tpu.dma_semaphore, #tpu.memory_space<semaphore_mem>>) src(%dma_wait3A_335 : memref<128x64xf32, #tpu.memory_space<vmem>>) dst(%dma_wait3A_331 : memref<128x64xf32, #tpu.memory_space<vmem_shared>>)
      tpu.yield
    }) : () -> ()
    %dma_wait3A = arith.constant 0 : i32
    %dma_wait3A_58 = arith.constant 0 : i32
    %dma_wait3A_59 = arith.constant 0 : i32
    %dma_wait3A_60 = tpu.memref_slice %arg3[%dma_wait3A, %add3A, %dma_wait3A_58, %dma_wait3A_59] : memref<2x32x79x128xi32, #tpu.memory_space<hbm>> -> memref<1x1x79x128xi32, #tpu.memory_space<hbm>>
    %dma_wait3A_61 = tpu.memref_squeeze %dma_wait3A_60 : memref<1x1x79x128xi32, #tpu.memory_space<hbm>> -> memref<79x128xi32, #tpu.memory_space<hbm>>
    %dma_wait3A_62 = arith.constant 0 : i32
    %dma_wait3A_63 = arith.constant 0 : i32
    %dma_wait3A_64 = tpu.memref_slice %arg3[%dma_wait3A, %add3A, %dma_wait3A_62, %dma_wait3A_63] : memref<2x32x79x128xi32, #tpu.memory_space<hbm>> -> memref<1x1x79x128xi32, #tpu.memory_space<hbm>>
    %dma_wait3A_65 = tpu.memref_squeeze %dma_wait3A_64 : memref<1x1x79x128xi32, #tpu.memory_space<hbm>> -> memref<79x128xi32, #tpu.memory_space<hbm>>
    tpu.wait_dma2 semaphore(%arg10 : memref<!tpu.dma_semaphore, #tpu.memory_space<semaphore_mem>>) src(%dma_wait3A_65 : memref<79x128xi32, #tpu.memory_space<hbm>>) dst(%arg5 : memref<79x128xi32, #tpu.memory_space<vmem>>)
    %dma_wait3A_66 = arith.constant 1 : i32
    %dma_wait3A_67 = arith.constant 0 : i32
    %dma_wait3A_68 = arith.constant 0 : i32
    %dma_wait3A_69 = tpu.memref_slice %arg3[%dma_wait3A_66, %add3A, %dma_wait3A_67, %dma_wait3A_68] : memref<2x32x79x128xi32, #tpu.memory_space<hbm>> -> memref<1x1x79x128xi32, #tpu.memory_space<hbm>>
    %dma_wait3A_70 = tpu.memref_squeeze %dma_wait3A_69 : memref<1x1x79x128xi32, #tpu.memory_space<hbm>> -> memref<79x128xi32, #tpu.memory_space<hbm>>
    %dma_wait3A_71 = arith.constant 0 : i32
    %dma_wait3A_72 = arith.constant 0 : i32
    %dma_wait3A_73 = tpu.memref_slice %arg3[%dma_wait3A_66, %add3A, %dma_wait3A_71, %dma_wait3A_72] : memref<2x32x79x128xi32, #tpu.memory_space<hbm>> -> memref<1x1x79x128xi32, #tpu.memory_space<hbm>>
    %dma_wait3A_74 = tpu.memref_squeeze %dma_wait3A_73 : memref<1x1x79x128xi32, #tpu.memory_space<hbm>> -> memref<79x128xi32, #tpu.memory_space<hbm>>
    tpu.wait_dma2 semaphore(%arg10 : memref<!tpu.dma_semaphore, #tpu.memory_space<semaphore_mem>>) src(%dma_wait3A_74 : memref<79x128xi32, #tpu.memory_space<hbm>>) dst(%arg6 : memref<79x128xi32, #tpu.memory_space<vmem>>)
    %mul3A_75 = arith.constant 640 : i32
    %mul3A_76 = arith.muli %arg1, %mul3A_75 : i32
    %mul3A_77 = arith.constant 640 : i32
    %mul3A_78 = arith.muli %arg1, %mul3A_77 : i32
    %dma_wait3A_79 = arith.constant 0 : i32
    %dma_wait3A_80 = tpu.memref_slice %arg9[%mul3A_78, %dma_wait3A_79] : memref<10240x64xf32, #tpu.memory_space<vmem_shared>> -> memref<640x64xf32, #tpu.memory_space<vmem_shared>>
    %dma_wait3A_81 = arith.constant 0 : i32
    %dma_wait3A_82 = tpu.memref_slice %arg2[%mul3A_76, %dma_wait3A_81] : memref<10240x64xf32, #tpu.memory_space<hbm>> -> memref<640x64xf32, #tpu.memory_space<hbm>>
    tpu.wait_dma2 semaphore(%arg10 : memref<!tpu.dma_semaphore, #tpu.memory_space<semaphore_mem>>) src(%dma_wait3A_82 : memref<640x64xf32, #tpu.memory_space<hbm>>) dst(%dma_wait3A_80 : memref<640x64xf32, #tpu.memory_space<vmem_shared>>)
    %barrier3A = arith.constant 0 : index
    tpu.barrier barrier_id(%barrier3A)
    %dma_start3A_83 = arith.constant 0 : i32
    %dma_start3A_84 = arith.constant 0 : i32
    %dma_start3A_85 = arith.constant 0 : i32
    %dma_start3A_86 = arith.constant 0 : i32
    %dma_start3A_87 = arith.constant 0 : i32
    %dma_start3A_88 = tpu.memref_slice %arg7[%dma_start3A_84, %dma_start3A_86, %dma_start3A_87] : memref<3x128x64xf32, #tpu.memory_space<vmem>> -> memref<1x128x64xf32, #tpu.memory_space<vmem>>
    %dma_start3A_89 = tpu.memref_squeeze %dma_start3A_88 : memref<1x128x64xf32, #tpu.memory_space<vmem>> -> memref<128x64xf32, #tpu.memory_space<vmem>>
    %dma_start3A_90 = arith.constant 0 : i32
    %dma_start3A_91 = tpu.memref_slice %arg5[%dma_start3A_83, %dma_start3A_90] : memref<79x128xi32, #tpu.memory_space<vmem>> -> memref<1x128xi32, #tpu.memory_space<vmem>>
    %dma_start3A_92 = tpu.memref_squeeze %dma_start3A_91 : memref<1x128xi32, #tpu.memory_space<vmem>> -> memref<128xi32, #tpu.memory_space<vmem>>
    %dma_start3A_93 = arith.constant 0 : i32
    %dma_start3A_94 = arith.constant 0 : i32
    %dma_start3A_95 = tpu.memref_slice %arg9[%dma_start3A_93, %dma_start3A_94] : memref<10240x64xf32, #tpu.memory_space<vmem_shared>> -> memref<10240x64xf32, #tpu.memory_space<vmem_shared>>
    %dma_start3A_96 = tpu.memref_slice %arg11[%dma_start3A_85] : memref<3x!tpu.dma_semaphore, #tpu.memory_space<semaphore_mem>> -> memref<1x!tpu.dma_semaphore, #tpu.memory_space<semaphore_mem>>
    %dma_start3A_97 = tpu.memref_squeeze %dma_start3A_96 : memref<1x!tpu.dma_semaphore, #tpu.memory_space<semaphore_mem>> -> memref<!tpu.dma_semaphore, #tpu.memory_space<semaphore_mem>>
    tpu.enqueue_indirect_dma source(%dma_start3A_95 : memref<10240x64xf32, #tpu.memory_space<vmem_shared>>) target(%dma_start3A_89 : memref<128x64xf32, #tpu.memory_space<vmem>>) offsets(%dma_start3A_92 : memref<128xi32, #tpu.memory_space<vmem>>) semaphore(%dma_start3A_97 : memref<!tpu.dma_semaphore, #tpu.memory_space<semaphore_mem>>)
    %dma_start3A_98 = arith.constant 1 : i32
    %dma_start3A_99 = arith.constant 1 : i32
    %dma_start3A_100 = arith.constant 1 : i32
    %dma_start3A_101 = arith.constant 0 : i32
    %dma_start3A_102 = arith.constant 0 : i32
    %dma_start3A_103 = tpu.memref_slice %arg7[%dma_start3A_99, %dma_start3A_101, %dma_start3A_102] : memref<3x128x64xf32, #tpu.memory_space<vmem>> -> memref<1x128x64xf32, #tpu.memory_space<vmem>>
    %dma_start3A_104 = tpu.memref_squeeze %dma_start3A_103 : memref<1x128x64xf32, #tpu.memory_space<vmem>> -> memref<128x64xf32, #tpu.memory_space<vmem>>
    %dma_start3A_105 = arith.constant 0 : i32
    %dma_start3A_106 = tpu.memref_slice %arg5[%dma_start3A_98, %dma_start3A_105] : memref<79x128xi32, #tpu.memory_space<vmem>> -> memref<1x128xi32, #tpu.memory_space<vmem>>
    %dma_start3A_107 = tpu.memref_squeeze %dma_start3A_106 : memref<1x128xi32, #tpu.memory_space<vmem>> -> memref<128xi32, #tpu.memory_space<vmem>>
    %dma_start3A_108 = arith.constant 0 : i32
    %dma_start3A_109 = arith.constant 0 : i32
    %dma_start3A_110 = tpu.memref_slice %arg9[%dma_start3A_108, %dma_start3A_109] : memref<10240x64xf32, #tpu.memory_space<vmem_shared>> -> memref<10240x64xf32, #tpu.memory_space<vmem_shared>>
    %dma_start3A_111 = tpu.memref_slice %arg11[%dma_start3A_100] : memref<3x!tpu.dma_semaphore, #tpu.memory_space<semaphore_mem>> -> memref<1x!tpu.dma_semaphore, #tpu.memory_space<semaphore_mem>>
    %dma_start3A_112 = tpu.memref_squeeze %dma_start3A_111 : memref<1x!tpu.dma_semaphore, #tpu.memory_space<semaphore_mem>> -> memref<!tpu.dma_semaphore, #tpu.memory_space<semaphore_mem>>
    tpu.enqueue_indirect_dma source(%dma_start3A_110 : memref<10240x64xf32, #tpu.memory_space<vmem_shared>>) target(%dma_start3A_104 : memref<128x64xf32, #tpu.memory_space<vmem>>) offsets(%dma_start3A_107 : memref<128xi32, #tpu.memory_space<vmem>>) semaphore(%dma_start3A_112 : memref<!tpu.dma_semaphore, #tpu.memory_space<semaphore_mem>>)
    %dma_start3A_113 = arith.constant 2 : i32
    %dma_start3A_114 = arith.constant 2 : i32
    %dma_start3A_115 = arith.constant 2 : i32
    %dma_start3A_116 = arith.constant 0 : i32
    %dma_start3A_117 = arith.constant 0 : i32
    %dma_start3A_118 = tpu.memref_slice %arg7[%dma_start3A_114, %dma_start3A_116, %dma_start3A_117] : memref<3x128x64xf32, #tpu.memory_space<vmem>> -> memref<1x128x64xf32, #tpu.memory_space<vmem>>
    %dma_start3A_119 = tpu.memref_squeeze %dma_start3A_118 : memref<1x128x64xf32, #tpu.memory_space<vmem>> -> memref<128x64xf32, #tpu.memory_space<vmem>>
    %dma_start3A_120 = arith.constant 0 : i32
    %dma_start3A_121 = tpu.memref_slice %arg5[%dma_start3A_113, %dma_start3A_120] : memref<79x128xi32, #tpu.memory_space<vmem>> -> memref<1x128xi32, #tpu.memory_space<vmem>>
    %dma_start3A_122 = tpu.memref_squeeze %dma_start3A_121 : memref<1x128xi32, #tpu.memory_space<vmem>> -> memref<128xi32, #tpu.memory_space<vmem>>
    %dma_start3A_123 = arith.constant 0 : i32
    %dma_start3A_124 = arith.constant 0 : i32
    %dma_start3A_125 = tpu.memref_slice %arg9[%dma_start3A_123, %dma_start3A_124] : memref<10240x64xf32, #tpu.memory_space<vmem_shared>> -> memref<10240x64xf32, #tpu.memory_space<vmem_shared>>
    %dma_start3A_126 = tpu.memref_slice %arg11[%dma_start3A_115] : memref<3x!tpu.dma_semaphore, #tpu.memory_space<semaphore_mem>> -> memref<1x!tpu.dma_semaphore, #tpu.memory_space<semaphore_mem>>
    %dma_start3A_127 = tpu.memref_squeeze %dma_start3A_126 : memref<1x!tpu.dma_semaphore, #tpu.memory_space<semaphore_mem>> -> memref<!tpu.dma_semaphore, #tpu.memory_space<semaphore_mem>>
    tpu.enqueue_indirect_dma source(%dma_start3A_125 : memref<10240x64xf32, #tpu.memory_space<vmem_shared>>) target(%dma_start3A_119 : memref<128x64xf32, #tpu.memory_space<vmem>>) offsets(%dma_start3A_122 : memref<128xi32, #tpu.memory_space<vmem>>) semaphore(%dma_start3A_127 : memref<!tpu.dma_semaphore, #tpu.memory_space<semaphore_mem>>)
    %scan3A_128 = arith.constant 0 : i32
    %scan3A_129 = arith.constant 0 : i32
    %scan3A_130 = arith.constant 79 : i32
    %scan3A_131 = arith.addi %scan3A_129, %scan3A_130 : i32
    %scan3A_132 = arith.constant 1 : i32
    %scan3A_133 = scf.for %scan3A_311 = %scan3A_129 to %scan3A_131 step %scan3A_132 iter_args(%scan3A_312 = %scan3A_128) -> (i32)  : i32 {
      %rem3A = arith.constant 3 : i32
      %rem3A_313 = arith.remsi %scan3A_311, %rem3A : i32
      %dma_wait3A_314 = arith.constant 0 : i32
      %dma_wait3A_315 = arith.constant 0 : i32
      %dma_wait3A_316 = tpu.memref_slice %arg7[%rem3A_313, %dma_wait3A_314, %dma_wait3A_315] : memref<3x128x64xf32, #tpu.memory_space<vmem>> -> memref<1x128x64xf32, #tpu.memory_space<vmem>>
      %dma_wait3A_317 = tpu.memref_squeeze %dma_wait3A_316 : memref<1x128x64xf32, #tpu.memory_space<vmem>> -> memref<128x64xf32, #tpu.memory_space<vmem>>
      %dma_wait3A_318 = arith.constant 0 : i32
      %dma_wait3A_319 = tpu.memref_slice %arg5[%scan3A_311, %dma_wait3A_318] : memref<79x128xi32, #tpu.memory_space<vmem>> -> memref<1x128xi32, #tpu.memory_space<vmem>>
      %dma_wait3A_320 = tpu.memref_squeeze %dma_wait3A_319 : memref<1x128xi32, #tpu.memory_space<vmem>> -> memref<128xi32, #tpu.memory_space<vmem>>
      %dma_wait3A_321 = arith.constant 0 : i32
      %dma_wait3A_322 = arith.constant 0 : i32
      %dma_wait3A_323 = tpu.memref_slice %arg9[%dma_wait3A_321, %dma_wait3A_322] : memref<10240x64xf32, #tpu.memory_space<vmem_shared>> -> memref<10240x64xf32, #tpu.memory_space<vmem_shared>>
      %dma_wait3A_324 = tpu.memref_slice %arg11[%rem3A_313] : memref<3x!tpu.dma_semaphore, #tpu.memory_space<semaphore_mem>> -> memref<1x!tpu.dma_semaphore, #tpu.memory_space<semaphore_mem>>
      %dma_wait3A_325 = tpu.memref_squeeze %dma_wait3A_324 : memref<1x!tpu.dma_semaphore, #tpu.memory_space<semaphore_mem>> -> memref<!tpu.dma_semaphore, #tpu.memory_space<semaphore_mem>>
      tpu.wait_indirect_dma semaphore(%dma_wait3A_325 : memref<!tpu.dma_semaphore, #tpu.memory_space<semaphore_mem>>) src(%dma_wait3A_323 : memref<10240x64xf32, #tpu.memory_space<vmem_shared>>) dst(%dma_wait3A_317 : memref<128x64xf32, #tpu.memory_space<vmem>>)
      %dma_start3A_326 = arith.constant 0 : i32
      %dma_start3A_327 = arith.constant 0 : i32
      %dma_start3A_328 = tpu.memref_slice %arg7[%rem3A_313, %dma_start3A_326, %dma_start3A_327] : memref<3x128x64xf32, #tpu.memory_space<vmem>> -> memref<1x128x64xf32, #tpu.memory_space<vmem>>
      %dma_start3A_329 = tpu.memref_squeeze %dma_start3A_328 : memref<1x128x64xf32, #tpu.memory_space<vmem>> -> memref<128x64xf32, #tpu.memory_space<vmem>>
      %dma_start3A_330 = arith.constant 0 : i32
      %dma_start3A_331 = tpu.memref_slice %arg6[%scan3A_311, %dma_start3A_330] : memref<79x128xi32, #tpu.memory_space<vmem>> -> memref<1x128xi32, #tpu.memory_space<vmem>>
      %dma_start3A_332 = tpu.memref_squeeze %dma_start3A_331 : memref<1x128xi32, #tpu.memory_space<vmem>> -> memref<128xi32, #tpu.memory_space<vmem>>
      %dma_start3A_333 = arith.constant 0 : i32
      %dma_start3A_334 = arith.constant 0 : i32
      %dma_start3A_335 = tpu.memref_slice %arg8[%dma_start3A_333, %dma_start3A_334] : memref<10240x64xf32, #tpu.memory_space<vmem_shared>> -> memref<10240x64xf32, #tpu.memory_space<vmem_shared>>
      %dma_start3A_336 = tpu.memref_slice %arg12[%rem3A_313] : memref<3x!tpu.dma_semaphore, #tpu.memory_space<semaphore_mem>> -> memref<1x!tpu.dma_semaphore, #tpu.memory_space<semaphore_mem>>
      %dma_start3A_337 = tpu.memref_squeeze %dma_start3A_336 : memref<1x!tpu.dma_semaphore, #tpu.memory_space<semaphore_mem>> -> memref<!tpu.dma_semaphore, #tpu.memory_space<semaphore_mem>>
      tpu.enqueue_indirect_dma source(%dma_start3A_329 : memref<128x64xf32, #tpu.memory_space<vmem>>) target(%dma_start3A_335 : memref<10240x64xf32, #tpu.memory_space<vmem_shared>>) offsets(%dma_start3A_332 : memref<128xi32, #tpu.memory_space<vmem>>) semaphore(%dma_start3A_337 : memref<!tpu.dma_semaphore, #tpu.memory_space<semaphore_mem>>) {add = true}
      %add3A_338 = arith.constant 3 : i32
      %add3A_339 = arith.addi %scan3A_311, %add3A_338 : i32
      %lt3A = arith.constant 79 : i32
      %lt3A_340 = arith.cmpi slt, %add3A_339, %lt3A : i32
      %convert_element_type3A = arith.extui %lt3A_340 : i1 to i32
      %cond3A = arith.constant 0 : i32
      %cond3A_341 = arith.cmpi ne, %convert_element_type3A, %cond3A : i32
      scf.if %cond3A_341 {
        %dma_wait3A_343 = arith.constant 0 : i32
        %dma_wait3A_344 = arith.constant 0 : i32
        %dma_wait3A_345 = tpu.memref_slice %arg7[%rem3A_313, %dma_wait3A_343, %dma_wait3A_344] : memref<3x128x64xf32, #tpu.memory_space<vmem>> -> memref<1x128x64xf32, #tpu.memory_space<vmem>>
        %dma_wait3A_346 = tpu.memref_squeeze %dma_wait3A_345 : memref<1x128x64xf32, #tpu.memory_space<vmem>> -> memref<128x64xf32, #tpu.memory_space<vmem>>
        %dma_wait3A_347 = arith.constant 0 : i32
        %dma_wait3A_348 = tpu.memref_slice %arg6[%scan3A_311, %dma_wait3A_347] : memref<79x128xi32, #tpu.memory_space<vmem>> -> memref<1x128xi32, #tpu.memory_space<vmem>>
        %dma_wait3A_349 = tpu.memref_squeeze %dma_wait3A_348 : memref<1x128xi32, #tpu.memory_space<vmem>> -> memref<128xi32, #tpu.memory_space<vmem>>
        %dma_wait3A_350 = arith.constant 0 : i32
        %dma_wait3A_351 = arith.constant 0 : i32
        %dma_wait3A_352 = tpu.memref_slice %arg8[%dma_wait3A_350, %dma_wait3A_351] : memref<10240x64xf32, #tpu.memory_space<vmem_shared>> -> memref<10240x64xf32, #tpu.memory_space<vmem_shared>>
        %dma_wait3A_353 = tpu.memref_slice %arg12[%rem3A_313] : memref<3x!tpu.dma_semaphore, #tpu.memory_space<semaphore_mem>> -> memref<1x!tpu.dma_semaphore, #tpu.memory_space<semaphore_mem>>
        %dma_wait3A_354 = tpu.memref_squeeze %dma_wait3A_353 : memref<1x!tpu.dma_semaphore, #tpu.memory_space<semaphore_mem>> -> memref<!tpu.dma_semaphore, #tpu.memory_space<semaphore_mem>>
        tpu.wait_indirect_dma semaphore(%dma_wait3A_354 : memref<!tpu.dma_semaphore, #tpu.memory_space<semaphore_mem>>) src(%dma_wait3A_346 : memref<128x64xf32, #tpu.memory_space<vmem>>) dst(%dma_wait3A_352 : memref<10240x64xf32, #tpu.memory_space<vmem_shared>>)
        %add3A_355 = arith.constant 3 : i32
        %add3A_356 = arith.addi %scan3A_311, %add3A_355 : i32
        %dma_start3A_357 = arith.constant 0 : i32
        %dma_start3A_358 = arith.constant 0 : i32
        %dma_start3A_359 = tpu.memref_slice %arg7[%rem3A_313, %dma_start3A_357, %dma_start3A_358] : memref<3x128x64xf32, #tpu.memory_space<vmem>> -> memref<1x128x64xf32, #tpu.memory_space<vmem>>
        %dma_start3A_360 = tpu.memref_squeeze %dma_start3A_359 : memref<1x128x64xf32, #tpu.memory_space<vmem>> -> memref<128x64xf32, #tpu.memory_space<vmem>>
        %dma_start3A_361 = arith.constant 0 : i32
        %dma_start3A_362 = tpu.memref_slice %arg5[%add3A_356, %dma_start3A_361] : memref<79x128xi32, #tpu.memory_space<vmem>> -> memref<1x128xi32, #tpu.memory_space<vmem>>
        %dma_start3A_363 = tpu.memref_squeeze %dma_start3A_362 : memref<1x128xi32, #tpu.memory_space<vmem>> -> memref<128xi32, #tpu.memory_space<vmem>>
        %dma_start3A_364 = arith.constant 0 : i32
        %dma_start3A_365 = arith.constant 0 : i32
        %dma_start3A_366 = tpu.memref_slice %arg9[%dma_start3A_364, %dma_start3A_365] : memref<10240x64xf32, #tpu.memory_space<vmem_shared>> -> memref<10240x64xf32, #tpu.memory_space<vmem_shared>>
        %dma_start3A_367 = tpu.memref_slice %arg11[%rem3A_313] : memref<3x!tpu.dma_semaphore, #tpu.memory_space<semaphore_mem>> -> memref<1x!tpu.dma_semaphore, #tpu.memory_space<semaphore_mem>>
        %dma_start3A_368 = tpu.memref_squeeze %dma_start3A_367 : memref<1x!tpu.dma_semaphore, #tpu.memory_space<semaphore_mem>> -> memref<!tpu.dma_semaphore, #tpu.memory_space<semaphore_mem>>
        tpu.enqueue_indirect_dma source(%dma_start3A_366 : memref<10240x64xf32, #tpu.memory_space<vmem_shared>>) target(%dma_start3A_360 : memref<128x64xf32, #tpu.memory_space<vmem>>) offsets(%dma_start3A_363 : memref<128xi32, #tpu.memory_space<vmem>>) semaphore(%dma_start3A_368 : memref<!tpu.dma_semaphore, #tpu.memory_space<semaphore_mem>>)
      } else {
      }
      %scan3A_342 = arith.constant 0 : i32
      scf.yield %scan3A_342 : i32
    }
    %scan3A_134 = arith.constant 79 : i32
    %dma_wait3A_135 = arith.constant 1 : i32
    %dma_wait3A_136 = arith.constant 76 : i32
    %dma_wait3A_137 = arith.constant 1 : i32
    %dma_wait3A_138 = arith.constant 0 : i32
    %dma_wait3A_139 = arith.constant 0 : i32
    %dma_wait3A_140 = tpu.memref_slice %arg7[%dma_wait3A_135, %dma_wait3A_138, %dma_wait3A_139] : memref<3x128x64xf32, #tpu.memory_space<vmem>> -> memref<1x128x64xf32, #tpu.memory_space<vmem>>
    %dma_wait3A_141 = tpu.memref_squeeze %dma_wait3A_140 : memref<1x128x64xf32, #tpu.memory_space<vmem>> -> memref<128x64xf32, #tpu.memory_space<vmem>>
    %dma_wait3A_142 = arith.constant 0 : i32
    %dma_wait3A_143 = tpu.memref_slice %arg6[%dma_wait3A_136, %dma_wait3A_142] : memref<79x128xi32, #tpu.memory_space<vmem>> -> memref<1x128xi32, #tpu.memory_space<vmem>>
    %dma_wait3A_144 = tpu.memref_squeeze %dma_wait3A_143 : memref<1x128xi32, #tpu.memory_space<vmem>> -> memref<128xi32, #tpu.memory_space<vmem>>
    %dma_wait3A_145 = arith.constant 0 : i32
    %dma_wait3A_146 = arith.constant 0 : i32
    %dma_wait3A_147 = tpu.memref_slice %arg8[%dma_wait3A_145, %dma_wait3A_146] : memref<10240x64xf32, #tpu.memory_space<vmem_shared>> -> memref<10240x64xf32, #tpu.memory_space<vmem_shared>>
    %dma_wait3A_148 = tpu.memref_slice %arg12[%dma_wait3A_137] : memref<3x!tpu.dma_semaphore, #tpu.memory_space<semaphore_mem>> -> memref<1x!tpu.dma_semaphore, #tpu.memory_space<semaphore_mem>>
    %dma_wait3A_149 = tpu.memref_squeeze %dma_wait3A_148 : memref<1x!tpu.dma_semaphore, #tpu.memory_space<semaphore_mem>> -> memref<!tpu.dma_semaphore, #tpu.memory_space<semaphore_mem>>
    tpu.wait_indirect_dma semaphore(%dma_wait3A_149 : memref<!tpu.dma_semaphore, #tpu.memory_space<semaphore_mem>>) src(%dma_wait3A_141 : memref<128x64xf32, #tpu.memory_space<vmem>>) dst(%dma_wait3A_147 : memref<10240x64xf32, #tpu.memory_space<vmem_shared>>)
    %dma_wait3A_150 = arith.constant 2 : i32
    %dma_wait3A_151 = arith.constant 77 : i32
    %dma_wait3A_152 = arith.constant 2 : i32
    %dma_wait3A_153 = arith.constant 0 : i32
    %dma_wait3A_154 = arith.constant 0 : i32
    %dma_wait3A_155 = tpu.memref_slice %arg7[%dma_wait3A_150, %dma_wait3A_153, %dma_wait3A_154] : memref<3x128x64xf32, #tpu.memory_space<vmem>> -> memref<1x128x64xf32, #tpu.memory_space<vmem>>
    %dma_wait3A_156 = tpu.memref_squeeze %dma_wait3A_155 : memref<1x128x64xf32, #tpu.memory_space<vmem>> -> memref<128x64xf32, #tpu.memory_space<vmem>>
    %dma_wait3A_157 = arith.constant 0 : i32
    %dma_wait3A_158 = tpu.memref_slice %arg6[%dma_wait3A_151, %dma_wait3A_157] : memref<79x128xi32, #tpu.memory_space<vmem>> -> memref<1x128xi32, #tpu.memory_space<vmem>>
    %dma_wait3A_159 = tpu.memref_squeeze %dma_wait3A_158 : memref<1x128xi32, #tpu.memory_space<vmem>> -> memref<128xi32, #tpu.memory_space<vmem>>
    %dma_wait3A_160 = arith.constant 0 : i32
    %dma_wait3A_161 = arith.constant 0 : i32
    %dma_wait3A_162 = tpu.memref_slice %arg8[%dma_wait3A_160, %dma_wait3A_161] : memref<10240x64xf32, #tpu.memory_space<vmem_shared>> -> memref<10240x64xf32, #tpu.memory_space<vmem_shared>>
    %dma_wait3A_163 = tpu.memref_slice %arg12[%dma_wait3A_152] : memref<3x!tpu.dma_semaphore, #tpu.memory_space<semaphore_mem>> -> memref<1x!tpu.dma_semaphore, #tpu.memory_space<semaphore_mem>>
    %dma_wait3A_164 = tpu.memref_squeeze %dma_wait3A_163 : memref<1x!tpu.dma_semaphore, #tpu.memory_space<semaphore_mem>> -> memref<!tpu.dma_semaphore, #tpu.memory_space<semaphore_mem>>
    tpu.wait_indirect_dma semaphore(%dma_wait3A_164 : memref<!tpu.dma_semaphore, #tpu.memory_space<semaphore_mem>>) src(%dma_wait3A_156 : memref<128x64xf32, #tpu.memory_space<vmem>>) dst(%dma_wait3A_162 : memref<10240x64xf32, #tpu.memory_space<vmem_shared>>)
    %dma_wait3A_165 = arith.constant 0 : i32
    %dma_wait3A_166 = arith.constant 78 : i32
    %dma_wait3A_167 = arith.constant 0 : i32
    %dma_wait3A_168 = arith.constant 0 : i32
    %dma_wait3A_169 = arith.constant 0 : i32
    %dma_wait3A_170 = tpu.memref_slice %arg7[%dma_wait3A_165, %dma_wait3A_168, %dma_wait3A_169] : memref<3x128x64xf32, #tpu.memory_space<vmem>> -> memref<1x128x64xf32, #tpu.memory_space<vmem>>
    %dma_wait3A_171 = tpu.memref_squeeze %dma_wait3A_170 : memref<1x128x64xf32, #tpu.memory_space<vmem>> -> memref<128x64xf32, #tpu.memory_space<vmem>>
    %dma_wait3A_172 = arith.constant 0 : i32
    %dma_wait3A_173 = tpu.memref_slice %arg6[%dma_wait3A_166, %dma_wait3A_172] : memref<79x128xi32, #tpu.memory_space<vmem>> -> memref<1x128xi32, #tpu.memory_space<vmem>>
    %dma_wait3A_174 = tpu.memref_squeeze %dma_wait3A_173 : memref<1x128xi32, #tpu.memory_space<vmem>> -> memref<128xi32, #tpu.memory_space<vmem>>
    %dma_wait3A_175 = arith.constant 0 : i32
    %dma_wait3A_176 = arith.constant 0 : i32
    %dma_wait3A_177 = tpu.memref_slice %arg8[%dma_wait3A_175, %dma_wait3A_176] : memref<10240x64xf32, #tpu.memory_space<vmem_shared>> -> memref<10240x64xf32, #tpu.memory_space<vmem_shared>>
    %dma_wait3A_178 = tpu.memref_slice %arg12[%dma_wait3A_167] : memref<3x!tpu.dma_semaphore, #tpu.memory_space<semaphore_mem>> -> memref<1x!tpu.dma_semaphore, #tpu.memory_space<semaphore_mem>>
    %dma_wait3A_179 = tpu.memref_squeeze %dma_wait3A_178 : memref<1x!tpu.dma_semaphore, #tpu.memory_space<semaphore_mem>> -> memref<!tpu.dma_semaphore, #tpu.memory_space<semaphore_mem>>
    tpu.wait_indirect_dma semaphore(%dma_wait3A_179 : memref<!tpu.dma_semaphore, #tpu.memory_space<semaphore_mem>>) src(%dma_wait3A_171 : memref<128x64xf32, #tpu.memory_space<vmem>>) dst(%dma_wait3A_177 : memref<10240x64xf32, #tpu.memory_space<vmem_shared>>)
    %barrier3A_180 = arith.constant 0 : index
    tpu.barrier barrier_id(%barrier3A_180)
    %mul3A_181 = arith.constant 640 : i32
    %mul3A_182 = arith.muli %arg1, %mul3A_181 : i32
    %add3A_183 = arith.constant 0 : i32
    %add3A_184 = arith.addi %mul3A_182, %add3A_183 : i32
    %mul3A_185 = arith.constant 640 : i32
    %mul3A_186 = arith.muli %arg1, %mul3A_185 : i32
    %add3A_187 = arith.constant 0 : i32
    %add3A_188 = arith.addi %mul3A_186, %add3A_187 : i32
    %dma_start3A_189 = arith.constant 0 : i32
    %dma_start3A_190 = tpu.memref_slice %arg4[%arg0, %add3A_188, %dma_start3A_189] : memref<2x10240x64xf32, #tpu.memory_space<hbm>> -> memref<1x128x64xf32, #tpu.memory_space<hbm>>
    %dma_start3A_191 = tpu.memref_squeeze %dma_start3A_190 : memref<1x128x64xf32, #tpu.memory_space<hbm>> -> memref<128x64xf32, #tpu.memory_space<hbm>>
    %dma_start3A_192 = arith.constant 0 : i32
    %dma_start3A_193 = tpu.memref_slice %arg8[%add3A_184, %dma_start3A_192] : memref<10240x64xf32, #tpu.memory_space<vmem_shared>> -> memref<128x64xf32, #tpu.memory_space<vmem_shared>>
    tpu.enqueue_dma source(%dma_start3A_193 : memref<128x64xf32, #tpu.memory_space<vmem_shared>>) target(%dma_start3A_191 : memref<128x64xf32, #tpu.memory_space<hbm>>) target_semaphore(%arg10 : memref<!tpu.dma_semaphore, #tpu.memory_space<semaphore_mem>>)
    %mul3A_194 = arith.constant 640 : i32
    %mul3A_195 = arith.muli %arg1, %mul3A_194 : i32
    %add3A_196 = arith.constant 128 : i32
    %add3A_197 = arith.addi %mul3A_195, %add3A_196 : i32
    %mul3A_198 = arith.constant 640 : i32
    %mul3A_199 = arith.muli %arg1, %mul3A_198 : i32
    %add3A_200 = arith.constant 128 : i32
    %add3A_201 = arith.addi %mul3A_199, %add3A_200 : i32
    %dma_start3A_202 = arith.constant 0 : i32
    %dma_start3A_203 = tpu.memref_slice %arg4[%arg0, %add3A_201, %dma_start3A_202] : memref<2x10240x64xf32, #tpu.memory_space<hbm>> -> memref<1x128x64xf32, #tpu.memory_space<hbm>>
    %dma_start3A_204 = tpu.memref_squeeze %dma_start3A_203 : memref<1x128x64xf32, #tpu.memory_space<hbm>> -> memref<128x64xf32, #tpu.memory_space<hbm>>
    %dma_start3A_205 = arith.constant 0 : i32
    %dma_start3A_206 = tpu.memref_slice %arg8[%add3A_197, %dma_start3A_205] : memref<10240x64xf32, #tpu.memory_space<vmem_shared>> -> memref<128x64xf32, #tpu.memory_space<vmem_shared>>
    tpu.enqueue_dma source(%dma_start3A_206 : memref<128x64xf32, #tpu.memory_space<vmem_shared>>) target(%dma_start3A_204 : memref<128x64xf32, #tpu.memory_space<hbm>>) target_semaphore(%arg10 : memref<!tpu.dma_semaphore, #tpu.memory_space<semaphore_mem>>)
    %mul3A_207 = arith.constant 640 : i32
    %mul3A_208 = arith.muli %arg1, %mul3A_207 : i32
    %add3A_209 = arith.constant 256 : i32
    %add3A_210 = arith.addi %mul3A_208, %add3A_209 : i32
    %mul3A_211 = arith.constant 640 : i32
    %mul3A_212 = arith.muli %arg1, %mul3A_211 : i32
    %add3A_213 = arith.constant 256 : i32
    %add3A_214 = arith.addi %mul3A_212, %add3A_213 : i32
    %dma_start3A_215 = arith.constant 0 : i32
    %dma_start3A_216 = tpu.memref_slice %arg4[%arg0, %add3A_214, %dma_start3A_215] : memref<2x10240x64xf32, #tpu.memory_space<hbm>> -> memref<1x128x64xf32, #tpu.memory_space<hbm>>
    %dma_start3A_217 = tpu.memref_squeeze %dma_start3A_216 : memref<1x128x64xf32, #tpu.memory_space<hbm>> -> memref<128x64xf32, #tpu.memory_space<hbm>>
    %dma_start3A_218 = arith.constant 0 : i32
    %dma_start3A_219 = tpu.memref_slice %arg8[%add3A_210, %dma_start3A_218] : memref<10240x64xf32, #tpu.memory_space<vmem_shared>> -> memref<128x64xf32, #tpu.memory_space<vmem_shared>>
    tpu.enqueue_dma source(%dma_start3A_219 : memref<128x64xf32, #tpu.memory_space<vmem_shared>>) target(%dma_start3A_217 : memref<128x64xf32, #tpu.memory_space<hbm>>) target_semaphore(%arg10 : memref<!tpu.dma_semaphore, #tpu.memory_space<semaphore_mem>>)
    %mul3A_220 = arith.constant 640 : i32
    %mul3A_221 = arith.muli %arg1, %mul3A_220 : i32
    %add3A_222 = arith.constant 384 : i32
    %add3A_223 = arith.addi %mul3A_221, %add3A_222 : i32
    %mul3A_224 = arith.constant 640 : i32
    %mul3A_225 = arith.muli %arg1, %mul3A_224 : i32
    %add3A_226 = arith.constant 384 : i32
    %add3A_227 = arith.addi %mul3A_225, %add3A_226 : i32
    %dma_start3A_228 = arith.constant 0 : i32
    %dma_start3A_229 = tpu.memref_slice %arg4[%arg0, %add3A_227, %dma_start3A_228] : memref<2x10240x64xf32, #tpu.memory_space<hbm>> -> memref<1x128x64xf32, #tpu.memory_space<hbm>>
    %dma_start3A_230 = tpu.memref_squeeze %dma_start3A_229 : memref<1x128x64xf32, #tpu.memory_space<hbm>> -> memref<128x64xf32, #tpu.memory_space<hbm>>
    %dma_start3A_231 = arith.constant 0 : i32
    %dma_start3A_232 = tpu.memref_slice %arg8[%add3A_223, %dma_start3A_231] : memref<10240x64xf32, #tpu.memory_space<vmem_shared>> -> memref<128x64xf32, #tpu.memory_space<vmem_shared>>
    tpu.enqueue_dma source(%dma_start3A_232 : memref<128x64xf32, #tpu.memory_space<vmem_shared>>) target(%dma_start3A_230 : memref<128x64xf32, #tpu.memory_space<hbm>>) target_semaphore(%arg10 : memref<!tpu.dma_semaphore, #tpu.memory_space<semaphore_mem>>)
    %mul3A_233 = arith.constant 640 : i32
    %mul3A_234 = arith.muli %arg1, %mul3A_233 : i32
    %add3A_235 = arith.constant 512 : i32
    %add3A_236 = arith.addi %mul3A_234, %add3A_235 : i32
    %mul3A_237 = arith.constant 640 : i32
    %mul3A_238 = arith.muli %arg1, %mul3A_237 : i32
    %add3A_239 = arith.constant 512 : i32
    %add3A_240 = arith.addi %mul3A_238, %add3A_239 : i32
    %dma_start3A_241 = arith.constant 0 : i32
    %dma_start3A_242 = tpu.memref_slice %arg4[%arg0, %add3A_240, %dma_start3A_241] : memref<2x10240x64xf32, #tpu.memory_space<hbm>> -> memref<1x128x64xf32, #tpu.memory_space<hbm>>
    %dma_start3A_243 = tpu.memref_squeeze %dma_start3A_242 : memref<1x128x64xf32, #tpu.memory_space<hbm>> -> memref<128x64xf32, #tpu.memory_space<hbm>>
    %dma_start3A_244 = arith.constant 0 : i32
    %dma_start3A_245 = tpu.memref_slice %arg8[%add3A_236, %dma_start3A_244] : memref<10240x64xf32, #tpu.memory_space<vmem_shared>> -> memref<128x64xf32, #tpu.memory_space<vmem_shared>>
    tpu.enqueue_dma source(%dma_start3A_245 : memref<128x64xf32, #tpu.memory_space<vmem_shared>>) target(%dma_start3A_243 : memref<128x64xf32, #tpu.memory_space<hbm>>) target_semaphore(%arg10 : memref<!tpu.dma_semaphore, #tpu.memory_space<semaphore_mem>>)
    %mul3A_246 = arith.constant 640 : i32
    %mul3A_247 = arith.muli %arg1, %mul3A_246 : i32
    %add3A_248 = arith.constant 0 : i32
    %add3A_249 = arith.addi %mul3A_247, %add3A_248 : i32
    %mul3A_250 = arith.constant 640 : i32
    %mul3A_251 = arith.muli %arg1, %mul3A_250 : i32
    %add3A_252 = arith.constant 0 : i32
    %add3A_253 = arith.addi %mul3A_251, %add3A_252 : i32
    %dma_wait3A_254 = arith.constant 0 : i32
    %dma_wait3A_255 = tpu.memref_slice %arg4[%arg0, %add3A_253, %dma_wait3A_254] : memref<2x10240x64xf32, #tpu.memory_space<hbm>> -> memref<1x128x64xf32, #tpu.memory_space<hbm>>
    %dma_wait3A_256 = tpu.memref_squeeze %dma_wait3A_255 : memref<1x128x64xf32, #tpu.memory_space<hbm>> -> memref<128x64xf32, #tpu.memory_space<hbm>>
    %dma_wait3A_257 = arith.constant 0 : i32
    %dma_wait3A_258 = tpu.memref_slice %arg8[%add3A_249, %dma_wait3A_257] : memref<10240x64xf32, #tpu.memory_space<vmem_shared>> -> memref<128x64xf32, #tpu.memory_space<vmem_shared>>
    tpu.wait_dma2 semaphore(%arg10 : memref<!tpu.dma_semaphore, #tpu.memory_space<semaphore_mem>>) src(%dma_wait3A_258 : memref<128x64xf32, #tpu.memory_space<vmem_shared>>) dst(%dma_wait3A_256 : memref<128x64xf32, #tpu.memory_space<hbm>>)
    %mul3A_259 = arith.constant 640 : i32
    %mul3A_260 = arith.muli %arg1, %mul3A_259 : i32
    %add3A_261 = arith.constant 128 : i32
    %add3A_262 = arith.addi %mul3A_260, %add3A_261 : i32
    %mul3A_263 = arith.constant 640 : i32
    %mul3A_264 = arith.muli %arg1, %mul3A_263 : i32
    %add3A_265 = arith.constant 128 : i32
    %add3A_266 = arith.addi %mul3A_264, %add3A_265 : i32
    %dma_wait3A_267 = arith.constant 0 : i32
    %dma_wait3A_268 = tpu.memref_slice %arg4[%arg0, %add3A_266, %dma_wait3A_267] : memref<2x10240x64xf32, #tpu.memory_space<hbm>> -> memref<1x128x64xf32, #tpu.memory_space<hbm>>
    %dma_wait3A_269 = tpu.memref_squeeze %dma_wait3A_268 : memref<1x128x64xf32, #tpu.memory_space<hbm>> -> memref<128x64xf32, #tpu.memory_space<hbm>>
    %dma_wait3A_270 = arith.constant 0 : i32
    %dma_wait3A_271 = tpu.memref_slice %arg8[%add3A_262, %dma_wait3A_270] : memref<10240x64xf32, #tpu.memory_space<vmem_shared>> -> memref<128x64xf32, #tpu.memory_space<vmem_shared>>
    tpu.wait_dma2 semaphore(%arg10 : memref<!tpu.dma_semaphore, #tpu.memory_space<semaphore_mem>>) src(%dma_wait3A_271 : memref<128x64xf32, #tpu.memory_space<vmem_shared>>) dst(%dma_wait3A_269 : memref<128x64xf32, #tpu.memory_space<hbm>>)
    %mul3A_272 = arith.constant 640 : i32
    %mul3A_273 = arith.muli %arg1, %mul3A_272 : i32
    %add3A_274 = arith.constant 256 : i32
    %add3A_275 = arith.addi %mul3A_273, %add3A_274 : i32
    %mul3A_276 = arith.constant 640 : i32
    %mul3A_277 = arith.muli %arg1, %mul3A_276 : i32
    %add3A_278 = arith.constant 256 : i32
    %add3A_279 = arith.addi %mul3A_277, %add3A_278 : i32
    %dma_wait3A_280 = arith.constant 0 : i32
    %dma_wait3A_281 = tpu.memref_slice %arg4[%arg0, %add3A_279, %dma_wait3A_280] : memref<2x10240x64xf32, #tpu.memory_space<hbm>> -> memref<1x128x64xf32, #tpu.memory_space<hbm>>
    %dma_wait3A_282 = tpu.memref_squeeze %dma_wait3A_281 : memref<1x128x64xf32, #tpu.memory_space<hbm>> -> memref<128x64xf32, #tpu.memory_space<hbm>>
    %dma_wait3A_283 = arith.constant 0 : i32
    %dma_wait3A_284 = tpu.memref_slice %arg8[%add3A_275, %dma_wait3A_283] : memref<10240x64xf32, #tpu.memory_space<vmem_shared>> -> memref<128x64xf32, #tpu.memory_space<vmem_shared>>
    tpu.wait_dma2 semaphore(%arg10 : memref<!tpu.dma_semaphore, #tpu.memory_space<semaphore_mem>>) src(%dma_wait3A_284 : memref<128x64xf32, #tpu.memory_space<vmem_shared>>) dst(%dma_wait3A_282 : memref<128x64xf32, #tpu.memory_space<hbm>>)
    %mul3A_285 = arith.constant 640 : i32
    %mul3A_286 = arith.muli %arg1, %mul3A_285 : i32
    %add3A_287 = arith.constant 384 : i32
    %add3A_288 = arith.addi %mul3A_286, %add3A_287 : i32
    %mul3A_289 = arith.constant 640 : i32
    %mul3A_290 = arith.muli %arg1, %mul3A_289 : i32
    %add3A_291 = arith.constant 384 : i32
    %add3A_292 = arith.addi %mul3A_290, %add3A_291 : i32
    %dma_wait3A_293 = arith.constant 0 : i32
    %dma_wait3A_294 = tpu.memref_slice %arg4[%arg0, %add3A_292, %dma_wait3A_293] : memref<2x10240x64xf32, #tpu.memory_space<hbm>> -> memref<1x128x64xf32, #tpu.memory_space<hbm>>
    %dma_wait3A_295 = tpu.memref_squeeze %dma_wait3A_294 : memref<1x128x64xf32, #tpu.memory_space<hbm>> -> memref<128x64xf32, #tpu.memory_space<hbm>>
    %dma_wait3A_296 = arith.constant 0 : i32
    %dma_wait3A_297 = tpu.memref_slice %arg8[%add3A_288, %dma_wait3A_296] : memref<10240x64xf32, #tpu.memory_space<vmem_shared>> -> memref<128x64xf32, #tpu.memory_space<vmem_shared>>
    tpu.wait_dma2 semaphore(%arg10 : memref<!tpu.dma_semaphore, #tpu.memory_space<semaphore_mem>>) src(%dma_wait3A_297 : memref<128x64xf32, #tpu.memory_space<vmem_shared>>) dst(%dma_wait3A_295 : memref<128x64xf32, #tpu.memory_space<hbm>>)
    %mul3A_298 = arith.constant 640 : i32
    %mul3A_299 = arith.muli %arg1, %mul3A_298 : i32
    %add3A_300 = arith.constant 512 : i32
    %add3A_301 = arith.addi %mul3A_299, %add3A_300 : i32
    %mul3A_302 = arith.constant 640 : i32
    %mul3A_303 = arith.muli %arg1, %mul3A_302 : i32
    %add3A_304 = arith.constant 512 : i32
    %add3A_305 = arith.addi %mul3A_303, %add3A_304 : i32
    %dma_wait3A_306 = arith.constant 0 : i32
    %dma_wait3A_307 = tpu.memref_slice %arg4[%arg0, %add3A_305, %dma_wait3A_306] : memref<2x10240x64xf32, #tpu.memory_space<hbm>> -> memref<1x128x64xf32, #tpu.memory_space<hbm>>
    %dma_wait3A_308 = tpu.memref_squeeze %dma_wait3A_307 : memref<1x128x64xf32, #tpu.memory_space<hbm>> -> memref<128x64xf32, #tpu.memory_space<hbm>>
    %dma_wait3A_309 = arith.constant 0 : i32
    %dma_wait3A_310 = tpu.memref_slice %arg8[%add3A_301, %dma_wait3A_309] : memref<10240x64xf32, #tpu.memory_space<vmem_shared>> -> memref<128x64xf32, #tpu.memory_space<vmem_shared>>
    tpu.wait_dma2 semaphore(%arg10 : memref<!tpu.dma_semaphore, #tpu.memory_space<semaphore_mem>>) src(%dma_wait3A_310 : memref<128x64xf32, #tpu.memory_space<vmem_shared>>) dst(%dma_wait3A_308 : memref<128x64xf32, #tpu.memory_space<hbm>>)
    return
  }
}

#map = affine_map<(d0, d1) -> (0, 0, 0, 0)>
#map1 = affine_map<(d0, d1) -> (0, 0, 0)>
module attributes {stable_mosaic.version = 14 : i64} {
  func.func @body(%arg0: i32, %arg1: i32, %arg2: memref<2x32x79x128xi32, #tpu.memory_space<hbm>>, %arg3: memref<2x10240x16xf32, #tpu.memory_space<hbm>>, %arg4: memref<79x128xi32, #tpu.memory_space<vmem>>, %arg5: memref<128x16xf32, #tpu.memory_space<vmem>>, %arg6: memref<10240x16xf32, #tpu.memory_space<vmem_shared>>) attributes {dimension_semantics = [#tpu.dimension_semantics<core_parallel>, #tpu.dimension_semantics<subcore_parallel>], iteration_bounds = array<i64: 2, 16>, scalar_prefetch = 0 : i64, scratch_operands = 3 : i64, tpu.core_type = #tpu.core_type<sc_vector_subcore>, window_params = [{transform_indices = #map}, {transform_indices = #map1}]} {
    %mul3A = arith.constant 2 : i32
    %mul3A_0 = arith.muli %arg1, %mul3A : i32
    %add3A = arith.addi %mul3A_0, %arg0 : i32
    %run_scoped3A = arith.constant 1 : i32
    "tpu.region"() ({
      %run_scoped3A_85 = tpu.sem_alloc : memref<!tpu.dma_semaphore, #tpu.memory_space<semaphore_mem>>
      %dma_start3A = arith.constant 0 : i32
      %dma_start3A_86 = arith.constant 0 : i32
      %dma_start3A_87 = tpu.memref_slice %arg2[%run_scoped3A, %add3A, %dma_start3A, %dma_start3A_86] : memref<2x32x79x128xi32, #tpu.memory_space<hbm>> -> memref<1x1x79x128xi32, #tpu.memory_space<hbm>>
      %dma_start3A_88 = tpu.memref_squeeze %dma_start3A_87 : memref<1x1x79x128xi32, #tpu.memory_space<hbm>> -> memref<79x128xi32, #tpu.memory_space<hbm>>
      %dma_start3A_89 = arith.constant 0 : i32
      %dma_start3A_90 = arith.constant 0 : i32
      %dma_start3A_91 = tpu.memref_slice %arg2[%run_scoped3A, %add3A, %dma_start3A_89, %dma_start3A_90] : memref<2x32x79x128xi32, #tpu.memory_space<hbm>> -> memref<1x1x79x128xi32, #tpu.memory_space<hbm>>
      %dma_start3A_92 = tpu.memref_squeeze %dma_start3A_91 : memref<1x1x79x128xi32, #tpu.memory_space<hbm>> -> memref<79x128xi32, #tpu.memory_space<hbm>>
      tpu.enqueue_dma source(%dma_start3A_92 : memref<79x128xi32, #tpu.memory_space<hbm>>) target(%arg4 : memref<79x128xi32, #tpu.memory_space<vmem>>) target_semaphore(%run_scoped3A_85 : memref<!tpu.dma_semaphore, #tpu.memory_space<semaphore_mem>>)
      %dma_wait3A = arith.constant 0 : i32
      %dma_wait3A_93 = arith.constant 0 : i32
      %dma_wait3A_94 = tpu.memref_slice %arg2[%run_scoped3A, %add3A, %dma_wait3A, %dma_wait3A_93] : memref<2x32x79x128xi32, #tpu.memory_space<hbm>> -> memref<1x1x79x128xi32, #tpu.memory_space<hbm>>
      %dma_wait3A_95 = tpu.memref_squeeze %dma_wait3A_94 : memref<1x1x79x128xi32, #tpu.memory_space<hbm>> -> memref<79x128xi32, #tpu.memory_space<hbm>>
      %dma_wait3A_96 = arith.constant 0 : i32
      %dma_wait3A_97 = arith.constant 0 : i32
      %dma_wait3A_98 = tpu.memref_slice %arg2[%run_scoped3A, %add3A, %dma_wait3A_96, %dma_wait3A_97] : memref<2x32x79x128xi32, #tpu.memory_space<hbm>> -> memref<1x1x79x128xi32, #tpu.memory_space<hbm>>
      %dma_wait3A_99 = tpu.memref_squeeze %dma_wait3A_98 : memref<1x1x79x128xi32, #tpu.memory_space<hbm>> -> memref<79x128xi32, #tpu.memory_space<hbm>>
      tpu.wait_dma2 semaphore(%run_scoped3A_85 : memref<!tpu.dma_semaphore, #tpu.memory_space<semaphore_mem>>) src(%dma_wait3A_99 : memref<79x128xi32, #tpu.memory_space<hbm>>) dst(%arg4 : memref<79x128xi32, #tpu.memory_space<vmem>>)
      tpu.yield
    }) : () -> ()
    %broadcast_in_dim3A = arith.constant 0.000000e+00 : f32
    %broadcast_in_dim3A_1 = vector.broadcast %broadcast_in_dim3A : f32 to vector<16xf32>
    %scan3A = arith.constant 0 : i32
    %scan3A_2 = arith.constant 0 : i32
    %scan3A_3 = arith.constant 128 : i32
    %scan3A_4 = arith.addi %scan3A_2, %scan3A_3 : i32
    %scan3A_5 = arith.constant 1 : i32
    %scan3A_6 = scf.for %scan3A_85 = %scan3A_2 to %scan3A_4 step %scan3A_5 iter_args(%scan3A_86 = %scan3A) -> (i32)  : i32 {
      %jit3A = arith.constant 1 : i32
      %div3A = arith.divsi %scan3A_85, %jit3A : i32
      %sign3A = arith.constant 0 : i32
      %sign3A_87 = arith.cmpi sgt, %scan3A_85, %sign3A : i32
      %sign3A_88 = arith.extui %sign3A_87 : i1 to i32
      %sign3A_89 = arith.constant 0 : i32
      %sign3A_90 = arith.cmpi slt, %scan3A_85, %sign3A_89 : i32
      %sign3A_91 = arith.extui %sign3A_90 : i1 to i32
      %sign3A_92 = arith.subi %sign3A_88, %sign3A_91 : i32
      %sign3A_93 = arith.constant 0 : i32
      %sign3A_94 = arith.cmpi sgt, %jit3A, %sign3A_93 : i32
      %sign3A_95 = arith.extui %sign3A_94 : i1 to i32
      %sign3A_96 = arith.constant 0 : i32
      %sign3A_97 = arith.cmpi slt, %jit3A, %sign3A_96 : i32
      %sign3A_98 = arith.extui %sign3A_97 : i1 to i32
      %sign3A_99 = arith.subi %sign3A_95, %sign3A_98 : i32
      %ne3A = arith.cmpi ne, %sign3A_92, %sign3A_99 : i32
      %rem3A = arith.remsi %scan3A_85, %jit3A : i32
      %ne3A_100 = arith.constant 0 : i32
      %ne3A_101 = arith.cmpi ne, %rem3A, %ne3A_100 : i32
      %and3A = arith.andi %ne3A, %ne3A_101 : i1
      %sub3A = arith.constant 1 : i32
      %sub3A_102 = arith.subi %div3A, %sub3A : i32
      %select_n3A = arith.select %and3A, %sub3A_102, %div3A : i32
      %rem3A_103 = arith.constant 1 : i32
      %rem3A_104 = arith.remsi %scan3A_85, %rem3A_103 : i32
      %mul3A_105 = arith.constant 16 : i32
      %mul3A_106 = arith.muli %rem3A_104, %mul3A_105 : i32
      %swap3A = arith.index_cast %select_n3A : i32 to index
      %swap3A_107 = arith.index_cast %mul3A_106 : i32 to index
      %swap3A_108 = tpu.vector_load %arg5[%swap3A, %swap3A_107] {strides = array<i32>} : memref<128x16xf32, #tpu.memory_space<vmem>>, vector<1x16xf32>,
      %swap3A_109 = vector.shape_cast %swap3A_108 : vector<1x16xf32> to vector<16xf32>
      %swap3A_110 = vector.shape_cast %broadcast_in_dim3A_1 : vector<16xf32> to vector<1x16xf32>
      tpu.vector_store %arg5[%swap3A, %swap3A_107], %swap3A_110 {strides = array<i32>} : memref<128x16xf32, #tpu.memory_space<vmem>>, vector<1x16xf32>,
      %scan3A_111 = arith.constant 0 : i32
      scf.yield %scan3A_111 : i32
    }
    %scan3A_7 = arith.constant 128 : i32
    %mul3A_8 = arith.constant 640 : i32
    %mul3A_9 = arith.muli %arg1, %mul3A_8 : i32
    %add3A_10 = arith.constant 0 : i32
    %add3A_11 = arith.addi %mul3A_9, %add3A_10 : i32
    "tpu.region"() ({
      %run_scoped3A_85 = tpu.sem_alloc : memref<!tpu.dma_semaphore, #tpu.memory_space<semaphore_mem>>
      %dma_start3A = arith.constant 0 : i32
      %dma_start3A_86 = tpu.memref_slice %arg6[%add3A_11, %dma_start3A] : memref<10240x16xf32, #tpu.memory_space<vmem_shared>> -> memref<128x16xf32, #tpu.memory_space<vmem_shared>>
      %dma_start3A_87 = arith.constant 0 : i32
      %dma_start3A_88 = tpu.memref_slice %arg6[%add3A_11, %dma_start3A_87] : memref<10240x16xf32, #tpu.memory_space<vmem_shared>> -> memref<128x16xf32, #tpu.memory_space<vmem_shared>>
      tpu.enqueue_dma source(%arg5 : memref<128x16xf32, #tpu.memory_space<vmem>>) target(%dma_start3A_88 : memref<128x16xf32, #tpu.memory_space<vmem_shared>>) target_semaphore(%run_scoped3A_85 : memref<!tpu.dma_semaphore, #tpu.memory_space<semaphore_mem>>)
      %dma_wait3A = arith.constant 0 : i32
      %dma_wait3A_89 = tpu.memref_slice %arg6[%add3A_11, %dma_wait3A] : memref<10240x16xf32, #tpu.memory_space<vmem_shared>> -> memref<128x16xf32, #tpu.memory_space<vmem_shared>>
      %dma_wait3A_90 = arith.constant 0 : i32
      %dma_wait3A_91 = tpu.memref_slice %arg6[%add3A_11, %dma_wait3A_90] : memref<10240x16xf32, #tpu.memory_space<vmem_shared>> -> memref<128x16xf32, #tpu.memory_space<vmem_shared>>
      tpu.wait_dma2 semaphore(%run_scoped3A_85 : memref<!tpu.dma_semaphore, #tpu.memory_space<semaphore_mem>>) src(%arg5 : memref<128x16xf32, #tpu.memory_space<vmem>>) dst(%dma_wait3A_91 : memref<128x16xf32, #tpu.memory_space<vmem_shared>>)
      tpu.yield
    }) : () -> ()
    %mul3A_12 = arith.constant 640 : i32
    %mul3A_13 = arith.muli %arg1, %mul3A_12 : i32
    %add3A_14 = arith.constant 128 : i32
    %add3A_15 = arith.addi %mul3A_13, %add3A_14 : i32
    "tpu.region"() ({
      %run_scoped3A_85 = tpu.sem_alloc : memref<!tpu.dma_semaphore, #tpu.memory_space<semaphore_mem>>
      %dma_start3A = arith.constant 0 : i32
      %dma_start3A_86 = tpu.memref_slice %arg6[%add3A_15, %dma_start3A] : memref<10240x16xf32, #tpu.memory_space<vmem_shared>> -> memref<128x16xf32, #tpu.memory_space<vmem_shared>>
      %dma_start3A_87 = arith.constant 0 : i32
      %dma_start3A_88 = tpu.memref_slice %arg6[%add3A_15, %dma_start3A_87] : memref<10240x16xf32, #tpu.memory_space<vmem_shared>> -> memref<128x16xf32, #tpu.memory_space<vmem_shared>>
      tpu.enqueue_dma source(%arg5 : memref<128x16xf32, #tpu.memory_space<vmem>>) target(%dma_start3A_88 : memref<128x16xf32, #tpu.memory_space<vmem_shared>>) target_semaphore(%run_scoped3A_85 : memref<!tpu.dma_semaphore, #tpu.memory_space<semaphore_mem>>)
      %dma_wait3A = arith.constant 0 : i32
      %dma_wait3A_89 = tpu.memref_slice %arg6[%add3A_15, %dma_wait3A] : memref<10240x16xf32, #tpu.memory_space<vmem_shared>> -> memref<128x16xf32, #tpu.memory_space<vmem_shared>>
      %dma_wait3A_90 = arith.constant 0 : i32
      %dma_wait3A_91 = tpu.memref_slice %arg6[%add3A_15, %dma_wait3A_90] : memref<10240x16xf32, #tpu.memory_space<vmem_shared>> -> memref<128x16xf32, #tpu.memory_space<vmem_shared>>
      tpu.wait_dma2 semaphore(%run_scoped3A_85 : memref<!tpu.dma_semaphore, #tpu.memory_space<semaphore_mem>>) src(%arg5 : memref<128x16xf32, #tpu.memory_space<vmem>>) dst(%dma_wait3A_91 : memref<128x16xf32, #tpu.memory_space<vmem_shared>>)
      tpu.yield
    }) : () -> ()
    %mul3A_16 = arith.constant 640 : i32
    %mul3A_17 = arith.muli %arg1, %mul3A_16 : i32
    %add3A_18 = arith.constant 256 : i32
    %add3A_19 = arith.addi %mul3A_17, %add3A_18 : i32
    "tpu.region"() ({
      %run_scoped3A_85 = tpu.sem_alloc : memref<!tpu.dma_semaphore, #tpu.memory_space<semaphore_mem>>
      %dma_start3A = arith.constant 0 : i32
      %dma_start3A_86 = tpu.memref_slice %arg6[%add3A_19, %dma_start3A] : memref<10240x16xf32, #tpu.memory_space<vmem_shared>> -> memref<128x16xf32, #tpu.memory_space<vmem_shared>>
      %dma_start3A_87 = arith.constant 0 : i32
      %dma_start3A_88 = tpu.memref_slice %arg6[%add3A_19, %dma_start3A_87] : memref<10240x16xf32, #tpu.memory_space<vmem_shared>> -> memref<128x16xf32, #tpu.memory_space<vmem_shared>>
      tpu.enqueue_dma source(%arg5 : memref<128x16xf32, #tpu.memory_space<vmem>>) target(%dma_start3A_88 : memref<128x16xf32, #tpu.memory_space<vmem_shared>>) target_semaphore(%run_scoped3A_85 : memref<!tpu.dma_semaphore, #tpu.memory_space<semaphore_mem>>)
      %dma_wait3A = arith.constant 0 : i32
      %dma_wait3A_89 = tpu.memref_slice %arg6[%add3A_19, %dma_wait3A] : memref<10240x16xf32, #tpu.memory_space<vmem_shared>> -> memref<128x16xf32, #tpu.memory_space<vmem_shared>>
      %dma_wait3A_90 = arith.constant 0 : i32
      %dma_wait3A_91 = tpu.memref_slice %arg6[%add3A_19, %dma_wait3A_90] : memref<10240x16xf32, #tpu.memory_space<vmem_shared>> -> memref<128x16xf32, #tpu.memory_space<vmem_shared>>
      tpu.wait_dma2 semaphore(%run_scoped3A_85 : memref<!tpu.dma_semaphore, #tpu.memory_space<semaphore_mem>>) src(%arg5 : memref<128x16xf32, #tpu.memory_space<vmem>>) dst(%dma_wait3A_91 : memref<128x16xf32, #tpu.memory_space<vmem_shared>>)
      tpu.yield
    }) : () -> ()
    %mul3A_20 = arith.constant 640 : i32
    %mul3A_21 = arith.muli %arg1, %mul3A_20 : i32
    %add3A_22 = arith.constant 384 : i32
    %add3A_23 = arith.addi %mul3A_21, %add3A_22 : i32
    "tpu.region"() ({
      %run_scoped3A_85 = tpu.sem_alloc : memref<!tpu.dma_semaphore, #tpu.memory_space<semaphore_mem>>
      %dma_start3A = arith.constant 0 : i32
      %dma_start3A_86 = tpu.memref_slice %arg6[%add3A_23, %dma_start3A] : memref<10240x16xf32, #tpu.memory_space<vmem_shared>> -> memref<128x16xf32, #tpu.memory_space<vmem_shared>>
      %dma_start3A_87 = arith.constant 0 : i32
      %dma_start3A_88 = tpu.memref_slice %arg6[%add3A_23, %dma_start3A_87] : memref<10240x16xf32, #tpu.memory_space<vmem_shared>> -> memref<128x16xf32, #tpu.memory_space<vmem_shared>>
      tpu.enqueue_dma source(%arg5 : memref<128x16xf32, #tpu.memory_space<vmem>>) target(%dma_start3A_88 : memref<128x16xf32, #tpu.memory_space<vmem_shared>>) target_semaphore(%run_scoped3A_85 : memref<!tpu.dma_semaphore, #tpu.memory_space<semaphore_mem>>)
      %dma_wait3A = arith.constant 0 : i32
      %dma_wait3A_89 = tpu.memref_slice %arg6[%add3A_23, %dma_wait3A] : memref<10240x16xf32, #tpu.memory_space<vmem_shared>> -> memref<128x16xf32, #tpu.memory_space<vmem_shared>>
      %dma_wait3A_90 = arith.constant 0 : i32
      %dma_wait3A_91 = tpu.memref_slice %arg6[%add3A_23, %dma_wait3A_90] : memref<10240x16xf32, #tpu.memory_space<vmem_shared>> -> memref<128x16xf32, #tpu.memory_space<vmem_shared>>
      tpu.wait_dma2 semaphore(%run_scoped3A_85 : memref<!tpu.dma_semaphore, #tpu.memory_space<semaphore_mem>>) src(%arg5 : memref<128x16xf32, #tpu.memory_space<vmem>>) dst(%dma_wait3A_91 : memref<128x16xf32, #tpu.memory_space<vmem_shared>>)
      tpu.yield
    }) : () -> ()
    %mul3A_24 = arith.constant 640 : i32
    %mul3A_25 = arith.muli %arg1, %mul3A_24 : i32
    %add3A_26 = arith.constant 512 : i32
    %add3A_27 = arith.addi %mul3A_25, %add3A_26 : i32
    "tpu.region"() ({
      %run_scoped3A_85 = tpu.sem_alloc : memref<!tpu.dma_semaphore, #tpu.memory_space<semaphore_mem>>
      %dma_start3A = arith.constant 0 : i32
      %dma_start3A_86 = tpu.memref_slice %arg6[%add3A_27, %dma_start3A] : memref<10240x16xf32, #tpu.memory_space<vmem_shared>> -> memref<128x16xf32, #tpu.memory_space<vmem_shared>>
      %dma_start3A_87 = arith.constant 0 : i32
      %dma_start3A_88 = tpu.memref_slice %arg6[%add3A_27, %dma_start3A_87] : memref<10240x16xf32, #tpu.memory_space<vmem_shared>> -> memref<128x16xf32, #tpu.memory_space<vmem_shared>>
      tpu.enqueue_dma source(%arg5 : memref<128x16xf32, #tpu.memory_space<vmem>>) target(%dma_start3A_88 : memref<128x16xf32, #tpu.memory_space<vmem_shared>>) target_semaphore(%run_scoped3A_85 : memref<!tpu.dma_semaphore, #tpu.memory_space<semaphore_mem>>)
      %dma_wait3A = arith.constant 0 : i32
      %dma_wait3A_89 = tpu.memref_slice %arg6[%add3A_27, %dma_wait3A] : memref<10240x16xf32, #tpu.memory_space<vmem_shared>> -> memref<128x16xf32, #tpu.memory_space<vmem_shared>>
      %dma_wait3A_90 = arith.constant 0 : i32
      %dma_wait3A_91 = tpu.memref_slice %arg6[%add3A_27, %dma_wait3A_90] : memref<10240x16xf32, #tpu.memory_space<vmem_shared>> -> memref<128x16xf32, #tpu.memory_space<vmem_shared>>
      tpu.wait_dma2 semaphore(%run_scoped3A_85 : memref<!tpu.dma_semaphore, #tpu.memory_space<semaphore_mem>>) src(%arg5 : memref<128x16xf32, #tpu.memory_space<vmem>>) dst(%dma_wait3A_91 : memref<128x16xf32, #tpu.memory_space<vmem_shared>>)
      tpu.yield
    }) : () -> ()
    %broadcast_in_dim3A_28 = arith.constant 1.000000e+00 : f32
    %broadcast_in_dim3A_29 = vector.broadcast %broadcast_in_dim3A_28 : f32 to vector<16xf32>
    %scan3A_30 = arith.constant 0 : i32
    %scan3A_31 = arith.constant 0 : i32
    %scan3A_32 = arith.constant 128 : i32
    %scan3A_33 = arith.addi %scan3A_31, %scan3A_32 : i32
    %scan3A_34 = arith.constant 1 : i32
    %scan3A_35 = scf.for %scan3A_85 = %scan3A_31 to %scan3A_33 step %scan3A_34 iter_args(%scan3A_86 = %scan3A_30) -> (i32)  : i32 {
      %swap3A = arith.index_cast %scan3A_85 : i32 to index
      %swap3A_87 = arith.constant 0 : index
      %swap3A_88 = tpu.vector_load %arg5[%swap3A, %swap3A_87] {strides = array<i32>} : memref<128x16xf32, #tpu.memory_space<vmem>>, vector<1x16xf32>,
      %swap3A_89 = vector.shape_cast %swap3A_88 : vector<1x16xf32> to vector<16xf32>
      %swap3A_90 = vector.shape_cast %broadcast_in_dim3A_29 : vector<16xf32> to vector<1x16xf32>
      tpu.vector_store %arg5[%swap3A, %swap3A_87], %swap3A_90 {strides = array<i32>} : memref<128x16xf32, #tpu.memory_space<vmem>>, vector<1x16xf32>,
      %scan3A_91 = arith.constant 0 : i32
      scf.yield %scan3A_91 : i32
    }
    %scan3A_36 = arith.constant 128 : i32
    %barrier3A = arith.constant 0 : index
    tpu.barrier barrier_id(%barrier3A)
    %scan3A_37 = arith.constant 0 : i32
    %scan3A_38 = arith.constant 0 : i32
    %scan3A_39 = arith.constant 79 : i32
    %scan3A_40 = arith.addi %scan3A_38, %scan3A_39 : i32
    %scan3A_41 = arith.constant 1 : i32
    %scan3A_42 = scf.for %scan3A_85 = %scan3A_38 to %scan3A_40 step %scan3A_41 iter_args(%scan3A_86 = %scan3A_37) -> (i32)  : i32 {
      "tpu.region"() ({
        %run_scoped3A_88 = tpu.sem_alloc : memref<!tpu.dma_semaphore, #tpu.memory_space<semaphore_mem>>
        %dma_start3A = arith.constant 0 : i32
        %dma_start3A_89 = tpu.memref_slice %arg4[%scan3A_85, %dma_start3A] : memref<79x128xi32, #tpu.memory_space<vmem>> -> memref<1x128xi32, #tpu.memory_space<vmem>>
        %dma_start3A_90 = tpu.memref_squeeze %dma_start3A_89 : memref<1x128xi32, #tpu.memory_space<vmem>> -> memref<128xi32, #tpu.memory_space<vmem>>
        %dma_start3A_91 = arith.constant 0 : i32
        %dma_start3A_92 = arith.constant 0 : i32
        %dma_start3A_93 = tpu.memref_slice %arg6[%dma_start3A_91, %dma_start3A_92] : memref<10240x16xf32, #tpu.memory_space<vmem_shared>> -> memref<10240x16xf32, #tpu.memory_space<vmem_shared>>
        tpu.enqueue_indirect_dma source(%arg5 : memref<128x16xf32, #tpu.memory_space<vmem>>) target(%dma_start3A_93 : memref<10240x16xf32, #tpu.memory_space<vmem_shared>>) offsets(%dma_start3A_90 : memref<128xi32, #tpu.memory_space<vmem>>) semaphore(%run_scoped3A_88 : memref<!tpu.dma_semaphore, #tpu.memory_space<semaphore_mem>>) {add = true}
        %dma_wait3A = arith.constant 0 : i32
        %dma_wait3A_94 = tpu.memref_slice %arg4[%scan3A_85, %dma_wait3A] : memref<79x128xi32, #tpu.memory_space<vmem>> -> memref<1x128xi32, #tpu.memory_space<vmem>>
        %dma_wait3A_95 = tpu.memref_squeeze %dma_wait3A_94 : memref<1x128xi32, #tpu.memory_space<vmem>> -> memref<128xi32, #tpu.memory_space<vmem>>
        %dma_wait3A_96 = arith.constant 0 : i32
        %dma_wait3A_97 = arith.constant 0 : i32
        %dma_wait3A_98 = tpu.memref_slice %arg6[%dma_wait3A_96, %dma_wait3A_97] : memref<10240x16xf32, #tpu.memory_space<vmem_shared>> -> memref<10240x16xf32, #tpu.memory_space<vmem_shared>>
        tpu.wait_indirect_dma semaphore(%run_scoped3A_88 : memref<!tpu.dma_semaphore, #tpu.memory_space<semaphore_mem>>) src(%arg5 : memref<128x16xf32, #tpu.memory_space<vmem>>) dst(%dma_wait3A_98 : memref<10240x16xf32, #tpu.memory_space<vmem_shared>>)
        tpu.yield
      }) : () -> ()
      %scan3A_87 = arith.constant 0 : i32
      scf.yield %scan3A_87 : i32
    }
    %scan3A_43 = arith.constant 79 : i32
    %barrier3A_44 = arith.constant 0 : index
    tpu.barrier barrier_id(%barrier3A_44)
    %mul3A_45 = arith.constant 640 : i32
    %mul3A_46 = arith.muli %arg1, %mul3A_45 : i32
    %add3A_47 = arith.constant 0 : i32
    %add3A_48 = arith.addi %mul3A_46, %add3A_47 : i32
    %mul3A_49 = arith.constant 640 : i32
    %mul3A_50 = arith.muli %arg1, %mul3A_49 : i32
    %add3A_51 = arith.constant 0 : i32
    %add3A_52 = arith.addi %mul3A_50, %add3A_51 : i32
    "tpu.region"() ({
      %run_scoped3A_85 = tpu.sem_alloc : memref<!tpu.dma_semaphore, #tpu.memory_space<semaphore_mem>>
      %dma_start3A = arith.constant 0 : i32
      %dma_start3A_86 = tpu.memref_slice %arg3[%arg0, %add3A_52, %dma_start3A] : memref<2x10240x16xf32, #tpu.memory_space<hbm>> -> memref<1x128x16xf32, #tpu.memory_space<hbm>>
      %dma_start3A_87 = tpu.memref_squeeze %dma_start3A_86 : memref<1x128x16xf32, #tpu.memory_space<hbm>> -> memref<128x16xf32, #tpu.memory_space<hbm>>
      %dma_start3A_88 = arith.constant 0 : i32
      %dma_start3A_89 = tpu.memref_slice %arg6[%add3A_48, %dma_start3A_88] : memref<10240x16xf32, #tpu.memory_space<vmem_shared>> -> memref<128x16xf32, #tpu.memory_space<vmem_shared>>
      tpu.enqueue_dma source(%dma_start3A_89 : memref<128x16xf32, #tpu.memory_space<vmem_shared>>) target(%dma_start3A_87 : memref<128x16xf32, #tpu.memory_space<hbm>>) target_semaphore(%run_scoped3A_85 : memref<!tpu.dma_semaphore, #tpu.memory_space<semaphore_mem>>)
      %dma_wait3A = arith.constant 0 : i32
      %dma_wait3A_90 = tpu.memref_slice %arg3[%arg0, %add3A_52, %dma_wait3A] : memref<2x10240x16xf32, #tpu.memory_space<hbm>> -> memref<1x128x16xf32, #tpu.memory_space<hbm>>
      %dma_wait3A_91 = tpu.memref_squeeze %dma_wait3A_90 : memref<1x128x16xf32, #tpu.memory_space<hbm>> -> memref<128x16xf32, #tpu.memory_space<hbm>>
      %dma_wait3A_92 = arith.constant 0 : i32
      %dma_wait3A_93 = tpu.memref_slice %arg6[%add3A_48, %dma_wait3A_92] : memref<10240x16xf32, #tpu.memory_space<vmem_shared>> -> memref<128x16xf32, #tpu.memory_space<vmem_shared>>
      tpu.wait_dma2 semaphore(%run_scoped3A_85 : memref<!tpu.dma_semaphore, #tpu.memory_space<semaphore_mem>>) src(%dma_wait3A_93 : memref<128x16xf32, #tpu.memory_space<vmem_shared>>) dst(%dma_wait3A_91 : memref<128x16xf32, #tpu.memory_space<hbm>>)
      tpu.yield
    }) : () -> ()
    %mul3A_53 = arith.constant 640 : i32
    %mul3A_54 = arith.muli %arg1, %mul3A_53 : i32
    %add3A_55 = arith.constant 128 : i32
    %add3A_56 = arith.addi %mul3A_54, %add3A_55 : i32
    %mul3A_57 = arith.constant 640 : i32
    %mul3A_58 = arith.muli %arg1, %mul3A_57 : i32
    %add3A_59 = arith.constant 128 : i32
    %add3A_60 = arith.addi %mul3A_58, %add3A_59 : i32
    "tpu.region"() ({
      %run_scoped3A_85 = tpu.sem_alloc : memref<!tpu.dma_semaphore, #tpu.memory_space<semaphore_mem>>
      %dma_start3A = arith.constant 0 : i32
      %dma_start3A_86 = tpu.memref_slice %arg3[%arg0, %add3A_60, %dma_start3A] : memref<2x10240x16xf32, #tpu.memory_space<hbm>> -> memref<1x128x16xf32, #tpu.memory_space<hbm>>
      %dma_start3A_87 = tpu.memref_squeeze %dma_start3A_86 : memref<1x128x16xf32, #tpu.memory_space<hbm>> -> memref<128x16xf32, #tpu.memory_space<hbm>>
      %dma_start3A_88 = arith.constant 0 : i32
      %dma_start3A_89 = tpu.memref_slice %arg6[%add3A_56, %dma_start3A_88] : memref<10240x16xf32, #tpu.memory_space<vmem_shared>> -> memref<128x16xf32, #tpu.memory_space<vmem_shared>>
      tpu.enqueue_dma source(%dma_start3A_89 : memref<128x16xf32, #tpu.memory_space<vmem_shared>>) target(%dma_start3A_87 : memref<128x16xf32, #tpu.memory_space<hbm>>) target_semaphore(%run_scoped3A_85 : memref<!tpu.dma_semaphore, #tpu.memory_space<semaphore_mem>>)
      %dma_wait3A = arith.constant 0 : i32
      %dma_wait3A_90 = tpu.memref_slice %arg3[%arg0, %add3A_60, %dma_wait3A] : memref<2x10240x16xf32, #tpu.memory_space<hbm>> -> memref<1x128x16xf32, #tpu.memory_space<hbm>>
      %dma_wait3A_91 = tpu.memref_squeeze %dma_wait3A_90 : memref<1x128x16xf32, #tpu.memory_space<hbm>> -> memref<128x16xf32, #tpu.memory_space<hbm>>
      %dma_wait3A_92 = arith.constant 0 : i32
      %dma_wait3A_93 = tpu.memref_slice %arg6[%add3A_56, %dma_wait3A_92] : memref<10240x16xf32, #tpu.memory_space<vmem_shared>> -> memref<128x16xf32, #tpu.memory_space<vmem_shared>>
      tpu.wait_dma2 semaphore(%run_scoped3A_85 : memref<!tpu.dma_semaphore, #tpu.memory_space<semaphore_mem>>) src(%dma_wait3A_93 : memref<128x16xf32, #tpu.memory_space<vmem_shared>>) dst(%dma_wait3A_91 : memref<128x16xf32, #tpu.memory_space<hbm>>)
      tpu.yield
    }) : () -> ()
    %mul3A_61 = arith.constant 640 : i32
    %mul3A_62 = arith.muli %arg1, %mul3A_61 : i32
    %add3A_63 = arith.constant 256 : i32
    %add3A_64 = arith.addi %mul3A_62, %add3A_63 : i32
    %mul3A_65 = arith.constant 640 : i32
    %mul3A_66 = arith.muli %arg1, %mul3A_65 : i32
    %add3A_67 = arith.constant 256 : i32
    %add3A_68 = arith.addi %mul3A_66, %add3A_67 : i32
    "tpu.region"() ({
      %run_scoped3A_85 = tpu.sem_alloc : memref<!tpu.dma_semaphore, #tpu.memory_space<semaphore_mem>>
      %dma_start3A = arith.constant 0 : i32
      %dma_start3A_86 = tpu.memref_slice %arg3[%arg0, %add3A_68, %dma_start3A] : memref<2x10240x16xf32, #tpu.memory_space<hbm>> -> memref<1x128x16xf32, #tpu.memory_space<hbm>>
      %dma_start3A_87 = tpu.memref_squeeze %dma_start3A_86 : memref<1x128x16xf32, #tpu.memory_space<hbm>> -> memref<128x16xf32, #tpu.memory_space<hbm>>
      %dma_start3A_88 = arith.constant 0 : i32
      %dma_start3A_89 = tpu.memref_slice %arg6[%add3A_64, %dma_start3A_88] : memref<10240x16xf32, #tpu.memory_space<vmem_shared>> -> memref<128x16xf32, #tpu.memory_space<vmem_shared>>
      tpu.enqueue_dma source(%dma_start3A_89 : memref<128x16xf32, #tpu.memory_space<vmem_shared>>) target(%dma_start3A_87 : memref<128x16xf32, #tpu.memory_space<hbm>>) target_semaphore(%run_scoped3A_85 : memref<!tpu.dma_semaphore, #tpu.memory_space<semaphore_mem>>)
      %dma_wait3A = arith.constant 0 : i32
      %dma_wait3A_90 = tpu.memref_slice %arg3[%arg0, %add3A_68, %dma_wait3A] : memref<2x10240x16xf32, #tpu.memory_space<hbm>> -> memref<1x128x16xf32, #tpu.memory_space<hbm>>
      %dma_wait3A_91 = tpu.memref_squeeze %dma_wait3A_90 : memref<1x128x16xf32, #tpu.memory_space<hbm>> -> memref<128x16xf32, #tpu.memory_space<hbm>>
      %dma_wait3A_92 = arith.constant 0 : i32
      %dma_wait3A_93 = tpu.memref_slice %arg6[%add3A_64, %dma_wait3A_92] : memref<10240x16xf32, #tpu.memory_space<vmem_shared>> -> memref<128x16xf32, #tpu.memory_space<vmem_shared>>
      tpu.wait_dma2 semaphore(%run_scoped3A_85 : memref<!tpu.dma_semaphore, #tpu.memory_space<semaphore_mem>>) src(%dma_wait3A_93 : memref<128x16xf32, #tpu.memory_space<vmem_shared>>) dst(%dma_wait3A_91 : memref<128x16xf32, #tpu.memory_space<hbm>>)
      tpu.yield
    }) : () -> ()
    %mul3A_69 = arith.constant 640 : i32
    %mul3A_70 = arith.muli %arg1, %mul3A_69 : i32
    %add3A_71 = arith.constant 384 : i32
    %add3A_72 = arith.addi %mul3A_70, %add3A_71 : i32
    %mul3A_73 = arith.constant 640 : i32
    %mul3A_74 = arith.muli %arg1, %mul3A_73 : i32
    %add3A_75 = arith.constant 384 : i32
    %add3A_76 = arith.addi %mul3A_74, %add3A_75 : i32
    "tpu.region"() ({
      %run_scoped3A_85 = tpu.sem_alloc : memref<!tpu.dma_semaphore, #tpu.memory_space<semaphore_mem>>
      %dma_start3A = arith.constant 0 : i32
      %dma_start3A_86 = tpu.memref_slice %arg3[%arg0, %add3A_76, %dma_start3A] : memref<2x10240x16xf32, #tpu.memory_space<hbm>> -> memref<1x128x16xf32, #tpu.memory_space<hbm>>
      %dma_start3A_87 = tpu.memref_squeeze %dma_start3A_86 : memref<1x128x16xf32, #tpu.memory_space<hbm>> -> memref<128x16xf32, #tpu.memory_space<hbm>>
      %dma_start3A_88 = arith.constant 0 : i32
      %dma_start3A_89 = tpu.memref_slice %arg6[%add3A_72, %dma_start3A_88] : memref<10240x16xf32, #tpu.memory_space<vmem_shared>> -> memref<128x16xf32, #tpu.memory_space<vmem_shared>>
      tpu.enqueue_dma source(%dma_start3A_89 : memref<128x16xf32, #tpu.memory_space<vmem_shared>>) target(%dma_start3A_87 : memref<128x16xf32, #tpu.memory_space<hbm>>) target_semaphore(%run_scoped3A_85 : memref<!tpu.dma_semaphore, #tpu.memory_space<semaphore_mem>>)
      %dma_wait3A = arith.constant 0 : i32
      %dma_wait3A_90 = tpu.memref_slice %arg3[%arg0, %add3A_76, %dma_wait3A] : memref<2x10240x16xf32, #tpu.memory_space<hbm>> -> memref<1x128x16xf32, #tpu.memory_space<hbm>>
      %dma_wait3A_91 = tpu.memref_squeeze %dma_wait3A_90 : memref<1x128x16xf32, #tpu.memory_space<hbm>> -> memref<128x16xf32, #tpu.memory_space<hbm>>
      %dma_wait3A_92 = arith.constant 0 : i32
      %dma_wait3A_93 = tpu.memref_slice %arg6[%add3A_72, %dma_wait3A_92] : memref<10240x16xf32, #tpu.memory_space<vmem_shared>> -> memref<128x16xf32, #tpu.memory_space<vmem_shared>>
      tpu.wait_dma2 semaphore(%run_scoped3A_85 : memref<!tpu.dma_semaphore, #tpu.memory_space<semaphore_mem>>) src(%dma_wait3A_93 : memref<128x16xf32, #tpu.memory_space<vmem_shared>>) dst(%dma_wait3A_91 : memref<128x16xf32, #tpu.memory_space<hbm>>)
      tpu.yield
    }) : () -> ()
    %mul3A_77 = arith.constant 640 : i32
    %mul3A_78 = arith.muli %arg1, %mul3A_77 : i32
    %add3A_79 = arith.constant 512 : i32
    %add3A_80 = arith.addi %mul3A_78, %add3A_79 : i32
    %mul3A_81 = arith.constant 640 : i32
    %mul3A_82 = arith.muli %arg1, %mul3A_81 : i32
    %add3A_83 = arith.constant 512 : i32
    %add3A_84 = arith.addi %mul3A_82, %add3A_83 : i32
    "tpu.region"() ({
      %run_scoped3A_85 = tpu.sem_alloc : memref<!tpu.dma_semaphore, #tpu.memory_space<semaphore_mem>>
      %dma_start3A = arith.constant 0 : i32
      %dma_start3A_86 = tpu.memref_slice %arg3[%arg0, %add3A_84, %dma_start3A] : memref<2x10240x16xf32, #tpu.memory_space<hbm>> -> memref<1x128x16xf32, #tpu.memory_space<hbm>>
      %dma_start3A_87 = tpu.memref_squeeze %dma_start3A_86 : memref<1x128x16xf32, #tpu.memory_space<hbm>> -> memref<128x16xf32, #tpu.memory_space<hbm>>
      %dma_start3A_88 = arith.constant 0 : i32
      %dma_start3A_89 = tpu.memref_slice %arg6[%add3A_80, %dma_start3A_88] : memref<10240x16xf32, #tpu.memory_space<vmem_shared>> -> memref<128x16xf32, #tpu.memory_space<vmem_shared>>
      tpu.enqueue_dma source(%dma_start3A_89 : memref<128x16xf32, #tpu.memory_space<vmem_shared>>) target(%dma_start3A_87 : memref<128x16xf32, #tpu.memory_space<hbm>>) target_semaphore(%run_scoped3A_85 : memref<!tpu.dma_semaphore, #tpu.memory_space<semaphore_mem>>)
      %dma_wait3A = arith.constant 0 : i32
      %dma_wait3A_90 = tpu.memref_slice %arg3[%arg0, %add3A_84, %dma_wait3A] : memref<2x10240x16xf32, #tpu.memory_space<hbm>> -> memref<1x128x16xf32, #tpu.memory_space<hbm>>
      %dma_wait3A_91 = tpu.memref_squeeze %dma_wait3A_90 : memref<1x128x16xf32, #tpu.memory_space<hbm>> -> memref<128x16xf32, #tpu.memory_space<hbm>>
      %dma_wait3A_92 = arith.constant 0 : i32
      %dma_wait3A_93 = tpu.memref_slice %arg6[%add3A_80, %dma_wait3A_92] : memref<10240x16xf32, #tpu.memory_space<vmem_shared>> -> memref<128x16xf32, #tpu.memory_space<vmem_shared>>
      tpu.wait_dma2 semaphore(%run_scoped3A_85 : memref<!tpu.dma_semaphore, #tpu.memory_space<semaphore_mem>>) src(%dma_wait3A_93 : memref<128x16xf32, #tpu.memory_space<vmem_shared>>) dst(%dma_wait3A_91 : memref<128x16xf32, #tpu.memory_space<hbm>>)
      tpu.yield
    }) : () -> ()
    return
  }
}

#map = affine_map<(d0, d1) -> (0, 0)>
#map1 = affine_map<(d0, d1) -> (0, 0, 0, 0)>
#map2 = affine_map<(d0, d1) -> (0, 0, 0)>
module attributes {stable_mosaic.version = 14 : i64} {
  func.func @body(%arg0: i32, %arg1: i32, %arg2: memref<10240x64xf32, #tpu.memory_space<hbm>>, %arg3: memref<2x32x79x128xi32, #tpu.memory_space<hbm>>, %arg4: memref<2x10240x64xf32, #tpu.memory_space<hbm>>, %arg5: memref<79x128xi32, #tpu.memory_space<vmem>>, %arg6: memref<79x128xi32, #tpu.memory_space<vmem>>, %arg7: memref<3x128x64xf32, #tpu.memory_space<vmem>>, %arg8: memref<10240x64xf32, #tpu.memory_space<vmem_shared>>, %arg9: memref<10240x64xf32, #tpu.memory_space<vmem_shared>>, %arg10: memref<!tpu.dma_semaphore, #tpu.memory_space<semaphore_mem>>, %arg11: memref<3x!tpu.dma_semaphore, #tpu.memory_space<semaphore_mem>>, %arg12: memref<3x!tpu.dma_semaphore, #tpu.memory_space<semaphore_mem>>) attributes {dimension_semantics = [#tpu.dimension_semantics<core_parallel>, #tpu.dimension_semantics<subcore_parallel>], iteration_bounds = array<i64: 2, 16>, scalar_prefetch = 0 : i64, scratch_operands = 8 : i64, tpu.core_type = #tpu.core_type<sc_vector_subcore>, window_params = [{transform_indices = #map}, {transform_indices = #map1}, {transform_indices = #map2}]} {
    %mul3A = arith.constant 2 : i32
    %mul3A_0 = arith.muli %arg1, %mul3A : i32
    %add3A = arith.addi %mul3A_0, %arg0 : i32
    %dma_start3A = arith.constant 0 : i32
    %dma_start3A_1 = arith.constant 0 : i32
    %dma_start3A_2 = arith.constant 0 : i32
    %dma_start3A_3 = tpu.memref_slice %arg3[%dma_start3A, %add3A, %dma_start3A_1, %dma_start3A_2] : memref<2x32x79x128xi32, #tpu.memory_space<hbm>> -> memref<1x1x79x128xi32, #tpu.memory_space<hbm>>
    %dma_start3A_4 = tpu.memref_squeeze %dma_start3A_3 : memref<1x1x79x128xi32, #tpu.memory_space<hbm>> -> memref<79x128xi32, #tpu.memory_space<hbm>>
    %dma_start3A_5 = arith.constant 0 : i32
    %dma_start3A_6 = arith.constant 0 : i32
    %dma_start3A_7 = tpu.memref_slice %arg3[%dma_start3A, %add3A, %dma_start3A_5, %dma_start3A_6] : memref<2x32x79x128xi32, #tpu.memory_space<hbm>> -> memref<1x1x79x128xi32, #tpu.memory_space<hbm>>
    %dma_start3A_8 = tpu.memref_squeeze %dma_start3A_7 : memref<1x1x79x128xi32, #tpu.memory_space<hbm>> -> memref<79x128xi32, #tpu.memory_space<hbm>>
    tpu.enqueue_dma source(%dma_start3A_8 : memref<79x128xi32, #tpu.memory_space<hbm>>) target(%arg5 : memref<79x128xi32, #tpu.memory_space<vmem>>) target_semaphore(%arg10 : memref<!tpu.dma_semaphore, #tpu.memory_space<semaphore_mem>>)
    %dma_start3A_9 = arith.constant 1 : i32
    %dma_start3A_10 = arith.constant 0 : i32
    %dma_start3A_11 = arith.constant 0 : i32
    %dma_start3A_12 = tpu.memref_slice %arg3[%dma_start3A_9, %add3A, %dma_start3A_10, %dma_start3A_11] : memref<2x32x79x128xi32, #tpu.memory_space<hbm>> -> memref<1x1x79x128xi32, #tpu.memory_space<hbm>>
    %dma_start3A_13 = tpu.memref_squeeze %dma_start3A_12 : memref<1x1x79x128xi32, #tpu.memory_space<hbm>> -> memref<79x128xi32, #tpu.memory_space<hbm>>
    %dma_start3A_14 = arith.constant 0 : i32
    %dma_start3A_15 = arith.constant 0 : i32
    %dma_start3A_16 = tpu.memref_slice %arg3[%dma_start3A_9, %add3A, %dma_start3A_14, %dma_start3A_15] : memref<2x32x79x128xi32, #tpu.memory_space<hbm>> -> memref<1x1x79x128xi32, #tpu.memory_space<hbm>>
    %dma_start3A_17 = tpu.memref_squeeze %dma_start3A_16 : memref<1x1x79x128xi32, #tpu.memory_space<hbm>> -> memref<79x128xi32, #tpu.memory_space<hbm>>
    tpu.enqueue_dma source(%dma_start3A_17 : memref<79x128xi32, #tpu.memory_space<hbm>>) target(%arg6 : memref<79x128xi32, #tpu.memory_space<vmem>>) target_semaphore(%arg10 : memref<!tpu.dma_semaphore, #tpu.memory_space<semaphore_mem>>)
    %mul3A_18 = arith.constant 640 : i32
    %mul3A_19 = arith.muli %arg1, %mul3A_18 : i32
    %mul3A_20 = arith.constant 640 : i32
    %mul3A_21 = arith.muli %arg1, %mul3A_20 : i32
    %dma_start3A_22 = arith.constant 0 : i32
    %dma_start3A_23 = tpu.memref_slice %arg9[%mul3A_21, %dma_start3A_22] : memref<10240x64xf32, #tpu.memory_space<vmem_shared>> -> memref<640x64xf32, #tpu.memory_space<vmem_shared>>
    %dma_start3A_24 = arith.constant 0 : i32
    %dma_start3A_25 = tpu.memref_slice %arg2[%mul3A_19, %dma_start3A_24] : memref<10240x64xf32, #tpu.memory_space<hbm>> -> memref<640x64xf32, #tpu.memory_space<hbm>>
    tpu.enqueue_dma source(%dma_start3A_25 : memref<640x64xf32, #tpu.memory_space<hbm>>) target(%dma_start3A_23 : memref<640x64xf32, #tpu.memory_space<vmem_shared>>) target_semaphore(%arg10 : memref<!tpu.dma_semaphore, #tpu.memory_space<semaphore_mem>>)
    %broadcast_in_dim3A = arith.constant 0.000000e+00 : f32
    %broadcast_in_dim3A_26 = vector.broadcast %broadcast_in_dim3A : f32 to vector<16xf32>
    %scan3A = arith.constant 0 : i32
    %scan3A_27 = arith.constant 0 : i32
    %scan3A_28 = arith.constant 0 : i32
    %scan3A_29 = arith.constant 512 : i32
    %scan3A_30 = arith.addi %scan3A_28, %scan3A_29 : i32
    %scan3A_31 = arith.constant 1 : i32
    %scan3A_32 = scf.for %scan3A_311 = %scan3A_28 to %scan3A_30 step %scan3A_31 iter_args(%scan3A_312 = %scan3A_27) -> (i32)  : i32 {
      %jit3A = arith.constant 4 : i32
      %div3A = arith.divsi %scan3A_311, %jit3A : i32
      %sign3A = arith.constant 0 : i32
      %sign3A_313 = arith.cmpi sgt, %scan3A_311, %sign3A : i32
      %sign3A_314 = arith.extui %sign3A_313 : i1 to i32
      %sign3A_315 = arith.constant 0 : i32
      %sign3A_316 = arith.cmpi slt, %scan3A_311, %sign3A_315 : i32
      %sign3A_317 = arith.extui %sign3A_316 : i1 to i32
      %sign3A_318 = arith.subi %sign3A_314, %sign3A_317 : i32
      %sign3A_319 = arith.constant 0 : i32
      %sign3A_320 = arith.cmpi sgt, %jit3A, %sign3A_319 : i32
      %sign3A_321 = arith.extui %sign3A_320 : i1 to i32
      %sign3A_322 = arith.constant 0 : i32
      %sign3A_323 = arith.cmpi slt, %jit3A, %sign3A_322 : i32
      %sign3A_324 = arith.extui %sign3A_323 : i1 to i32
      %sign3A_325 = arith.subi %sign3A_321, %sign3A_324 : i32
      %ne3A = arith.cmpi ne, %sign3A_318, %sign3A_325 : i32
      %rem3A = arith.remsi %scan3A_311, %jit3A : i32
      %ne3A_326 = arith.constant 0 : i32
      %ne3A_327 = arith.cmpi ne, %rem3A, %ne3A_326 : i32
      %and3A = arith.andi %ne3A, %ne3A_327 : i1
      %sub3A = arith.constant 1 : i32
      %sub3A_328 = arith.subi %div3A, %sub3A : i32
      %select_n3A = arith.select %and3A, %sub3A_328, %div3A : i32
      %rem3A_329 = arith.constant 4 : i32
      %rem3A_330 = arith.remsi %scan3A_311, %rem3A_329 : i32
      %mul3A_331 = arith.constant 16 : i32
      %mul3A_332 = arith.muli %rem3A_330, %mul3A_331 : i32
      %swap3A = arith.constant 0 : i32
      %swap3A_333 = arith.constant 0 : i32
      %swap3A_334 = tpu.memref_slice %arg7[%scan3A, %swap3A, %swap3A_333] : memref<3x128x64xf32, #tpu.memory_space<vmem>> -> memref<1x128x64xf32, #tpu.memory_space<vmem>>
      %swap3A_335 = tpu.memref_squeeze %swap3A_334 : memref<1x128x64xf32, #tpu.memory_space<vmem>> -> memref<128x64xf32, #tpu.memory_space<vmem>>
      %swap3A_336 = arith.index_cast %select_n3A : i32 to index
      %swap3A_337 = arith.index_cast %mul3A_332 : i32 to index
      %swap3A_338 = tpu.vector_load %swap3A_335[%swap3A_336, %swap3A_337] {strides = array<i32>} : memref<128x64xf32, #tpu.memory_space<vmem>>, vector<1x16xf32>,
      %swap3A_339 = vector.shape_cast %swap3A_338 : vector<1x16xf32> to vector<16xf32>
      %swap3A_340 = vector.shape_cast %broadcast_in_dim3A_26 : vector<16xf32> to vector<1x16xf32>
      tpu.vector_store %swap3A_335[%swap3A_336, %swap3A_337], %swap3A_340 {strides = array<i32>} : memref<128x64xf32, #tpu.memory_space<vmem>>, vector<1x16xf32>,
      %scan3A_341 = arith.constant 0 : i32
      scf.yield %scan3A_341 : i32
    }
    %scan3A_33 = arith.constant 512 : i32
    %mul3A_34 = arith.constant 640 : i32
    %mul3A_35 = arith.muli %arg1, %mul3A_34 : i32
    %add3A_36 = arith.constant 0 : i32
    %add3A_37 = arith.addi %mul3A_35, %add3A_36 : i32
    %run_scoped3A = arith.constant 0 : i32
    "tpu.region"() ({
      %run_scoped3A_311 = tpu.sem_alloc : memref<!tpu.dma_semaphore, #tpu.memory_space<semaphore_mem>>
      %dma_start3A_312 = arith.constant 0 : i32
      %dma_start3A_313 = arith.constant 0 : i32
      %dma_start3A_314 = tpu.memref_slice %arg7[%run_scoped3A, %dma_start3A_312, %dma_start3A_313] : memref<3x128x64xf32, #tpu.memory_space<vmem>> -> memref<1x128x64xf32, #tpu.memory_space<vmem>>
      %dma_start3A_315 = tpu.memref_squeeze %dma_start3A_314 : memref<1x128x64xf32, #tpu.memory_space<vmem>> -> memref<128x64xf32, #tpu.memory_space<vmem>>
      %dma_start3A_316 = arith.constant 0 : i32
      %dma_start3A_317 = tpu.memref_slice %arg8[%add3A_37, %dma_start3A_316] : memref<10240x64xf32, #tpu.memory_space<vmem_shared>> -> memref<128x64xf32, #tpu.memory_space<vmem_shared>>
      %dma_start3A_318 = arith.constant 0 : i32
      %dma_start3A_319 = tpu.memref_slice %arg8[%add3A_37, %dma_start3A_318] : memref<10240x64xf32, #tpu.memory_space<vmem_shared>> -> memref<128x64xf32, #tpu.memory_space<vmem_shared>>
      %dma_start3A_320 = arith.constant 0 : i32
      %dma_start3A_321 = arith.constant 0 : i32
      %dma_start3A_322 = tpu.memref_slice %arg7[%run_scoped3A, %dma_start3A_320, %dma_start3A_321] : memref<3x128x64xf32, #tpu.memory_space<vmem>> -> memref<1x128x64xf32, #tpu.memory_space<vmem>>
      %dma_start3A_323 = tpu.memref_squeeze %dma_start3A_322 : memref<1x128x64xf32, #tpu.memory_space<vmem>> -> memref<128x64xf32, #tpu.memory_space<vmem>>
      tpu.enqueue_dma source(%dma_start3A_323 : memref<128x64xf32, #tpu.memory_space<vmem>>) target(%dma_start3A_319 : memref<128x64xf32, #tpu.memory_space<vmem_shared>>) target_semaphore(%run_scoped3A_311 : memref<!tpu.dma_semaphore, #tpu.memory_space<semaphore_mem>>)
      %dma_wait3A_324 = arith.constant 0 : i32
      %dma_wait3A_325 = arith.constant 0 : i32
      %dma_wait3A_326 = tpu.memref_slice %arg7[%run_scoped3A, %dma_wait3A_324, %dma_wait3A_325] : memref<3x128x64xf32, #tpu.memory_space<vmem>> -> memref<1x128x64xf32, #tpu.memory_space<vmem>>
      %dma_wait3A_327 = tpu.memref_squeeze %dma_wait3A_326 : memref<1x128x64xf32, #tpu.memory_space<vmem>> -> memref<128x64xf32, #tpu.memory_space<vmem>>
      %dma_wait3A_328 = arith.constant 0 : i32
      %dma_wait3A_329 = tpu.memref_slice %arg8[%add3A_37, %dma_wait3A_328] : memref<10240x64xf32, #tpu.memory_space<vmem_shared>> -> memref<128x64xf32, #tpu.memory_space<vmem_shared>>
      %dma_wait3A_330 = arith.constant 0 : i32
      %dma_wait3A_331 = tpu.memref_slice %arg8[%add3A_37, %dma_wait3A_330] : memref<10240x64xf32, #tpu.memory_space<vmem_shared>> -> memref<128x64xf32, #tpu.memory_space<vmem_shared>>
      %dma_wait3A_332 = arith.constant 0 : i32
      %dma_wait3A_333 = arith.constant 0 : i32
      %dma_wait3A_334 = tpu.memref_slice %arg7[%run_scoped3A, %dma_wait3A_332, %dma_wait3A_333] : memref<3x128x64xf32, #tpu.memory_space<vmem>> -> memref<1x128x64xf32, #tpu.memory_space<vmem>>
      %dma_wait3A_335 = tpu.memref_squeeze %dma_wait3A_334 : memref<1x128x64xf32, #tpu.memory_space<vmem>> -> memref<128x64xf32, #tpu.memory_space<vmem>>
      tpu.wait_dma2 semaphore(%run_scoped3A_311 : memref<!tpu.dma_semaphore, #tpu.memory_space<semaphore_mem>>) src(%dma_wait3A_335 : memref<128x64xf32, #tpu.memory_space<vmem>>) dst(%dma_wait3A_331 : memref<128x64xf32, #tpu.memory_space<vmem_shared>>)
      tpu.yield
    }) : () -> ()
    %mul3A_38 = arith.constant 640 : i32
    %mul3A_39 = arith.muli %arg1, %mul3A_38 : i32
    %add3A_40 = arith.constant 128 : i32
    %add3A_41 = arith.addi %mul3A_39, %add3A_40 : i32
    %run_scoped3A_42 = arith.constant 0 : i32
    "tpu.region"() ({
      %run_scoped3A_311 = tpu.sem_alloc : memref<!tpu.dma_semaphore, #tpu.memory_space<semaphore_mem>>
      %dma_start3A_312 = arith.constant 0 : i32
      %dma_start3A_313 = arith.constant 0 : i32
      %dma_start3A_314 = tpu.memref_slice %arg7[%run_scoped3A_42, %dma_start3A_312, %dma_start3A_313] : memref<3x128x64xf32, #tpu.memory_space<vmem>> -> memref<1x128x64xf32, #tpu.memory_space<vmem>>
      %dma_start3A_315 = tpu.memref_squeeze %dma_start3A_314 : memref<1x128x64xf32, #tpu.memory_space<vmem>> -> memref<128x64xf32, #tpu.memory_space<vmem>>
      %dma_start3A_316 = arith.constant 0 : i32
      %dma_start3A_317 = tpu.memref_slice %arg8[%add3A_41, %dma_start3A_316] : memref<10240x64xf32, #tpu.memory_space<vmem_shared>> -> memref<128x64xf32, #tpu.memory_space<vmem_shared>>
      %dma_start3A_318 = arith.constant 0 : i32
      %dma_start3A_319 = tpu.memref_slice %arg8[%add3A_41, %dma_start3A_318] : memref<10240x64xf32, #tpu.memory_space<vmem_shared>> -> memref<128x64xf32, #tpu.memory_space<vmem_shared>>
      %dma_start3A_320 = arith.constant 0 : i32
      %dma_start3A_321 = arith.constant 0 : i32
      %dma_start3A_322 = tpu.memref_slice %arg7[%run_scoped3A_42, %dma_start3A_320, %dma_start3A_321] : memref<3x128x64xf32, #tpu.memory_space<vmem>> -> memref<1x128x64xf32, #tpu.memory_space<vmem>>
      %dma_start3A_323 = tpu.memref_squeeze %dma_start3A_322 : memref<1x128x64xf32, #tpu.memory_space<vmem>> -> memref<128x64xf32, #tpu.memory_space<vmem>>
      tpu.enqueue_dma source(%dma_start3A_323 : memref<128x64xf32, #tpu.memory_space<vmem>>) target(%dma_start3A_319 : memref<128x64xf32, #tpu.memory_space<vmem_shared>>) target_semaphore(%run_scoped3A_311 : memref<!tpu.dma_semaphore, #tpu.memory_space<semaphore_mem>>)
      %dma_wait3A_324 = arith.constant 0 : i32
      %dma_wait3A_325 = arith.constant 0 : i32
      %dma_wait3A_326 = tpu.memref_slice %arg7[%run_scoped3A_42, %dma_wait3A_324, %dma_wait3A_325] : memref<3x128x64xf32, #tpu.memory_space<vmem>> -> memref<1x128x64xf32, #tpu.memory_space<vmem>>
      %dma_wait3A_327 = tpu.memref_squeeze %dma_wait3A_326 : memref<1x128x64xf32, #tpu.memory_space<vmem>> -> memref<128x64xf32, #tpu.memory_space<vmem>>
      %dma_wait3A_328 = arith.constant 0 : i32
      %dma_wait3A_329 = tpu.memref_slice %arg8[%add3A_41, %dma_wait3A_328] : memref<10240x64xf32, #tpu.memory_space<vmem_shared>> -> memref<128x64xf32, #tpu.memory_space<vmem_shared>>
      %dma_wait3A_330 = arith.constant 0 : i32
      %dma_wait3A_331 = tpu.memref_slice %arg8[%add3A_41, %dma_wait3A_330] : memref<10240x64xf32, #tpu.memory_space<vmem_shared>> -> memref<128x64xf32, #tpu.memory_space<vmem_shared>>
      %dma_wait3A_332 = arith.constant 0 : i32
      %dma_wait3A_333 = arith.constant 0 : i32
      %dma_wait3A_334 = tpu.memref_slice %arg7[%run_scoped3A_42, %dma_wait3A_332, %dma_wait3A_333] : memref<3x128x64xf32, #tpu.memory_space<vmem>> -> memref<1x128x64xf32, #tpu.memory_space<vmem>>
      %dma_wait3A_335 = tpu.memref_squeeze %dma_wait3A_334 : memref<1x128x64xf32, #tpu.memory_space<vmem>> -> memref<128x64xf32, #tpu.memory_space<vmem>>
      tpu.wait_dma2 semaphore(%run_scoped3A_311 : memref<!tpu.dma_semaphore, #tpu.memory_space<semaphore_mem>>) src(%dma_wait3A_335 : memref<128x64xf32, #tpu.memory_space<vmem>>) dst(%dma_wait3A_331 : memref<128x64xf32, #tpu.memory_space<vmem_shared>>)
      tpu.yield
    }) : () -> ()
    %mul3A_43 = arith.constant 640 : i32
    %mul3A_44 = arith.muli %arg1, %mul3A_43 : i32
    %add3A_45 = arith.constant 256 : i32
    %add3A_46 = arith.addi %mul3A_44, %add3A_45 : i32
    %run_scoped3A_47 = arith.constant 0 : i32
    "tpu.region"() ({
      %run_scoped3A_311 = tpu.sem_alloc : memref<!tpu.dma_semaphore, #tpu.memory_space<semaphore_mem>>
      %dma_start3A_312 = arith.constant 0 : i32
      %dma_start3A_313 = arith.constant 0 : i32
      %dma_start3A_314 = tpu.memref_slice %arg7[%run_scoped3A_47, %dma_start3A_312, %dma_start3A_313] : memref<3x128x64xf32, #tpu.memory_space<vmem>> -> memref<1x128x64xf32, #tpu.memory_space<vmem>>
      %dma_start3A_315 = tpu.memref_squeeze %dma_start3A_314 : memref<1x128x64xf32, #tpu.memory_space<vmem>> -> memref<128x64xf32, #tpu.memory_space<vmem>>
      %dma_start3A_316 = arith.constant 0 : i32
      %dma_start3A_317 = tpu.memref_slice %arg8[%add3A_46, %dma_start3A_316] : memref<10240x64xf32, #tpu.memory_space<vmem_shared>> -> memref<128x64xf32, #tpu.memory_space<vmem_shared>>
      %dma_start3A_318 = arith.constant 0 : i32
      %dma_start3A_319 = tpu.memref_slice %arg8[%add3A_46, %dma_start3A_318] : memref<10240x64xf32, #tpu.memory_space<vmem_shared>> -> memref<128x64xf32, #tpu.memory_space<vmem_shared>>
      %dma_start3A_320 = arith.constant 0 : i32
      %dma_start3A_321 = arith.constant 0 : i32
      %dma_start3A_322 = tpu.memref_slice %arg7[%run_scoped3A_47, %dma_start3A_320, %dma_start3A_321] : memref<3x128x64xf32, #tpu.memory_space<vmem>> -> memref<1x128x64xf32, #tpu.memory_space<vmem>>
      %dma_start3A_323 = tpu.memref_squeeze %dma_start3A_322 : memref<1x128x64xf32, #tpu.memory_space<vmem>> -> memref<128x64xf32, #tpu.memory_space<vmem>>
      tpu.enqueue_dma source(%dma_start3A_323 : memref<128x64xf32, #tpu.memory_space<vmem>>) target(%dma_start3A_319 : memref<128x64xf32, #tpu.memory_space<vmem_shared>>) target_semaphore(%run_scoped3A_311 : memref<!tpu.dma_semaphore, #tpu.memory_space<semaphore_mem>>)
      %dma_wait3A_324 = arith.constant 0 : i32
      %dma_wait3A_325 = arith.constant 0 : i32
      %dma_wait3A_326 = tpu.memref_slice %arg7[%run_scoped3A_47, %dma_wait3A_324, %dma_wait3A_325] : memref<3x128x64xf32, #tpu.memory_space<vmem>> -> memref<1x128x64xf32, #tpu.memory_space<vmem>>
      %dma_wait3A_327 = tpu.memref_squeeze %dma_wait3A_326 : memref<1x128x64xf32, #tpu.memory_space<vmem>> -> memref<128x64xf32, #tpu.memory_space<vmem>>
      %dma_wait3A_328 = arith.constant 0 : i32
      %dma_wait3A_329 = tpu.memref_slice %arg8[%add3A_46, %dma_wait3A_328] : memref<10240x64xf32, #tpu.memory_space<vmem_shared>> -> memref<128x64xf32, #tpu.memory_space<vmem_shared>>
      %dma_wait3A_330 = arith.constant 0 : i32
      %dma_wait3A_331 = tpu.memref_slice %arg8[%add3A_46, %dma_wait3A_330] : memref<10240x64xf32, #tpu.memory_space<vmem_shared>> -> memref<128x64xf32, #tpu.memory_space<vmem_shared>>
      %dma_wait3A_332 = arith.constant 0 : i32
      %dma_wait3A_333 = arith.constant 0 : i32
      %dma_wait3A_334 = tpu.memref_slice %arg7[%run_scoped3A_47, %dma_wait3A_332, %dma_wait3A_333] : memref<3x128x64xf32, #tpu.memory_space<vmem>> -> memref<1x128x64xf32, #tpu.memory_space<vmem>>
      %dma_wait3A_335 = tpu.memref_squeeze %dma_wait3A_334 : memref<1x128x64xf32, #tpu.memory_space<vmem>> -> memref<128x64xf32, #tpu.memory_space<vmem>>
      tpu.wait_dma2 semaphore(%run_scoped3A_311 : memref<!tpu.dma_semaphore, #tpu.memory_space<semaphore_mem>>) src(%dma_wait3A_335 : memref<128x64xf32, #tpu.memory_space<vmem>>) dst(%dma_wait3A_331 : memref<128x64xf32, #tpu.memory_space<vmem_shared>>)
      tpu.yield
    }) : () -> ()
    %mul3A_48 = arith.constant 640 : i32
    %mul3A_49 = arith.muli %arg1, %mul3A_48 : i32
    %add3A_50 = arith.constant 384 : i32
    %add3A_51 = arith.addi %mul3A_49, %add3A_50 : i32
    %run_scoped3A_52 = arith.constant 0 : i32
    "tpu.region"() ({
      %run_scoped3A_311 = tpu.sem_alloc : memref<!tpu.dma_semaphore, #tpu.memory_space<semaphore_mem>>
      %dma_start3A_312 = arith.constant 0 : i32
      %dma_start3A_313 = arith.constant 0 : i32
      %dma_start3A_314 = tpu.memref_slice %arg7[%run_scoped3A_52, %dma_start3A_312, %dma_start3A_313] : memref<3x128x64xf32, #tpu.memory_space<vmem>> -> memref<1x128x64xf32, #tpu.memory_space<vmem>>
      %dma_start3A_315 = tpu.memref_squeeze %dma_start3A_314 : memref<1x128x64xf32, #tpu.memory_space<vmem>> -> memref<128x64xf32, #tpu.memory_space<vmem>>
      %dma_start3A_316 = arith.constant 0 : i32
      %dma_start3A_317 = tpu.memref_slice %arg8[%add3A_51, %dma_start3A_316] : memref<10240x64xf32, #tpu.memory_space<vmem_shared>> -> memref<128x64xf32, #tpu.memory_space<vmem_shared>>
      %dma_start3A_318 = arith.constant 0 : i32
      %dma_start3A_319 = tpu.memref_slice %arg8[%add3A_51, %dma_start3A_318] : memref<10240x64xf32, #tpu.memory_space<vmem_shared>> -> memref<128x64xf32, #tpu.memory_space<vmem_shared>>
      %dma_start3A_320 = arith.constant 0 : i32
      %dma_start3A_321 = arith.constant 0 : i32
      %dma_start3A_322 = tpu.memref_slice %arg7[%run_scoped3A_52, %dma_start3A_320, %dma_start3A_321] : memref<3x128x64xf32, #tpu.memory_space<vmem>> -> memref<1x128x64xf32, #tpu.memory_space<vmem>>
      %dma_start3A_323 = tpu.memref_squeeze %dma_start3A_322 : memref<1x128x64xf32, #tpu.memory_space<vmem>> -> memref<128x64xf32, #tpu.memory_space<vmem>>
      tpu.enqueue_dma source(%dma_start3A_323 : memref<128x64xf32, #tpu.memory_space<vmem>>) target(%dma_start3A_319 : memref<128x64xf32, #tpu.memory_space<vmem_shared>>) target_semaphore(%run_scoped3A_311 : memref<!tpu.dma_semaphore, #tpu.memory_space<semaphore_mem>>)
      %dma_wait3A_324 = arith.constant 0 : i32
      %dma_wait3A_325 = arith.constant 0 : i32
      %dma_wait3A_326 = tpu.memref_slice %arg7[%run_scoped3A_52, %dma_wait3A_324, %dma_wait3A_325] : memref<3x128x64xf32, #tpu.memory_space<vmem>> -> memref<1x128x64xf32, #tpu.memory_space<vmem>>
      %dma_wait3A_327 = tpu.memref_squeeze %dma_wait3A_326 : memref<1x128x64xf32, #tpu.memory_space<vmem>> -> memref<128x64xf32, #tpu.memory_space<vmem>>
      %dma_wait3A_328 = arith.constant 0 : i32
      %dma_wait3A_329 = tpu.memref_slice %arg8[%add3A_51, %dma_wait3A_328] : memref<10240x64xf32, #tpu.memory_space<vmem_shared>> -> memref<128x64xf32, #tpu.memory_space<vmem_shared>>
      %dma_wait3A_330 = arith.constant 0 : i32
      %dma_wait3A_331 = tpu.memref_slice %arg8[%add3A_51, %dma_wait3A_330] : memref<10240x64xf32, #tpu.memory_space<vmem_shared>> -> memref<128x64xf32, #tpu.memory_space<vmem_shared>>
      %dma_wait3A_332 = arith.constant 0 : i32
      %dma_wait3A_333 = arith.constant 0 : i32
      %dma_wait3A_334 = tpu.memref_slice %arg7[%run_scoped3A_52, %dma_wait3A_332, %dma_wait3A_333] : memref<3x128x64xf32, #tpu.memory_space<vmem>> -> memref<1x128x64xf32, #tpu.memory_space<vmem>>
      %dma_wait3A_335 = tpu.memref_squeeze %dma_wait3A_334 : memref<1x128x64xf32, #tpu.memory_space<vmem>> -> memref<128x64xf32, #tpu.memory_space<vmem>>
      tpu.wait_dma2 semaphore(%run_scoped3A_311 : memref<!tpu.dma_semaphore, #tpu.memory_space<semaphore_mem>>) src(%dma_wait3A_335 : memref<128x64xf32, #tpu.memory_space<vmem>>) dst(%dma_wait3A_331 : memref<128x64xf32, #tpu.memory_space<vmem_shared>>)
      tpu.yield
    }) : () -> ()
    %mul3A_53 = arith.constant 640 : i32
    %mul3A_54 = arith.muli %arg1, %mul3A_53 : i32
    %add3A_55 = arith.constant 512 : i32
    %add3A_56 = arith.addi %mul3A_54, %add3A_55 : i32
    %run_scoped3A_57 = arith.constant 0 : i32
    "tpu.region"() ({
      %run_scoped3A_311 = tpu.sem_alloc : memref<!tpu.dma_semaphore, #tpu.memory_space<semaphore_mem>>
      %dma_start3A_312 = arith.constant 0 : i32
      %dma_start3A_313 = arith.constant 0 : i32
      %dma_start3A_314 = tpu.memref_slice %arg7[%run_scoped3A_57, %dma_start3A_312, %dma_start3A_313] : memref<3x128x64xf32, #tpu.memory_space<vmem>> -> memref<1x128x64xf32, #tpu.memory_space<vmem>>
      %dma_start3A_315 = tpu.memref_squeeze %dma_start3A_314 : memref<1x128x64xf32, #tpu.memory_space<vmem>> -> memref<128x64xf32, #tpu.memory_space<vmem>>
      %dma_start3A_316 = arith.constant 0 : i32
      %dma_start3A_317 = tpu.memref_slice %arg8[%add3A_56, %dma_start3A_316] : memref<10240x64xf32, #tpu.memory_space<vmem_shared>> -> memref<128x64xf32, #tpu.memory_space<vmem_shared>>
      %dma_start3A_318 = arith.constant 0 : i32
      %dma_start3A_319 = tpu.memref_slice %arg8[%add3A_56, %dma_start3A_318] : memref<10240x64xf32, #tpu.memory_space<vmem_shared>> -> memref<128x64xf32, #tpu.memory_space<vmem_shared>>
      %dma_start3A_320 = arith.constant 0 : i32
      %dma_start3A_321 = arith.constant 0 : i32
      %dma_start3A_322 = tpu.memref_slice %arg7[%run_scoped3A_57, %dma_start3A_320, %dma_start3A_321] : memref<3x128x64xf32, #tpu.memory_space<vmem>> -> memref<1x128x64xf32, #tpu.memory_space<vmem>>
      %dma_start3A_323 = tpu.memref_squeeze %dma_start3A_322 : memref<1x128x64xf32, #tpu.memory_space<vmem>> -> memref<128x64xf32, #tpu.memory_space<vmem>>
      tpu.enqueue_dma source(%dma_start3A_323 : memref<128x64xf32, #tpu.memory_space<vmem>>) target(%dma_start3A_319 : memref<128x64xf32, #tpu.memory_space<vmem_shared>>) target_semaphore(%run_scoped3A_311 : memref<!tpu.dma_semaphore, #tpu.memory_space<semaphore_mem>>)
      %dma_wait3A_324 = arith.constant 0 : i32
      %dma_wait3A_325 = arith.constant 0 : i32
      %dma_wait3A_326 = tpu.memref_slice %arg7[%run_scoped3A_57, %dma_wait3A_324, %dma_wait3A_325] : memref<3x128x64xf32, #tpu.memory_space<vmem>> -> memref<1x128x64xf32, #tpu.memory_space<vmem>>
      %dma_wait3A_327 = tpu.memref_squeeze %dma_wait3A_326 : memref<1x128x64xf32, #tpu.memory_space<vmem>> -> memref<128x64xf32, #tpu.memory_space<vmem>>
      %dma_wait3A_328 = arith.constant 0 : i32
      %dma_wait3A_329 = tpu.memref_slice %arg8[%add3A_56, %dma_wait3A_328] : memref<10240x64xf32, #tpu.memory_space<vmem_shared>> -> memref<128x64xf32, #tpu.memory_space<vmem_shared>>
      %dma_wait3A_330 = arith.constant 0 : i32
      %dma_wait3A_331 = tpu.memref_slice %arg8[%add3A_56, %dma_wait3A_330] : memref<10240x64xf32, #tpu.memory_space<vmem_shared>> -> memref<128x64xf32, #tpu.memory_space<vmem_shared>>
      %dma_wait3A_332 = arith.constant 0 : i32
      %dma_wait3A_333 = arith.constant 0 : i32
      %dma_wait3A_334 = tpu.memref_slice %arg7[%run_scoped3A_57, %dma_wait3A_332, %dma_wait3A_333] : memref<3x128x64xf32, #tpu.memory_space<vmem>> -> memref<1x128x64xf32, #tpu.memory_space<vmem>>
      %dma_wait3A_335 = tpu.memref_squeeze %dma_wait3A_334 : memref<1x128x64xf32, #tpu.memory_space<vmem>> -> memref<128x64xf32, #tpu.memory_space<vmem>>
      tpu.wait_dma2 semaphore(%run_scoped3A_311 : memref<!tpu.dma_semaphore, #tpu.memory_space<semaphore_mem>>) src(%dma_wait3A_335 : memref<128x64xf32, #tpu.memory_space<vmem>>) dst(%dma_wait3A_331 : memref<128x64xf32, #tpu.memory_space<vmem_shared>>)
      tpu.yield
    }) : () -> ()
    %dma_wait3A = arith.constant 0 : i32
    %dma_wait3A_58 = arith.constant 0 : i32
    %dma_wait3A_59 = arith.constant 0 : i32
    %dma_wait3A_60 = tpu.memref_slice %arg3[%dma_wait3A, %add3A, %dma_wait3A_58, %dma_wait3A_59] : memref<2x32x79x128xi32, #tpu.memory_space<hbm>> -> memref<1x1x79x128xi32, #tpu.memory_space<hbm>>
    %dma_wait3A_61 = tpu.memref_squeeze %dma_wait3A_60 : memref<1x1x79x128xi32, #tpu.memory_space<hbm>> -> memref<79x128xi32, #tpu.memory_space<hbm>>
    %dma_wait3A_62 = arith.constant 0 : i32
    %dma_wait3A_63 = arith.constant 0 : i32
    %dma_wait3A_64 = tpu.memref_slice %arg3[%dma_wait3A, %add3A, %dma_wait3A_62, %dma_wait3A_63] : memref<2x32x79x128xi32, #tpu.memory_space<hbm>> -> memref<1x1x79x128xi32, #tpu.memory_space<hbm>>
    %dma_wait3A_65 = tpu.memref_squeeze %dma_wait3A_64 : memref<1x1x79x128xi32, #tpu.memory_space<hbm>> -> memref<79x128xi32, #tpu.memory_space<hbm>>
    tpu.wait_dma2 semaphore(%arg10 : memref<!tpu.dma_semaphore, #tpu.memory_space<semaphore_mem>>) src(%dma_wait3A_65 : memref<79x128xi32, #tpu.memory_space<hbm>>) dst(%arg5 : memref<79x128xi32, #tpu.memory_space<vmem>>)
    %dma_wait3A_66 = arith.constant 1 : i32
    %dma_wait3A_67 = arith.constant 0 : i32
    %dma_wait3A_68 = arith.constant 0 : i32
    %dma_wait3A_69 = tpu.memref_slice %arg3[%dma_wait3A_66, %add3A, %dma_wait3A_67, %dma_wait3A_68] : memref<2x32x79x128xi32, #tpu.memory_space<hbm>> -> memref<1x1x79x128xi32, #tpu.memory_space<hbm>>
    %dma_wait3A_70 = tpu.memref_squeeze %dma_wait3A_69 : memref<1x1x79x128xi32, #tpu.memory_space<hbm>> -> memref<79x128xi32, #tpu.memory_space<hbm>>
    %dma_wait3A_71 = arith.constant 0 : i32
    %dma_wait3A_72 = arith.constant 0 : i32
    %dma_wait3A_73 = tpu.memref_slice %arg3[%dma_wait3A_66, %add3A, %dma_wait3A_71, %dma_wait3A_72] : memref<2x32x79x128xi32, #tpu.memory_space<hbm>> -> memref<1x1x79x128xi32, #tpu.memory_space<hbm>>
    %dma_wait3A_74 = tpu.memref_squeeze %dma_wait3A_73 : memref<1x1x79x128xi32, #tpu.memory_space<hbm>> -> memref<79x128xi32, #tpu.memory_space<hbm>>
    tpu.wait_dma2 semaphore(%arg10 : memref<!tpu.dma_semaphore, #tpu.memory_space<semaphore_mem>>) src(%dma_wait3A_74 : memref<79x128xi32, #tpu.memory_space<hbm>>) dst(%arg6 : memref<79x128xi32, #tpu.memory_space<vmem>>)
    %mul3A_75 = arith.constant 640 : i32
    %mul3A_76 = arith.muli %arg1, %mul3A_75 : i32
    %mul3A_77 = arith.constant 640 : i32
    %mul3A_78 = arith.muli %arg1, %mul3A_77 : i32
    %dma_wait3A_79 = arith.constant 0 : i32
    %dma_wait3A_80 = tpu.memref_slice %arg9[%mul3A_78, %dma_wait3A_79] : memref<10240x64xf32, #tpu.memory_space<vmem_shared>> -> memref<640x64xf32, #tpu.memory_space<vmem_shared>>
    %dma_wait3A_81 = arith.constant 0 : i32
    %dma_wait3A_82 = tpu.memref_slice %arg2[%mul3A_76, %dma_wait3A_81] : memref<10240x64xf32, #tpu.memory_space<hbm>> -> memref<640x64xf32, #tpu.memory_space<hbm>>
    tpu.wait_dma2 semaphore(%arg10 : memref<!tpu.dma_semaphore, #tpu.memory_space<semaphore_mem>>) src(%dma_wait3A_82 : memref<640x64xf32, #tpu.memory_space<hbm>>) dst(%dma_wait3A_80 : memref<640x64xf32, #tpu.memory_space<vmem_shared>>)
    %barrier3A = arith.constant 0 : index
    tpu.barrier barrier_id(%barrier3A)
    %dma_start3A_83 = arith.constant 0 : i32
    %dma_start3A_84 = arith.constant 0 : i32
    %dma_start3A_85 = arith.constant 0 : i32
    %dma_start3A_86 = arith.constant 0 : i32
    %dma_start3A_87 = arith.constant 0 : i32
    %dma_start3A_88 = tpu.memref_slice %arg7[%dma_start3A_84, %dma_start3A_86, %dma_start3A_87] : memref<3x128x64xf32, #tpu.memory_space<vmem>> -> memref<1x128x64xf32, #tpu.memory_space<vmem>>
    %dma_start3A_89 = tpu.memref_squeeze %dma_start3A_88 : memref<1x128x64xf32, #tpu.memory_space<vmem>> -> memref<128x64xf32, #tpu.memory_space<vmem>>
    %dma_start3A_90 = arith.constant 0 : i32
    %dma_start3A_91 = tpu.memref_slice %arg5[%dma_start3A_83, %dma_start3A_90] : memref<79x128xi32, #tpu.memory_space<vmem>> -> memref<1x128xi32, #tpu.memory_space<vmem>>
    %dma_start3A_92 = tpu.memref_squeeze %dma_start3A_91 : memref<1x128xi32, #tpu.memory_space<vmem>> -> memref<128xi32, #tpu.memory_space<vmem>>
    %dma_start3A_93 = arith.constant 0 : i32
    %dma_start3A_94 = arith.constant 0 : i32
    %dma_start3A_95 = tpu.memref_slice %arg9[%dma_start3A_93, %dma_start3A_94] : memref<10240x64xf32, #tpu.memory_space<vmem_shared>> -> memref<10240x64xf32, #tpu.memory_space<vmem_shared>>
    %dma_start3A_96 = tpu.memref_slice %arg11[%dma_start3A_85] : memref<3x!tpu.dma_semaphore, #tpu.memory_space<semaphore_mem>> -> memref<1x!tpu.dma_semaphore, #tpu.memory_space<semaphore_mem>>
    %dma_start3A_97 = tpu.memref_squeeze %dma_start3A_96 : memref<1x!tpu.dma_semaphore, #tpu.memory_space<semaphore_mem>> -> memref<!tpu.dma_semaphore, #tpu.memory_space<semaphore_mem>>
    tpu.enqueue_indirect_dma source(%dma_start3A_95 : memref<10240x64xf32, #tpu.memory_space<vmem_shared>>) target(%dma_start3A_89 : memref<128x64xf32, #tpu.memory_space<vmem>>) offsets(%dma_start3A_92 : memref<128xi32, #tpu.memory_space<vmem>>) semaphore(%dma_start3A_97 : memref<!tpu.dma_semaphore, #tpu.memory_space<semaphore_mem>>)
    %dma_start3A_98 = arith.constant 1 : i32
    %dma_start3A_99 = arith.constant 1 : i32
    %dma_start3A_100 = arith.constant 1 : i32
    %dma_start3A_101 = arith.constant 0 : i32
    %dma_start3A_102 = arith.constant 0 : i32
    %dma_start3A_103 = tpu.memref_slice %arg7[%dma_start3A_99, %dma_start3A_101, %dma_start3A_102] : memref<3x128x64xf32, #tpu.memory_space<vmem>> -> memref<1x128x64xf32, #tpu.memory_space<vmem>>
    %dma_start3A_104 = tpu.memref_squeeze %dma_start3A_103 : memref<1x128x64xf32, #tpu.memory_space<vmem>> -> memref<128x64xf32, #tpu.memory_space<vmem>>
    %dma_start3A_105 = arith.constant 0 : i32
    %dma_start3A_106 = tpu.memref_slice %arg5[%dma_start3A_98, %dma_start3A_105] : memref<79x128xi32, #tpu.memory_space<vmem>> -> memref<1x128xi32, #tpu.memory_space<vmem>>
    %dma_start3A_107 = tpu.memref_squeeze %dma_start3A_106 : memref<1x128xi32, #tpu.memory_space<vmem>> -> memref<128xi32, #tpu.memory_space<vmem>>
    %dma_start3A_108 = arith.constant 0 : i32
    %dma_start3A_109 = arith.constant 0 : i32
    %dma_start3A_110 = tpu.memref_slice %arg9[%dma_start3A_108, %dma_start3A_109] : memref<10240x64xf32, #tpu.memory_space<vmem_shared>> -> memref<10240x64xf32, #tpu.memory_space<vmem_shared>>
    %dma_start3A_111 = tpu.memref_slice %arg11[%dma_start3A_100] : memref<3x!tpu.dma_semaphore, #tpu.memory_space<semaphore_mem>> -> memref<1x!tpu.dma_semaphore, #tpu.memory_space<semaphore_mem>>
    %dma_start3A_112 = tpu.memref_squeeze %dma_start3A_111 : memref<1x!tpu.dma_semaphore, #tpu.memory_space<semaphore_mem>> -> memref<!tpu.dma_semaphore, #tpu.memory_space<semaphore_mem>>
    tpu.enqueue_indirect_dma source(%dma_start3A_110 : memref<10240x64xf32, #tpu.memory_space<vmem_shared>>) target(%dma_start3A_104 : memref<128x64xf32, #tpu.memory_space<vmem>>) offsets(%dma_start3A_107 : memref<128xi32, #tpu.memory_space<vmem>>) semaphore(%dma_start3A_112 : memref<!tpu.dma_semaphore, #tpu.memory_space<semaphore_mem>>)
    %dma_start3A_113 = arith.constant 2 : i32
    %dma_start3A_114 = arith.constant 2 : i32
    %dma_start3A_115 = arith.constant 2 : i32
    %dma_start3A_116 = arith.constant 0 : i32
    %dma_start3A_117 = arith.constant 0 : i32
    %dma_start3A_118 = tpu.memref_slice %arg7[%dma_start3A_114, %dma_start3A_116, %dma_start3A_117] : memref<3x128x64xf32, #tpu.memory_space<vmem>> -> memref<1x128x64xf32, #tpu.memory_space<vmem>>
    %dma_start3A_119 = tpu.memref_squeeze %dma_start3A_118 : memref<1x128x64xf32, #tpu.memory_space<vmem>> -> memref<128x64xf32, #tpu.memory_space<vmem>>
    %dma_start3A_120 = arith.constant 0 : i32
    %dma_start3A_121 = tpu.memref_slice %arg5[%dma_start3A_113, %dma_start3A_120] : memref<79x128xi32, #tpu.memory_space<vmem>> -> memref<1x128xi32, #tpu.memory_space<vmem>>
    %dma_start3A_122 = tpu.memref_squeeze %dma_start3A_121 : memref<1x128xi32, #tpu.memory_space<vmem>> -> memref<128xi32, #tpu.memory_space<vmem>>
    %dma_start3A_123 = arith.constant 0 : i32
    %dma_start3A_124 = arith.constant 0 : i32
    %dma_start3A_125 = tpu.memref_slice %arg9[%dma_start3A_123, %dma_start3A_124] : memref<10240x64xf32, #tpu.memory_space<vmem_shared>> -> memref<10240x64xf32, #tpu.memory_space<vmem_shared>>
    %dma_start3A_126 = tpu.memref_slice %arg11[%dma_start3A_115] : memref<3x!tpu.dma_semaphore, #tpu.memory_space<semaphore_mem>> -> memref<1x!tpu.dma_semaphore, #tpu.memory_space<semaphore_mem>>
    %dma_start3A_127 = tpu.memref_squeeze %dma_start3A_126 : memref<1x!tpu.dma_semaphore, #tpu.memory_space<semaphore_mem>> -> memref<!tpu.dma_semaphore, #tpu.memory_space<semaphore_mem>>
    tpu.enqueue_indirect_dma source(%dma_start3A_125 : memref<10240x64xf32, #tpu.memory_space<vmem_shared>>) target(%dma_start3A_119 : memref<128x64xf32, #tpu.memory_space<vmem>>) offsets(%dma_start3A_122 : memref<128xi32, #tpu.memory_space<vmem>>) semaphore(%dma_start3A_127 : memref<!tpu.dma_semaphore, #tpu.memory_space<semaphore_mem>>)
    %scan3A_128 = arith.constant 0 : i32
    %scan3A_129 = arith.constant 0 : i32
    %scan3A_130 = arith.constant 79 : i32
    %scan3A_131 = arith.addi %scan3A_129, %scan3A_130 : i32
    %scan3A_132 = arith.constant 1 : i32
    %scan3A_133 = scf.for %scan3A_311 = %scan3A_129 to %scan3A_131 step %scan3A_132 iter_args(%scan3A_312 = %scan3A_128) -> (i32)  : i32 {
      %rem3A = arith.constant 3 : i32
      %rem3A_313 = arith.remsi %scan3A_311, %rem3A : i32
      %dma_wait3A_314 = arith.constant 0 : i32
      %dma_wait3A_315 = arith.constant 0 : i32
      %dma_wait3A_316 = tpu.memref_slice %arg7[%rem3A_313, %dma_wait3A_314, %dma_wait3A_315] : memref<3x128x64xf32, #tpu.memory_space<vmem>> -> memref<1x128x64xf32, #tpu.memory_space<vmem>>
      %dma_wait3A_317 = tpu.memref_squeeze %dma_wait3A_316 : memref<1x128x64xf32, #tpu.memory_space<vmem>> -> memref<128x64xf32, #tpu.memory_space<vmem>>
      %dma_wait3A_318 = arith.constant 0 : i32
      %dma_wait3A_319 = tpu.memref_slice %arg5[%scan3A_311, %dma_wait3A_318] : memref<79x128xi32, #tpu.memory_space<vmem>> -> memref<1x128xi32, #tpu.memory_space<vmem>>
      %dma_wait3A_320 = tpu.memref_squeeze %dma_wait3A_319 : memref<1x128xi32, #tpu.memory_space<vmem>> -> memref<128xi32, #tpu.memory_space<vmem>>
      %dma_wait3A_321 = arith.constant 0 : i32
      %dma_wait3A_322 = arith.constant 0 : i32
      %dma_wait3A_323 = tpu.memref_slice %arg9[%dma_wait3A_321, %dma_wait3A_322] : memref<10240x64xf32, #tpu.memory_space<vmem_shared>> -> memref<10240x64xf32, #tpu.memory_space<vmem_shared>>
      %dma_wait3A_324 = tpu.memref_slice %arg11[%rem3A_313] : memref<3x!tpu.dma_semaphore, #tpu.memory_space<semaphore_mem>> -> memref<1x!tpu.dma_semaphore, #tpu.memory_space<semaphore_mem>>
      %dma_wait3A_325 = tpu.memref_squeeze %dma_wait3A_324 : memref<1x!tpu.dma_semaphore, #tpu.memory_space<semaphore_mem>> -> memref<!tpu.dma_semaphore, #tpu.memory_space<semaphore_mem>>
      tpu.wait_indirect_dma semaphore(%dma_wait3A_325 : memref<!tpu.dma_semaphore, #tpu.memory_space<semaphore_mem>>) src(%dma_wait3A_323 : memref<10240x64xf32, #tpu.memory_space<vmem_shared>>) dst(%dma_wait3A_317 : memref<128x64xf32, #tpu.memory_space<vmem>>)
      %dma_start3A_326 = arith.constant 0 : i32
      %dma_start3A_327 = arith.constant 0 : i32
      %dma_start3A_328 = tpu.memref_slice %arg7[%rem3A_313, %dma_start3A_326, %dma_start3A_327] : memref<3x128x64xf32, #tpu.memory_space<vmem>> -> memref<1x128x64xf32, #tpu.memory_space<vmem>>
      %dma_start3A_329 = tpu.memref_squeeze %dma_start3A_328 : memref<1x128x64xf32, #tpu.memory_space<vmem>> -> memref<128x64xf32, #tpu.memory_space<vmem>>
      %dma_start3A_330 = arith.constant 0 : i32
      %dma_start3A_331 = tpu.memref_slice %arg6[%scan3A_311, %dma_start3A_330] : memref<79x128xi32, #tpu.memory_space<vmem>> -> memref<1x128xi32, #tpu.memory_space<vmem>>
      %dma_start3A_332 = tpu.memref_squeeze %dma_start3A_331 : memref<1x128xi32, #tpu.memory_space<vmem>> -> memref<128xi32, #tpu.memory_space<vmem>>
      %dma_start3A_333 = arith.constant 0 : i32
      %dma_start3A_334 = arith.constant 0 : i32
      %dma_start3A_335 = tpu.memref_slice %arg8[%dma_start3A_333, %dma_start3A_334] : memref<10240x64xf32, #tpu.memory_space<vmem_shared>> -> memref<10240x64xf32, #tpu.memory_space<vmem_shared>>
      %dma_start3A_336 = tpu.memref_slice %arg12[%rem3A_313] : memref<3x!tpu.dma_semaphore, #tpu.memory_space<semaphore_mem>> -> memref<1x!tpu.dma_semaphore, #tpu.memory_space<semaphore_mem>>
      %dma_start3A_337 = tpu.memref_squeeze %dma_start3A_336 : memref<1x!tpu.dma_semaphore, #tpu.memory_space<semaphore_mem>> -> memref<!tpu.dma_semaphore, #tpu.memory_space<semaphore_mem>>
      tpu.enqueue_indirect_dma source(%dma_start3A_329 : memref<128x64xf32, #tpu.memory_space<vmem>>) target(%dma_start3A_335 : memref<10240x64xf32, #tpu.memory_space<vmem_shared>>) offsets(%dma_start3A_332 : memref<128xi32, #tpu.memory_space<vmem>>) semaphore(%dma_start3A_337 : memref<!tpu.dma_semaphore, #tpu.memory_space<semaphore_mem>>) {add = true}
      %add3A_338 = arith.constant 3 : i32
      %add3A_339 = arith.addi %scan3A_311, %add3A_338 : i32
      %lt3A = arith.constant 79 : i32
      %lt3A_340 = arith.cmpi slt, %add3A_339, %lt3A : i32
      %convert_element_type3A = arith.extui %lt3A_340 : i1 to i32
      %cond3A = arith.constant 0 : i32
      %cond3A_341 = arith.cmpi ne, %convert_element_type3A, %cond3A : i32
      scf.if %cond3A_341 {
        %dma_wait3A_343 = arith.constant 0 : i32
        %dma_wait3A_344 = arith.constant 0 : i32
        %dma_wait3A_345 = tpu.memref_slice %arg7[%rem3A_313, %dma_wait3A_343, %dma_wait3A_344] : memref<3x128x64xf32, #tpu.memory_space<vmem>> -> memref<1x128x64xf32, #tpu.memory_space<vmem>>
        %dma_wait3A_346 = tpu.memref_squeeze %dma_wait3A_345 : memref<1x128x64xf32, #tpu.memory_space<vmem>> -> memref<128x64xf32, #tpu.memory_space<vmem>>
        %dma_wait3A_347 = arith.constant 0 : i32
        %dma_wait3A_348 = tpu.memref_slice %arg6[%scan3A_311, %dma_wait3A_347] : memref<79x128xi32, #tpu.memory_space<vmem>> -> memref<1x128xi32, #tpu.memory_space<vmem>>
        %dma_wait3A_349 = tpu.memref_squeeze %dma_wait3A_348 : memref<1x128xi32, #tpu.memory_space<vmem>> -> memref<128xi32, #tpu.memory_space<vmem>>
        %dma_wait3A_350 = arith.constant 0 : i32
        %dma_wait3A_351 = arith.constant 0 : i32
        %dma_wait3A_352 = tpu.memref_slice %arg8[%dma_wait3A_350, %dma_wait3A_351] : memref<10240x64xf32, #tpu.memory_space<vmem_shared>> -> memref<10240x64xf32, #tpu.memory_space<vmem_shared>>
        %dma_wait3A_353 = tpu.memref_slice %arg12[%rem3A_313] : memref<3x!tpu.dma_semaphore, #tpu.memory_space<semaphore_mem>> -> memref<1x!tpu.dma_semaphore, #tpu.memory_space<semaphore_mem>>
        %dma_wait3A_354 = tpu.memref_squeeze %dma_wait3A_353 : memref<1x!tpu.dma_semaphore, #tpu.memory_space<semaphore_mem>> -> memref<!tpu.dma_semaphore, #tpu.memory_space<semaphore_mem>>
        tpu.wait_indirect_dma semaphore(%dma_wait3A_354 : memref<!tpu.dma_semaphore, #tpu.memory_space<semaphore_mem>>) src(%dma_wait3A_346 : memref<128x64xf32, #tpu.memory_space<vmem>>) dst(%dma_wait3A_352 : memref<10240x64xf32, #tpu.memory_space<vmem_shared>>)
        %add3A_355 = arith.constant 3 : i32
        %add3A_356 = arith.addi %scan3A_311, %add3A_355 : i32
        %dma_start3A_357 = arith.constant 0 : i32
        %dma_start3A_358 = arith.constant 0 : i32
        %dma_start3A_359 = tpu.memref_slice %arg7[%rem3A_313, %dma_start3A_357, %dma_start3A_358] : memref<3x128x64xf32, #tpu.memory_space<vmem>> -> memref<1x128x64xf32, #tpu.memory_space<vmem>>
        %dma_start3A_360 = tpu.memref_squeeze %dma_start3A_359 : memref<1x128x64xf32, #tpu.memory_space<vmem>> -> memref<128x64xf32, #tpu.memory_space<vmem>>
        %dma_start3A_361 = arith.constant 0 : i32
        %dma_start3A_362 = tpu.memref_slice %arg5[%add3A_356, %dma_start3A_361] : memref<79x128xi32, #tpu.memory_space<vmem>> -> memref<1x128xi32, #tpu.memory_space<vmem>>
        %dma_start3A_363 = tpu.memref_squeeze %dma_start3A_362 : memref<1x128xi32, #tpu.memory_space<vmem>> -> memref<128xi32, #tpu.memory_space<vmem>>
        %dma_start3A_364 = arith.constant 0 : i32
        %dma_start3A_365 = arith.constant 0 : i32
        %dma_start3A_366 = tpu.memref_slice %arg9[%dma_start3A_364, %dma_start3A_365] : memref<10240x64xf32, #tpu.memory_space<vmem_shared>> -> memref<10240x64xf32, #tpu.memory_space<vmem_shared>>
        %dma_start3A_367 = tpu.memref_slice %arg11[%rem3A_313] : memref<3x!tpu.dma_semaphore, #tpu.memory_space<semaphore_mem>> -> memref<1x!tpu.dma_semaphore, #tpu.memory_space<semaphore_mem>>
        %dma_start3A_368 = tpu.memref_squeeze %dma_start3A_367 : memref<1x!tpu.dma_semaphore, #tpu.memory_space<semaphore_mem>> -> memref<!tpu.dma_semaphore, #tpu.memory_space<semaphore_mem>>
        tpu.enqueue_indirect_dma source(%dma_start3A_366 : memref<10240x64xf32, #tpu.memory_space<vmem_shared>>) target(%dma_start3A_360 : memref<128x64xf32, #tpu.memory_space<vmem>>) offsets(%dma_start3A_363 : memref<128xi32, #tpu.memory_space<vmem>>) semaphore(%dma_start3A_368 : memref<!tpu.dma_semaphore, #tpu.memory_space<semaphore_mem>>)
      } else {
      }
      %scan3A_342 = arith.constant 0 : i32
      scf.yield %scan3A_342 : i32
    }
    %scan3A_134 = arith.constant 79 : i32
    %dma_wait3A_135 = arith.constant 1 : i32
    %dma_wait3A_136 = arith.constant 76 : i32
    %dma_wait3A_137 = arith.constant 1 : i32
    %dma_wait3A_138 = arith.constant 0 : i32
    %dma_wait3A_139 = arith.constant 0 : i32
    %dma_wait3A_140 = tpu.memref_slice %arg7[%dma_wait3A_135, %dma_wait3A_138, %dma_wait3A_139] : memref<3x128x64xf32, #tpu.memory_space<vmem>> -> memref<1x128x64xf32, #tpu.memory_space<vmem>>
    %dma_wait3A_141 = tpu.memref_squeeze %dma_wait3A_140 : memref<1x128x64xf32, #tpu.memory_space<vmem>> -> memref<128x64xf32, #tpu.memory_space<vmem>>
    %dma_wait3A_142 = arith.constant 0 : i32
    %dma_wait3A_143 = tpu.memref_slice %arg6[%dma_wait3A_136, %dma_wait3A_142] : memref<79x128xi32, #tpu.memory_space<vmem>> -> memref<1x128xi32, #tpu.memory_space<vmem>>
    %dma_wait3A_144 = tpu.memref_squeeze %dma_wait3A_143 : memref<1x128xi32, #tpu.memory_space<vmem>> -> memref<128xi32, #tpu.memory_space<vmem>>
    %dma_wait3A_145 = arith.constant 0 : i32
    %dma_wait3A_146 = arith.constant 0 : i32
    %dma_wait3A_147 = tpu.memref_slice %arg8[%dma_wait3A_145, %dma_wait3A_146] : memref<10240x64xf32, #tpu.memory_space<vmem_shared>> -> memref<10240x64xf32, #tpu.memory_space<vmem_shared>>
    %dma_wait3A_148 = tpu.memref_slice %arg12[%dma_wait3A_137] : memref<3x!tpu.dma_semaphore, #tpu.memory_space<semaphore_mem>> -> memref<1x!tpu.dma_semaphore, #tpu.memory_space<semaphore_mem>>
    %dma_wait3A_149 = tpu.memref_squeeze %dma_wait3A_148 : memref<1x!tpu.dma_semaphore, #tpu.memory_space<semaphore_mem>> -> memref<!tpu.dma_semaphore, #tpu.memory_space<semaphore_mem>>
    tpu.wait_indirect_dma semaphore(%dma_wait3A_149 : memref<!tpu.dma_semaphore, #tpu.memory_space<semaphore_mem>>) src(%dma_wait3A_141 : memref<128x64xf32, #tpu.memory_space<vmem>>) dst(%dma_wait3A_147 : memref<10240x64xf32, #tpu.memory_space<vmem_shared>>)
    %dma_wait3A_150 = arith.constant 2 : i32
    %dma_wait3A_151 = arith.constant 77 : i32
    %dma_wait3A_152 = arith.constant 2 : i32
    %dma_wait3A_153 = arith.constant 0 : i32
    %dma_wait3A_154 = arith.constant 0 : i32
    %dma_wait3A_155 = tpu.memref_slice %arg7[%dma_wait3A_150, %dma_wait3A_153, %dma_wait3A_154] : memref<3x128x64xf32, #tpu.memory_space<vmem>> -> memref<1x128x64xf32, #tpu.memory_space<vmem>>
    %dma_wait3A_156 = tpu.memref_squeeze %dma_wait3A_155 : memref<1x128x64xf32, #tpu.memory_space<vmem>> -> memref<128x64xf32, #tpu.memory_space<vmem>>
    %dma_wait3A_157 = arith.constant 0 : i32
    %dma_wait3A_158 = tpu.memref_slice %arg6[%dma_wait3A_151, %dma_wait3A_157] : memref<79x128xi32, #tpu.memory_space<vmem>> -> memref<1x128xi32, #tpu.memory_space<vmem>>
    %dma_wait3A_159 = tpu.memref_squeeze %dma_wait3A_158 : memref<1x128xi32, #tpu.memory_space<vmem>> -> memref<128xi32, #tpu.memory_space<vmem>>
    %dma_wait3A_160 = arith.constant 0 : i32
    %dma_wait3A_161 = arith.constant 0 : i32
    %dma_wait3A_162 = tpu.memref_slice %arg8[%dma_wait3A_160, %dma_wait3A_161] : memref<10240x64xf32, #tpu.memory_space<vmem_shared>> -> memref<10240x64xf32, #tpu.memory_space<vmem_shared>>
    %dma_wait3A_163 = tpu.memref_slice %arg12[%dma_wait3A_152] : memref<3x!tpu.dma_semaphore, #tpu.memory_space<semaphore_mem>> -> memref<1x!tpu.dma_semaphore, #tpu.memory_space<semaphore_mem>>
    %dma_wait3A_164 = tpu.memref_squeeze %dma_wait3A_163 : memref<1x!tpu.dma_semaphore, #tpu.memory_space<semaphore_mem>> -> memref<!tpu.dma_semaphore, #tpu.memory_space<semaphore_mem>>
    tpu.wait_indirect_dma semaphore(%dma_wait3A_164 : memref<!tpu.dma_semaphore, #tpu.memory_space<semaphore_mem>>) src(%dma_wait3A_156 : memref<128x64xf32, #tpu.memory_space<vmem>>) dst(%dma_wait3A_162 : memref<10240x64xf32, #tpu.memory_space<vmem_shared>>)
    %dma_wait3A_165 = arith.constant 0 : i32
    %dma_wait3A_166 = arith.constant 78 : i32
    %dma_wait3A_167 = arith.constant 0 : i32
    %dma_wait3A_168 = arith.constant 0 : i32
    %dma_wait3A_169 = arith.constant 0 : i32
    %dma_wait3A_170 = tpu.memref_slice %arg7[%dma_wait3A_165, %dma_wait3A_168, %dma_wait3A_169] : memref<3x128x64xf32, #tpu.memory_space<vmem>> -> memref<1x128x64xf32, #tpu.memory_space<vmem>>
    %dma_wait3A_171 = tpu.memref_squeeze %dma_wait3A_170 : memref<1x128x64xf32, #tpu.memory_space<vmem>> -> memref<128x64xf32, #tpu.memory_space<vmem>>
    %dma_wait3A_172 = arith.constant 0 : i32
    %dma_wait3A_173 = tpu.memref_slice %arg6[%dma_wait3A_166, %dma_wait3A_172] : memref<79x128xi32, #tpu.memory_space<vmem>> -> memref<1x128xi32, #tpu.memory_space<vmem>>
    %dma_wait3A_174 = tpu.memref_squeeze %dma_wait3A_173 : memref<1x128xi32, #tpu.memory_space<vmem>> -> memref<128xi32, #tpu.memory_space<vmem>>
    %dma_wait3A_175 = arith.constant 0 : i32
    %dma_wait3A_176 = arith.constant 0 : i32
    %dma_wait3A_177 = tpu.memref_slice %arg8[%dma_wait3A_175, %dma_wait3A_176] : memref<10240x64xf32, #tpu.memory_space<vmem_shared>> -> memref<10240x64xf32, #tpu.memory_space<vmem_shared>>
    %dma_wait3A_178 = tpu.memref_slice %arg12[%dma_wait3A_167] : memref<3x!tpu.dma_semaphore, #tpu.memory_space<semaphore_mem>> -> memref<1x!tpu.dma_semaphore, #tpu.memory_space<semaphore_mem>>
    %dma_wait3A_179 = tpu.memref_squeeze %dma_wait3A_178 : memref<1x!tpu.dma_semaphore, #tpu.memory_space<semaphore_mem>> -> memref<!tpu.dma_semaphore, #tpu.memory_space<semaphore_mem>>
    tpu.wait_indirect_dma semaphore(%dma_wait3A_179 : memref<!tpu.dma_semaphore, #tpu.memory_space<semaphore_mem>>) src(%dma_wait3A_171 : memref<128x64xf32, #tpu.memory_space<vmem>>) dst(%dma_wait3A_177 : memref<10240x64xf32, #tpu.memory_space<vmem_shared>>)
    %barrier3A_180 = arith.constant 0 : index
    tpu.barrier barrier_id(%barrier3A_180)
    %mul3A_181 = arith.constant 640 : i32
    %mul3A_182 = arith.muli %arg1, %mul3A_181 : i32
    %add3A_183 = arith.constant 0 : i32
    %add3A_184 = arith.addi %mul3A_182, %add3A_183 : i32
    %mul3A_185 = arith.constant 640 : i32
    %mul3A_186 = arith.muli %arg1, %mul3A_185 : i32
    %add3A_187 = arith.constant 0 : i32
    %add3A_188 = arith.addi %mul3A_186, %add3A_187 : i32
    %dma_start3A_189 = arith.constant 0 : i32
    %dma_start3A_190 = tpu.memref_slice %arg4[%arg0, %add3A_188, %dma_start3A_189] : memref<2x10240x64xf32, #tpu.memory_space<hbm>> -> memref<1x128x64xf32, #tpu.memory_space<hbm>>
    %dma_start3A_191 = tpu.memref_squeeze %dma_start3A_190 : memref<1x128x64xf32, #tpu.memory_space<hbm>> -> memref<128x64xf32, #tpu.memory_space<hbm>>
    %dma_start3A_192 = arith.constant 0 : i32
    %dma_start3A_193 = tpu.memref_slice %arg8[%add3A_184, %dma_start3A_192] : memref<10240x64xf32, #tpu.memory_space<vmem_shared>> -> memref<128x64xf32, #tpu.memory_space<vmem_shared>>
    tpu.enqueue_dma source(%dma_start3A_193 : memref<128x64xf32, #tpu.memory_space<vmem_shared>>) target(%dma_start3A_191 : memref<128x64xf32, #tpu.memory_space<hbm>>) target_semaphore(%arg10 : memref<!tpu.dma_semaphore, #tpu.memory_space<semaphore_mem>>)
    %mul3A_194 = arith.constant 640 : i32
    %mul3A_195 = arith.muli %arg1, %mul3A_194 : i32
    %add3A_196 = arith.constant 128 : i32
    %add3A_197 = arith.addi %mul3A_195, %add3A_196 : i32
    %mul3A_198 = arith.constant 640 : i32
    %mul3A_199 = arith.muli %arg1, %mul3A_198 : i32
    %add3A_200 = arith.constant 128 : i32
    %add3A_201 = arith.addi %mul3A_199, %add3A_200 : i32
    %dma_start3A_202 = arith.constant 0 : i32
    %dma_start3A_203 = tpu.memref_slice %arg4[%arg0, %add3A_201, %dma_start3A_202] : memref<2x10240x64xf32, #tpu.memory_space<hbm>> -> memref<1x128x64xf32, #tpu.memory_space<hbm>>
    %dma_start3A_204 = tpu.memref_squeeze %dma_start3A_203 : memref<1x128x64xf32, #tpu.memory_space<hbm>> -> memref<128x64xf32, #tpu.memory_space<hbm>>
    %dma_start3A_205 = arith.constant 0 : i32
    %dma_start3A_206 = tpu.memref_slice %arg8[%add3A_197, %dma_start3A_205] : memref<10240x64xf32, #tpu.memory_space<vmem_shared>> -> memref<128x64xf32, #tpu.memory_space<vmem_shared>>
    tpu.enqueue_dma source(%dma_start3A_206 : memref<128x64xf32, #tpu.memory_space<vmem_shared>>) target(%dma_start3A_204 : memref<128x64xf32, #tpu.memory_space<hbm>>) target_semaphore(%arg10 : memref<!tpu.dma_semaphore, #tpu.memory_space<semaphore_mem>>)
    %mul3A_207 = arith.constant 640 : i32
    %mul3A_208 = arith.muli %arg1, %mul3A_207 : i32
    %add3A_209 = arith.constant 256 : i32
    %add3A_210 = arith.addi %mul3A_208, %add3A_209 : i32
    %mul3A_211 = arith.constant 640 : i32
    %mul3A_212 = arith.muli %arg1, %mul3A_211 : i32
    %add3A_213 = arith.constant 256 : i32
    %add3A_214 = arith.addi %mul3A_212, %add3A_213 : i32
    %dma_start3A_215 = arith.constant 0 : i32
    %dma_start3A_216 = tpu.memref_slice %arg4[%arg0, %add3A_214, %dma_start3A_215] : memref<2x10240x64xf32, #tpu.memory_space<hbm>> -> memref<1x128x64xf32, #tpu.memory_space<hbm>>
    %dma_start3A_217 = tpu.memref_squeeze %dma_start3A_216 : memref<1x128x64xf32, #tpu.memory_space<hbm>> -> memref<128x64xf32, #tpu.memory_space<hbm>>
    %dma_start3A_218 = arith.constant 0 : i32
    %dma_start3A_219 = tpu.memref_slice %arg8[%add3A_210, %dma_start3A_218] : memref<10240x64xf32, #tpu.memory_space<vmem_shared>> -> memref<128x64xf32, #tpu.memory_space<vmem_shared>>
    tpu.enqueue_dma source(%dma_start3A_219 : memref<128x64xf32, #tpu.memory_space<vmem_shared>>) target(%dma_start3A_217 : memref<128x64xf32, #tpu.memory_space<hbm>>) target_semaphore(%arg10 : memref<!tpu.dma_semaphore, #tpu.memory_space<semaphore_mem>>)
    %mul3A_220 = arith.constant 640 : i32
    %mul3A_221 = arith.muli %arg1, %mul3A_220 : i32
    %add3A_222 = arith.constant 384 : i32
    %add3A_223 = arith.addi %mul3A_221, %add3A_222 : i32
    %mul3A_224 = arith.constant 640 : i32
    %mul3A_225 = arith.muli %arg1, %mul3A_224 : i32
    %add3A_226 = arith.constant 384 : i32
    %add3A_227 = arith.addi %mul3A_225, %add3A_226 : i32
    %dma_start3A_228 = arith.constant 0 : i32
    %dma_start3A_229 = tpu.memref_slice %arg4[%arg0, %add3A_227, %dma_start3A_228] : memref<2x10240x64xf32, #tpu.memory_space<hbm>> -> memref<1x128x64xf32, #tpu.memory_space<hbm>>
    %dma_start3A_230 = tpu.memref_squeeze %dma_start3A_229 : memref<1x128x64xf32, #tpu.memory_space<hbm>> -> memref<128x64xf32, #tpu.memory_space<hbm>>
    %dma_start3A_231 = arith.constant 0 : i32
    %dma_start3A_232 = tpu.memref_slice %arg8[%add3A_223, %dma_start3A_231] : memref<10240x64xf32, #tpu.memory_space<vmem_shared>> -> memref<128x64xf32, #tpu.memory_space<vmem_shared>>
    tpu.enqueue_dma source(%dma_start3A_232 : memref<128x64xf32, #tpu.memory_space<vmem_shared>>) target(%dma_start3A_230 : memref<128x64xf32, #tpu.memory_space<hbm>>) target_semaphore(%arg10 : memref<!tpu.dma_semaphore, #tpu.memory_space<semaphore_mem>>)
    %mul3A_233 = arith.constant 640 : i32
    %mul3A_234 = arith.muli %arg1, %mul3A_233 : i32
    %add3A_235 = arith.constant 512 : i32
    %add3A_236 = arith.addi %mul3A_234, %add3A_235 : i32
    %mul3A_237 = arith.constant 640 : i32
    %mul3A_238 = arith.muli %arg1, %mul3A_237 : i32
    %add3A_239 = arith.constant 512 : i32
    %add3A_240 = arith.addi %mul3A_238, %add3A_239 : i32
    %dma_start3A_241 = arith.constant 0 : i32
    %dma_start3A_242 = tpu.memref_slice %arg4[%arg0, %add3A_240, %dma_start3A_241] : memref<2x10240x64xf32, #tpu.memory_space<hbm>> -> memref<1x128x64xf32, #tpu.memory_space<hbm>>
    %dma_start3A_243 = tpu.memref_squeeze %dma_start3A_242 : memref<1x128x64xf32, #tpu.memory_space<hbm>> -> memref<128x64xf32, #tpu.memory_space<hbm>>
    %dma_start3A_244 = arith.constant 0 : i32
    %dma_start3A_245 = tpu.memref_slice %arg8[%add3A_236, %dma_start3A_244] : memref<10240x64xf32, #tpu.memory_space<vmem_shared>> -> memref<128x64xf32, #tpu.memory_space<vmem_shared>>
    tpu.enqueue_dma source(%dma_start3A_245 : memref<128x64xf32, #tpu.memory_space<vmem_shared>>) target(%dma_start3A_243 : memref<128x64xf32, #tpu.memory_space<hbm>>) target_semaphore(%arg10 : memref<!tpu.dma_semaphore, #tpu.memory_space<semaphore_mem>>)
    %mul3A_246 = arith.constant 640 : i32
    %mul3A_247 = arith.muli %arg1, %mul3A_246 : i32
    %add3A_248 = arith.constant 0 : i32
    %add3A_249 = arith.addi %mul3A_247, %add3A_248 : i32
    %mul3A_250 = arith.constant 640 : i32
    %mul3A_251 = arith.muli %arg1, %mul3A_250 : i32
    %add3A_252 = arith.constant 0 : i32
    %add3A_253 = arith.addi %mul3A_251, %add3A_252 : i32
    %dma_wait3A_254 = arith.constant 0 : i32
    %dma_wait3A_255 = tpu.memref_slice %arg4[%arg0, %add3A_253, %dma_wait3A_254] : memref<2x10240x64xf32, #tpu.memory_space<hbm>> -> memref<1x128x64xf32, #tpu.memory_space<hbm>>
    %dma_wait3A_256 = tpu.memref_squeeze %dma_wait3A_255 : memref<1x128x64xf32, #tpu.memory_space<hbm>> -> memref<128x64xf32, #tpu.memory_space<hbm>>
    %dma_wait3A_257 = arith.constant 0 : i32
    %dma_wait3A_258 = tpu.memref_slice %arg8[%add3A_249, %dma_wait3A_257] : memref<10240x64xf32, #tpu.memory_space<vmem_shared>> -> memref<128x64xf32, #tpu.memory_space<vmem_shared>>
    tpu.wait_dma2 semaphore(%arg10 : memref<!tpu.dma_semaphore, #tpu.memory_space<semaphore_mem>>) src(%dma_wait3A_258 : memref<128x64xf32, #tpu.memory_space<vmem_shared>>) dst(%dma_wait3A_256 : memref<128x64xf32, #tpu.memory_space<hbm>>)
    %mul3A_259 = arith.constant 640 : i32
    %mul3A_260 = arith.muli %arg1, %mul3A_259 : i32
    %add3A_261 = arith.constant 128 : i32
    %add3A_262 = arith.addi %mul3A_260, %add3A_261 : i32
    %mul3A_263 = arith.constant 640 : i32
    %mul3A_264 = arith.muli %arg1, %mul3A_263 : i32
    %add3A_265 = arith.constant 128 : i32
    %add3A_266 = arith.addi %mul3A_264, %add3A_265 : i32
    %dma_wait3A_267 = arith.constant 0 : i32
    %dma_wait3A_268 = tpu.memref_slice %arg4[%arg0, %add3A_266, %dma_wait3A_267] : memref<2x10240x64xf32, #tpu.memory_space<hbm>> -> memref<1x128x64xf32, #tpu.memory_space<hbm>>
    %dma_wait3A_269 = tpu.memref_squeeze %dma_wait3A_268 : memref<1x128x64xf32, #tpu.memory_space<hbm>> -> memref<128x64xf32, #tpu.memory_space<hbm>>
    %dma_wait3A_270 = arith.constant 0 : i32
    %dma_wait3A_271 = tpu.memref_slice %arg8[%add3A_262, %dma_wait3A_270] : memref<10240x64xf32, #tpu.memory_space<vmem_shared>> -> memref<128x64xf32, #tpu.memory_space<vmem_shared>>
    tpu.wait_dma2 semaphore(%arg10 : memref<!tpu.dma_semaphore, #tpu.memory_space<semaphore_mem>>) src(%dma_wait3A_271 : memref<128x64xf32, #tpu.memory_space<vmem_shared>>) dst(%dma_wait3A_269 : memref<128x64xf32, #tpu.memory_space<hbm>>)
    %mul3A_272 = arith.constant 640 : i32
    %mul3A_273 = arith.muli %arg1, %mul3A_272 : i32
    %add3A_274 = arith.constant 256 : i32
    %add3A_275 = arith.addi %mul3A_273, %add3A_274 : i32
    %mul3A_276 = arith.constant 640 : i32
    %mul3A_277 = arith.muli %arg1, %mul3A_276 : i32
    %add3A_278 = arith.constant 256 : i32
    %add3A_279 = arith.addi %mul3A_277, %add3A_278 : i32
    %dma_wait3A_280 = arith.constant 0 : i32
    %dma_wait3A_281 = tpu.memref_slice %arg4[%arg0, %add3A_279, %dma_wait3A_280] : memref<2x10240x64xf32, #tpu.memory_space<hbm>> -> memref<1x128x64xf32, #tpu.memory_space<hbm>>
    %dma_wait3A_282 = tpu.memref_squeeze %dma_wait3A_281 : memref<1x128x64xf32, #tpu.memory_space<hbm>> -> memref<128x64xf32, #tpu.memory_space<hbm>>
    %dma_wait3A_283 = arith.constant 0 : i32
    %dma_wait3A_284 = tpu.memref_slice %arg8[%add3A_275, %dma_wait3A_283] : memref<10240x64xf32, #tpu.memory_space<vmem_shared>> -> memref<128x64xf32, #tpu.memory_space<vmem_shared>>
    tpu.wait_dma2 semaphore(%arg10 : memref<!tpu.dma_semaphore, #tpu.memory_space<semaphore_mem>>) src(%dma_wait3A_284 : memref<128x64xf32, #tpu.memory_space<vmem_shared>>) dst(%dma_wait3A_282 : memref<128x64xf32, #tpu.memory_space<hbm>>)
    %mul3A_285 = arith.constant 640 : i32
    %mul3A_286 = arith.muli %arg1, %mul3A_285 : i32
    %add3A_287 = arith.constant 384 : i32
    %add3A_288 = arith.addi %mul3A_286, %add3A_287 : i32
    %mul3A_289 = arith.constant 640 : i32
    %mul3A_290 = arith.muli %arg1, %mul3A_289 : i32
    %add3A_291 = arith.constant 384 : i32
    %add3A_292 = arith.addi %mul3A_290, %add3A_291 : i32
    %dma_wait3A_293 = arith.constant 0 : i32
    %dma_wait3A_294 = tpu.memref_slice %arg4[%arg0, %add3A_292, %dma_wait3A_293] : memref<2x10240x64xf32, #tpu.memory_space<hbm>> -> memref<1x128x64xf32, #tpu.memory_space<hbm>>
    %dma_wait3A_295 = tpu.memref_squeeze %dma_wait3A_294 : memref<1x128x64xf32, #tpu.memory_space<hbm>> -> memref<128x64xf32, #tpu.memory_space<hbm>>
    %dma_wait3A_296 = arith.constant 0 : i32
    %dma_wait3A_297 = tpu.memref_slice %arg8[%add3A_288, %dma_wait3A_296] : memref<10240x64xf32, #tpu.memory_space<vmem_shared>> -> memref<128x64xf32, #tpu.memory_space<vmem_shared>>
    tpu.wait_dma2 semaphore(%arg10 : memref<!tpu.dma_semaphore, #tpu.memory_space<semaphore_mem>>) src(%dma_wait3A_297 : memref<128x64xf32, #tpu.memory_space<vmem_shared>>) dst(%dma_wait3A_295 : memref<128x64xf32, #tpu.memory_space<hbm>>)
    %mul3A_298 = arith.constant 640 : i32
    %mul3A_299 = arith.muli %arg1, %mul3A_298 : i32
    %add3A_300 = arith.constant 512 : i32
    %add3A_301 = arith.addi %mul3A_299, %add3A_300 : i32
    %mul3A_302 = arith.constant 640 : i32
    %mul3A_303 = arith.muli %arg1, %mul3A_302 : i32
    %add3A_304 = arith.constant 512 : i32
    %add3A_305 = arith.addi %mul3A_303, %add3A_304 : i32
    %dma_wait3A_306 = arith.constant 0 : i32
    %dma_wait3A_307 = tpu.memref_slice %arg4[%arg0, %add3A_305, %dma_wait3A_306] : memref<2x10240x64xf32, #tpu.memory_space<hbm>> -> memref<1x128x64xf32, #tpu.memory_space<hbm>>
    %dma_wait3A_308 = tpu.memref_squeeze %dma_wait3A_307 : memref<1x128x64xf32, #tpu.memory_space<hbm>> -> memref<128x64xf32, #tpu.memory_space<hbm>>
    %dma_wait3A_309 = arith.constant 0 : i32
    %dma_wait3A_310 = tpu.memref_slice %arg8[%add3A_301, %dma_wait3A_309] : memref<10240x64xf32, #tpu.memory_space<vmem_shared>> -> memref<128x64xf32, #tpu.memory_space<vmem_shared>>
    tpu.wait_dma2 semaphore(%arg10 : memref<!tpu.dma_semaphore, #tpu.memory_space<semaphore_mem>>) src(%dma_wait3A_310 : memref<128x64xf32, #tpu.memory_space<vmem_shared>>) dst(%dma_wait3A_308 : memref<128x64xf32, #tpu.memory_space<hbm>>)
    return
  }
}

module attributes {stable_mosaic.version = 14 : i64} {
  func.func @body(%arg0: i32, %arg1: memref<5120x128xf32, #tpu.memory_space<vmem>>, %arg2: memref<128x64xf32, #tpu.memory_space<vmem>>, %arg3: memref<2x5120x16xf32, #tpu.memory_space<vmem>>, %arg4: memref<5120x64xf32, #tpu.memory_space<vmem>>, %arg5: memref<5120x1xf32, #tpu.memory_space<vmem>>) attributes {dimension_semantics = [#tpu.dimension_semantics<arbitrary>], iteration_bounds = array<i64: 2>, scalar_prefetch = 0 : i64, scratch_operands = 0 : i64, tpu.core_type = #tpu.core_type<tc>, window_params = [{transform_indices = @transform_0, window_bounds = array<i64: 5120, 128>}, {pipeline_mode = #tpu.pipeline_mode<synchronous>, transform_indices = @transform_1, window_bounds = array<i64: 128, 64>}, {transform_indices = @transform_2, window_bounds = array<i64: 2, 5120, 16>}, {transform_indices = @transform_3, window_bounds = array<i64: 5120, 64>}, {transform_indices = @transform_4, window_bounds = array<i64: 5120, 1>}]} {
    %get3A = arith.constant 0 : index
    %get3A_0 = arith.constant 0 : index
    %get3A_1 = arith.constant 0 : index
    %get3A_2 = vector.load %arg3[%get3A, %get3A_0, %get3A_1] : memref<2x5120x16xf32, #tpu.memory_space<vmem>>, vector<2x5120x16xf32>
    %slice3A = vector.extract_strided_slice %get3A_2 {offsets = [0, 0, 0], sizes = [1, 5120, 1], strides = [1, 1, 1]} : vector<2x5120x16xf32> to vector<1x5120x1xf32>
    %squeeze3A = vector.shape_cast %slice3A : vector<1x5120x1xf32> to vector<5120x1xf32>
    %slice3A_3 = vector.extract_strided_slice %get3A_2 {offsets = [1, 0, 0], sizes = [1, 5120, 1], strides = [1, 1, 1]} : vector<2x5120x16xf32> to vector<1x5120x1xf32>
    %squeeze3A_4 = vector.shape_cast %slice3A_3 : vector<1x5120x1xf32> to vector<5120x1xf32>
    %add3A = arith.addf %squeeze3A, %squeeze3A_4 : vector<5120x1xf32>
    %add3A_5 = arith.constant 1.000000e+00 : f32
    %add3A_6 = vector.broadcast %add3A_5 : f32 to vector<5120x1xf32>
    %add3A_7 = arith.addf %add3A, %add3A_6 : vector<5120x1xf32>
    %rsqrt3A = math.rsqrt %add3A_7 : vector<5120x1xf32>
    %get3A_8 = arith.constant 0 : index
    %get3A_9 = arith.constant 0 : index
    %get3A_10 = vector.load %arg1[%get3A_8, %get3A_9] : memref<5120x128xf32, #tpu.memory_space<vmem>>, vector<5120x128xf32>
    %get3A_11 = arith.constant 0 : index
    %get3A_12 = arith.constant 0 : index
    %get3A_13 = vector.load %arg2[%get3A_11, %get3A_12] : memref<128x64xf32, #tpu.memory_space<vmem>>, vector<128x64xf32>
    %dot_general3A = arith.constant dense<0.000000e+00> : vector<5120x64xf32>
    %dot_general3A_14 = tpu.matmul %get3A_10, %get3A_13, %dot_general3A {dimension_numbers = #tpu.dot_dimension_numbers<[1], [0], [0], [1], [0, 0, 1, 1], [], []>, transpose_lhs_hint = false} : vector<5120x128xf32>, vector<128x64xf32>, vector<5120x64xf32> -> vector<5120x64xf32>
    %mul3A = vector.broadcast %rsqrt3A : vector<5120x1xf32> to vector<5120x64xf32>
    %mul3A_15 = arith.mulf %dot_general3A_14, %mul3A : vector<5120x64xf32>
    %swap3A = arith.constant 0 : index
    %swap3A_16 = arith.constant 0 : index
    %swap3A_17 = vector.load %arg4[%swap3A, %swap3A_16] : memref<5120x64xf32, #tpu.memory_space<vmem>>, vector<5120x64xf32>
    tpu.vector_store %arg4[%swap3A, %swap3A_16], %mul3A_15 {strides = array<i32>} : memref<5120x64xf32, #tpu.memory_space<vmem>>, vector<5120x64xf32>,
    %swap3A_18 = arith.constant 0 : index
    %swap3A_19 = arith.constant 0 : index
    %swap3A_20 = vector.load %arg5[%swap3A_18, %swap3A_19] : memref<5120x1xf32, #tpu.memory_space<vmem>>, vector<5120x1xf32>
    tpu.vector_store %arg5[%swap3A_18, %swap3A_19], %rsqrt3A {strides = array<i32>} : memref<5120x1xf32, #tpu.memory_space<vmem>>, vector<5120x1xf32>,
    return
  }
  func.func @transform_0(%arg0: i32) -> (i32, i32) {
    %c0_i32 = arith.constant 0 : i32
    %c0_i32_0 = arith.constant 0 : i32
    return %arg0, %c0_i32 : i32, i32
  }
  func.func @transform_1(%arg0: i32) -> (i32, i32) {
    %c0_i32 = arith.constant 0 : i32
    %c0_i32_0 = arith.constant 0 : i32
    %c0_i32_1 = arith.constant 0 : i32
    return %c0_i32, %c0_i32_0 : i32, i32
  }
  func.func @transform_2(%arg0: i32) -> (i32, i32, i32) {
    %c0_i32 = arith.constant 0 : i32
    %c0_i32_0 = arith.constant 0 : i32
    %c0_i32_1 = arith.constant 0 : i32
    return %c0_i32, %arg0, %c0_i32_0 : i32, i32, i32
  }
  func.func @transform_3(%arg0: i32) -> (i32, i32) {
    %c0_i32 = arith.constant 0 : i32
    %c0_i32_0 = arith.constant 0 : i32
    return %arg0, %c0_i32 : i32, i32
  }
  func.func @transform_4(%arg0: i32) -> (i32, i32) {
    %c0_i32 = arith.constant 0 : i32
    %c0_i32_0 = arith.constant 0 : i32
    return %arg0, %c0_i32 : i32, i32
  }
}

module attributes {stable_mosaic.version = 14 : i64} {
  func.func @body(%arg0: i32, %arg1: memref<2x5120x64xf32, #tpu.memory_space<vmem>>, %arg2: memref<5120x64xf32, #tpu.memory_space<vmem>>, %arg3: memref<5120x1xf32, #tpu.memory_space<vmem>>, %arg4: memref<1x64xf32, #tpu.memory_space<vmem>>, %arg5: memref<1x64xf32, #tpu.memory_space<vmem>>, %arg6: memref<1x64xf32, #tpu.memory_space<vmem>>, %arg7: memref<1x64xf32, #tpu.memory_space<vmem>>, %arg8: memref<1x64xf32, #tpu.memory_space<vmem>>, %arg9: memref<64x64xf32, #tpu.memory_space<vmem>>, %arg10: memref<5120x64xf32, #tpu.memory_space<vmem>>) attributes {dimension_semantics = [#tpu.dimension_semantics<arbitrary>], iteration_bounds = array<i64: 2>, scalar_prefetch = 0 : i64, scratch_operands = 0 : i64, tpu.core_type = #tpu.core_type<tc>, window_params = [{transform_indices = @transform_0, window_bounds = array<i64: 2, 5120, 64>}, {transform_indices = @transform_1, window_bounds = array<i64: 5120, 64>}, {transform_indices = @transform_2, window_bounds = array<i64: 5120, 1>}, {pipeline_mode = #tpu.pipeline_mode<synchronous>, transform_indices = @transform_3, window_bounds = array<i64: 1, 64>}, {pipeline_mode = #tpu.pipeline_mode<synchronous>, transform_indices = @transform_4, window_bounds = array<i64: 1, 64>}, {pipeline_mode = #tpu.pipeline_mode<synchronous>, transform_indices = @transform_5, window_bounds = array<i64: 1, 64>}, {pipeline_mode = #tpu.pipeline_mode<synchronous>, transform_indices = @transform_6, window_bounds = array<i64: 1, 64>}, {pipeline_mode = #tpu.pipeline_mode<synchronous>, transform_indices = @transform_7, window_bounds = array<i64: 1, 64>}, {pipeline_mode = #tpu.pipeline_mode<synchronous>, transform_indices = @transform_8, window_bounds = array<i64: 64, 64>}, {transform_indices = @transform_9, window_bounds = array<i64: 5120, 64>}]} {
    %get3A = arith.constant 0 : index
    %get3A_0 = arith.constant 0 : index
    %get3A_1 = arith.constant 0 : index
    %get3A_2 = vector.load %arg1[%get3A, %get3A_0, %get3A_1] : memref<2x5120x64xf32, #tpu.memory_space<vmem>>, vector<2x5120x64xf32>
    %get3A_3 = arith.constant 0 : index
    %get3A_4 = arith.constant 0 : index
    %get3A_5 = vector.load %arg3[%get3A_3, %get3A_4] : memref<5120x1xf32, #tpu.memory_space<vmem>>, vector<5120x1xf32>
    %slice3A = vector.extract_strided_slice %get3A_2 {offsets = [0, 0, 0], sizes = [1, 5120, 64], strides = [1, 1, 1]} : vector<2x5120x64xf32> to vector<1x5120x64xf32>
    %squeeze3A = vector.shape_cast %slice3A : vector<1x5120x64xf32> to vector<5120x64xf32>
    %slice3A_6 = vector.extract_strided_slice %get3A_2 {offsets = [1, 0, 0], sizes = [1, 5120, 64], strides = [1, 1, 1]} : vector<2x5120x64xf32> to vector<1x5120x64xf32>
    %squeeze3A_7 = vector.shape_cast %slice3A_6 : vector<1x5120x64xf32> to vector<5120x64xf32>
    %add3A = arith.addf %squeeze3A, %squeeze3A_7 : vector<5120x64xf32>
    %get3A_8 = arith.constant 0 : index
    %get3A_9 = arith.constant 0 : index
    %get3A_10 = vector.load %arg2[%get3A_8, %get3A_9] : memref<5120x64xf32, #tpu.memory_space<vmem>>, vector<5120x64xf32>
    %add3A_11 = arith.addf %add3A, %get3A_10 : vector<5120x64xf32>
    %mul3A = vector.broadcast %get3A_5 : vector<5120x1xf32> to vector<5120x64xf32>
    %mul3A_12 = arith.mulf %mul3A, %add3A_11 : vector<5120x64xf32>
    %get3A_13 = arith.constant 0 : index
    %get3A_14 = arith.constant 0 : index
    %get3A_15 = vector.load %arg4[%get3A_13, %get3A_14] : memref<1x64xf32, #tpu.memory_space<vmem>>, vector<1x64xf32>
    %add3A_16 = vector.broadcast %get3A_15 : vector<1x64xf32> to vector<5120x64xf32>
    %add3A_17 = arith.addf %mul3A_12, %add3A_16 : vector<5120x64xf32>
    %get3A_18 = arith.constant 0 : index
    %get3A_19 = arith.constant 0 : index
    %get3A_20 = vector.load %arg5[%get3A_18, %get3A_19] : memref<1x64xf32, #tpu.memory_space<vmem>>, vector<1x64xf32>
    %get3A_21 = arith.constant 0 : index
    %get3A_22 = arith.constant 0 : index
    %get3A_23 = vector.load %arg8[%get3A_21, %get3A_22] : memref<1x64xf32, #tpu.memory_space<vmem>>, vector<1x64xf32>
    %add3A_24 = arith.constant 9.99999974E-6 : f32
    %add3A_25 = vector.broadcast %add3A_24 : f32 to vector<1x64xf32>
    %add3A_26 = arith.addf %get3A_23, %add3A_25 : vector<1x64xf32>
    %rsqrt3A = math.rsqrt %add3A_26 : vector<1x64xf32>
    %mul3A_27 = arith.mulf %get3A_20, %rsqrt3A : vector<1x64xf32>
    %get3A_28 = arith.constant 0 : index
    %get3A_29 = arith.constant 0 : index
    %get3A_30 = vector.load %arg7[%get3A_28, %get3A_29] : memref<1x64xf32, #tpu.memory_space<vmem>>, vector<1x64xf32>
    %sub3A = vector.broadcast %get3A_30 : vector<1x64xf32> to vector<5120x64xf32>
    %sub3A_31 = arith.subf %add3A_17, %sub3A : vector<5120x64xf32>
    %mul3A_32 = vector.broadcast %mul3A_27 : vector<1x64xf32> to vector<5120x64xf32>
    %mul3A_33 = arith.mulf %sub3A_31, %mul3A_32 : vector<5120x64xf32>
    %get3A_34 = arith.constant 0 : index
    %get3A_35 = arith.constant 0 : index
    %get3A_36 = vector.load %arg6[%get3A_34, %get3A_35] : memref<1x64xf32, #tpu.memory_space<vmem>>, vector<1x64xf32>
    %add3A_37 = vector.broadcast %get3A_36 : vector<1x64xf32> to vector<5120x64xf32>
    %add3A_38 = arith.addf %mul3A_33, %add3A_37 : vector<5120x64xf32>
    %max3A = arith.constant 0.000000e+00 : f32
    %max3A_39 = vector.broadcast %max3A : f32 to vector<5120x64xf32>
    %max3A_40 = arith.maximumf %add3A_38, %max3A_39 : vector<5120x64xf32>
    %get3A_41 = arith.constant 0 : index
    %get3A_42 = arith.constant 0 : index
    %get3A_43 = vector.load %arg9[%get3A_41, %get3A_42] : memref<64x64xf32, #tpu.memory_space<vmem>>, vector<64x64xf32>
    %dot_general3A = arith.constant dense<0.000000e+00> : vector<5120x64xf32>
    %dot_general3A_44 = tpu.matmul %max3A_40, %get3A_43, %dot_general3A {dimension_numbers = #tpu.dot_dimension_numbers<[1], [0], [0], [1], [0, 0, 1, 1], [], []>, transpose_lhs_hint = false} : vector<5120x64xf32>, vector<64x64xf32>, vector<5120x64xf32> -> vector<5120x64xf32>
    %mul3A_45 = vector.broadcast %get3A_5 : vector<5120x1xf32> to vector<5120x64xf32>
    %mul3A_46 = arith.mulf %dot_general3A_44, %mul3A_45 : vector<5120x64xf32>
    %swap3A = arith.constant 0 : index
    %swap3A_47 = arith.constant 0 : index
    %swap3A_48 = vector.load %arg10[%swap3A, %swap3A_47] : memref<5120x64xf32, #tpu.memory_space<vmem>>, vector<5120x64xf32>
    tpu.vector_store %arg10[%swap3A, %swap3A_47], %mul3A_46 {strides = array<i32>} : memref<5120x64xf32, #tpu.memory_space<vmem>>, vector<5120x64xf32>,
    return
  }
  func.func @transform_0(%arg0: i32) -> (i32, i32, i32) {
    %c0_i32 = arith.constant 0 : i32
    %c0_i32_0 = arith.constant 0 : i32
    %c0_i32_1 = arith.constant 0 : i32
    return %c0_i32, %arg0, %c0_i32_0 : i32, i32, i32
  }
  func.func @transform_1(%arg0: i32) -> (i32, i32) {
    %c0_i32 = arith.constant 0 : i32
    %c0_i32_0 = arith.constant 0 : i32
    return %arg0, %c0_i32 : i32, i32
  }
  func.func @transform_2(%arg0: i32) -> (i32, i32) {
    %c0_i32 = arith.constant 0 : i32
    %c0_i32_0 = arith.constant 0 : i32
    return %arg0, %c0_i32 : i32, i32
  }
  func.func @transform_3(%arg0: i32) -> (i32, i32) {
    %c0_i32 = arith.constant 0 : i32
    %c0_i32_0 = arith.constant 0 : i32
    %c0_i32_1 = arith.constant 0 : i32
    return %c0_i32, %c0_i32_0 : i32, i32
  }
  func.func @transform_4(%arg0: i32) -> (i32, i32) {
    %c0_i32 = arith.constant 0 : i32
    %c0_i32_0 = arith.constant 0 : i32
    %c0_i32_1 = arith.constant 0 : i32
    return %c0_i32, %c0_i32_0 : i32, i32
  }
  func.func @transform_5(%arg0: i32) -> (i32, i32) {
    %c0_i32 = arith.constant 0 : i32
    %c0_i32_0 = arith.constant 0 : i32
    %c0_i32_1 = arith.constant 0 : i32
    return %c0_i32, %c0_i32_0 : i32, i32
  }
  func.func @transform_6(%arg0: i32) -> (i32, i32) {
    %c0_i32 = arith.constant 0 : i32
    %c0_i32_0 = arith.constant 0 : i32
    %c0_i32_1 = arith.constant 0 : i32
    return %c0_i32, %c0_i32_0 : i32, i32
  }
  func.func @transform_7(%arg0: i32) -> (i32, i32) {
    %c0_i32 = arith.constant 0 : i32
    %c0_i32_0 = arith.constant 0 : i32
    %c0_i32_1 = arith.constant 0 : i32
    return %c0_i32, %c0_i32_0 : i32, i32
  }
  func.func @transform_8(%arg0: i32) -> (i32, i32) {
    %c0_i32 = arith.constant 0 : i32
    %c0_i32_0 = arith.constant 0 : i32
    %c0_i32_1 = arith.constant 0 : i32
    return %c0_i32, %c0_i32_0 : i32, i32
  }
  func.func @transform_9(%arg0: i32) -> (i32, i32) {
    %c0_i32 = arith.constant 0 : i32
    %c0_i32_0 = arith.constant 0 : i32
    return %arg0, %c0_i32 : i32, i32
  }
}

module attributes {stable_mosaic.version = 14 : i64} {
  func.func @body(%arg0: i32, %arg1: memref<2x5120x64xf32, #tpu.memory_space<vmem>>, %arg2: memref<5120x64xf32, #tpu.memory_space<vmem>>, %arg3: memref<5120x1xf32, #tpu.memory_space<vmem>>, %arg4: memref<1x64xf32, #tpu.memory_space<vmem>>, %arg5: memref<1x64xf32, #tpu.memory_space<vmem>>, %arg6: memref<1x64xf32, #tpu.memory_space<vmem>>, %arg7: memref<1x64xf32, #tpu.memory_space<vmem>>, %arg8: memref<1x64xf32, #tpu.memory_space<vmem>>, %arg9: memref<64x32xf32, #tpu.memory_space<vmem>>, %arg10: memref<1x32xf32, #tpu.memory_space<vmem>>, %arg11: memref<32x1xf32, #tpu.memory_space<vmem>>, %arg12: memref<1x1xf32, #tpu.memory_space<vmem>>, %arg13: memref<5120x1xf32, #tpu.memory_space<vmem>>) attributes {dimension_semantics = [#tpu.dimension_semantics<arbitrary>], iteration_bounds = array<i64: 2>, scalar_prefetch = 0 : i64, scratch_operands = 0 : i64, tpu.core_type = #tpu.core_type<tc>, window_params = [{transform_indices = @transform_0, window_bounds = array<i64: 2, 5120, 64>}, {transform_indices = @transform_1, window_bounds = array<i64: 5120, 64>}, {transform_indices = @transform_2, window_bounds = array<i64: 5120, 1>}, {pipeline_mode = #tpu.pipeline_mode<synchronous>, transform_indices = @transform_3, window_bounds = array<i64: 1, 64>}, {pipeline_mode = #tpu.pipeline_mode<synchronous>, transform_indices = @transform_4, window_bounds = array<i64: 1, 64>}, {pipeline_mode = #tpu.pipeline_mode<synchronous>, transform_indices = @transform_5, window_bounds = array<i64: 1, 64>}, {pipeline_mode = #tpu.pipeline_mode<synchronous>, transform_indices = @transform_6, window_bounds = array<i64: 1, 64>}, {pipeline_mode = #tpu.pipeline_mode<synchronous>, transform_indices = @transform_7, window_bounds = array<i64: 1, 64>}, {pipeline_mode = #tpu.pipeline_mode<synchronous>, transform_indices = @transform_8, window_bounds = array<i64: 64, 32>}, {pipeline_mode = #tpu.pipeline_mode<synchronous>, transform_indices = @transform_9, window_bounds = array<i64: 1, 32>}, {pipeline_mode = #tpu.pipeline_mode<synchronous>, transform_indices = @transform_10, window_bounds = array<i64: 32, 1>}, {pipeline_mode = #tpu.pipeline_mode<synchronous>, transform_indices = @transform_11, window_bounds = array<i64: 1, 1>}, {transform_indices = @transform_12, window_bounds = array<i64: 5120, 1>}]} {
    %get3A = arith.constant 0 : index
    %get3A_0 = arith.constant 0 : index
    %get3A_1 = arith.constant 0 : index
    %get3A_2 = vector.load %arg1[%get3A, %get3A_0, %get3A_1] : memref<2x5120x64xf32, #tpu.memory_space<vmem>>, vector<2x5120x64xf32>
    %get3A_3 = arith.constant 0 : index
    %get3A_4 = arith.constant 0 : index
    %get3A_5 = vector.load %arg3[%get3A_3, %get3A_4] : memref<5120x1xf32, #tpu.memory_space<vmem>>, vector<5120x1xf32>
    %slice3A = vector.extract_strided_slice %get3A_2 {offsets = [0, 0, 0], sizes = [1, 5120, 64], strides = [1, 1, 1]} : vector<2x5120x64xf32> to vector<1x5120x64xf32>
    %squeeze3A = vector.shape_cast %slice3A : vector<1x5120x64xf32> to vector<5120x64xf32>
    %slice3A_6 = vector.extract_strided_slice %get3A_2 {offsets = [1, 0, 0], sizes = [1, 5120, 64], strides = [1, 1, 1]} : vector<2x5120x64xf32> to vector<1x5120x64xf32>
    %squeeze3A_7 = vector.shape_cast %slice3A_6 : vector<1x5120x64xf32> to vector<5120x64xf32>
    %add3A = arith.addf %squeeze3A, %squeeze3A_7 : vector<5120x64xf32>
    %get3A_8 = arith.constant 0 : index
    %get3A_9 = arith.constant 0 : index
    %get3A_10 = vector.load %arg2[%get3A_8, %get3A_9] : memref<5120x64xf32, #tpu.memory_space<vmem>>, vector<5120x64xf32>
    %add3A_11 = arith.addf %add3A, %get3A_10 : vector<5120x64xf32>
    %mul3A = vector.broadcast %get3A_5 : vector<5120x1xf32> to vector<5120x64xf32>
    %mul3A_12 = arith.mulf %mul3A, %add3A_11 : vector<5120x64xf32>
    %get3A_13 = arith.constant 0 : index
    %get3A_14 = arith.constant 0 : index
    %get3A_15 = vector.load %arg4[%get3A_13, %get3A_14] : memref<1x64xf32, #tpu.memory_space<vmem>>, vector<1x64xf32>
    %add3A_16 = vector.broadcast %get3A_15 : vector<1x64xf32> to vector<5120x64xf32>
    %add3A_17 = arith.addf %mul3A_12, %add3A_16 : vector<5120x64xf32>
    %get3A_18 = arith.constant 0 : index
    %get3A_19 = arith.constant 0 : index
    %get3A_20 = vector.load %arg5[%get3A_18, %get3A_19] : memref<1x64xf32, #tpu.memory_space<vmem>>, vector<1x64xf32>
    %get3A_21 = arith.constant 0 : index
    %get3A_22 = arith.constant 0 : index
    %get3A_23 = vector.load %arg8[%get3A_21, %get3A_22] : memref<1x64xf32, #tpu.memory_space<vmem>>, vector<1x64xf32>
    %add3A_24 = arith.constant 9.99999974E-6 : f32
    %add3A_25 = vector.broadcast %add3A_24 : f32 to vector<1x64xf32>
    %add3A_26 = arith.addf %get3A_23, %add3A_25 : vector<1x64xf32>
    %rsqrt3A = math.rsqrt %add3A_26 : vector<1x64xf32>
    %mul3A_27 = arith.mulf %get3A_20, %rsqrt3A : vector<1x64xf32>
    %get3A_28 = arith.constant 0 : index
    %get3A_29 = arith.constant 0 : index
    %get3A_30 = vector.load %arg7[%get3A_28, %get3A_29] : memref<1x64xf32, #tpu.memory_space<vmem>>, vector<1x64xf32>
    %sub3A = vector.broadcast %get3A_30 : vector<1x64xf32> to vector<5120x64xf32>
    %sub3A_31 = arith.subf %add3A_17, %sub3A : vector<5120x64xf32>
    %mul3A_32 = vector.broadcast %mul3A_27 : vector<1x64xf32> to vector<5120x64xf32>
    %mul3A_33 = arith.mulf %sub3A_31, %mul3A_32 : vector<5120x64xf32>
    %get3A_34 = arith.constant 0 : index
    %get3A_35 = arith.constant 0 : index
    %get3A_36 = vector.load %arg6[%get3A_34, %get3A_35] : memref<1x64xf32, #tpu.memory_space<vmem>>, vector<1x64xf32>
    %add3A_37 = vector.broadcast %get3A_36 : vector<1x64xf32> to vector<5120x64xf32>
    %add3A_38 = arith.addf %mul3A_33, %add3A_37 : vector<5120x64xf32>
    %max3A = arith.constant 0.000000e+00 : f32
    %max3A_39 = vector.broadcast %max3A : f32 to vector<5120x64xf32>
    %max3A_40 = arith.maximumf %add3A_38, %max3A_39 : vector<5120x64xf32>
    %get3A_41 = arith.constant 0 : index
    %get3A_42 = arith.constant 0 : index
    %get3A_43 = vector.load %arg9[%get3A_41, %get3A_42] : memref<64x32xf32, #tpu.memory_space<vmem>>, vector<64x32xf32>
    %dot_general3A = arith.constant dense<0.000000e+00> : vector<5120x32xf32>
    %dot_general3A_44 = tpu.matmul %max3A_40, %get3A_43, %dot_general3A {dimension_numbers = #tpu.dot_dimension_numbers<[1], [0], [0], [1], [0, 0, 1, 1], [], []>, transpose_lhs_hint = false} : vector<5120x64xf32>, vector<64x32xf32>, vector<5120x32xf32> -> vector<5120x32xf32>
    %get3A_45 = arith.constant 0 : index
    %get3A_46 = arith.constant 0 : index
    %get3A_47 = vector.load %arg10[%get3A_45, %get3A_46] : memref<1x32xf32, #tpu.memory_space<vmem>>, vector<1x32xf32>
    %add3A_48 = vector.broadcast %get3A_47 : vector<1x32xf32> to vector<5120x32xf32>
    %add3A_49 = arith.addf %dot_general3A_44, %add3A_48 : vector<5120x32xf32>
    %max3A_50 = arith.constant 0.000000e+00 : f32
    %max3A_51 = vector.broadcast %max3A_50 : f32 to vector<5120x32xf32>
    %max3A_52 = arith.maximumf %add3A_49, %max3A_51 : vector<5120x32xf32>
    %get3A_53 = arith.constant 0 : index
    %get3A_54 = arith.constant 0 : index
    %get3A_55 = vector.load %arg11[%get3A_53, %get3A_54] : memref<32x1xf32, #tpu.memory_space<vmem>>, vector<32x1xf32>
    %dot_general3A_56 = arith.constant dense<0.000000e+00> : vector<5120x1xf32>
    %dot_general3A_57 = tpu.matmul %max3A_52, %get3A_55, %dot_general3A_56 {dimension_numbers = #tpu.dot_dimension_numbers<[1], [0], [0], [1], [0, 0, 1, 1], [], []>, transpose_lhs_hint = false} : vector<5120x32xf32>, vector<32x1xf32>, vector<5120x1xf32> -> vector<5120x1xf32>
    %get3A_58 = arith.constant 0 : index
    %get3A_59 = arith.constant 0 : index
    %get3A_60 = vector.load %arg12[%get3A_58, %get3A_59] : memref<1x1xf32, #tpu.memory_space<vmem>>, vector<1x1xf32>
    %add3A_61 = vector.broadcast %get3A_60 : vector<1x1xf32> to vector<5120x1xf32>
    %add3A_62 = arith.addf %dot_general3A_57, %add3A_61 : vector<5120x1xf32>
    %swap3A = arith.constant 0 : index
    %swap3A_63 = arith.constant 0 : index
    %swap3A_64 = vector.load %arg13[%swap3A, %swap3A_63] : memref<5120x1xf32, #tpu.memory_space<vmem>>, vector<5120x1xf32>
    tpu.vector_store %arg13[%swap3A, %swap3A_63], %add3A_62 {strides = array<i32>} : memref<5120x1xf32, #tpu.memory_space<vmem>>, vector<5120x1xf32>,
    return
  }
  func.func @transform_0(%arg0: i32) -> (i32, i32, i32) {
    %c0_i32 = arith.constant 0 : i32
    %c0_i32_0 = arith.constant 0 : i32
    %c0_i32_1 = arith.constant 0 : i32
    return %c0_i32, %arg0, %c0_i32_0 : i32, i32, i32
  }
  func.func @transform_1(%arg0: i32) -> (i32, i32) {
    %c0_i32 = arith.constant 0 : i32
    %c0_i32_0 = arith.constant 0 : i32
    return %arg0, %c0_i32 : i32, i32
  }
  func.func @transform_2(%arg0: i32) -> (i32, i32) {
    %c0_i32 = arith.constant 0 : i32
    %c0_i32_0 = arith.constant 0 : i32
    return %arg0, %c0_i32 : i32, i32
  }
  func.func @transform_3(%arg0: i32) -> (i32, i32) {
    %c0_i32 = arith.constant 0 : i32
    %c0_i32_0 = arith.constant 0 : i32
    %c0_i32_1 = arith.constant 0 : i32
    return %c0_i32, %c0_i32_0 : i32, i32
  }
  func.func @transform_4(%arg0: i32) -> (i32, i32) {
    %c0_i32 = arith.constant 0 : i32
    %c0_i32_0 = arith.constant 0 : i32
    %c0_i32_1 = arith.constant 0 : i32
    return %c0_i32, %c0_i32_0 : i32, i32
  }
  func.func @transform_5(%arg0: i32) -> (i32, i32) {
    %c0_i32 = arith.constant 0 : i32
    %c0_i32_0 = arith.constant 0 : i32
    %c0_i32_1 = arith.constant 0 : i32
    return %c0_i32, %c0_i32_0 : i32, i32
  }
  func.func @transform_6(%arg0: i32) -> (i32, i32) {
    %c0_i32 = arith.constant 0 : i32
    %c0_i32_0 = arith.constant 0 : i32
    %c0_i32_1 = arith.constant 0 : i32
    return %c0_i32, %c0_i32_0 : i32, i32
  }
  func.func @transform_7(%arg0: i32) -> (i32, i32) {
    %c0_i32 = arith.constant 0 : i32
    %c0_i32_0 = arith.constant 0 : i32
    %c0_i32_1 = arith.constant 0 : i32
    return %c0_i32, %c0_i32_0 : i32, i32
  }
  func.func @transform_8(%arg0: i32) -> (i32, i32) {
    %c0_i32 = arith.constant 0 : i32
    %c0_i32_0 = arith.constant 0 : i32
    %c0_i32_1 = arith.constant 0 : i32
    return %c0_i32, %c0_i32_0 : i32, i32
  }
  func.func @transform_9(%arg0: i32) -> (i32, i32) {
    %c0_i32 = arith.constant 0 : i32
    %c0_i32_0 = arith.constant 0 : i32
    %c0_i32_1 = arith.constant 0 : i32
    return %c0_i32, %c0_i32_0 : i32, i32
  }
  func.func @transform_10(%arg0: i32) -> (i32, i32) {
    %c0_i32 = arith.constant 0 : i32
    %c0_i32_0 = arith.constant 0 : i32
    %c0_i32_1 = arith.constant 0 : i32
    return %c0_i32, %c0_i32_0 : i32, i32
  }
  func.func @transform_11(%arg0: i32) -> (i32, i32) {
    %c0_i32 = arith.constant 0 : i32
    %c0_i32_0 = arith.constant 0 : i32
    %c0_i32_1 = arith.constant 0 : i32
    return %c0_i32, %c0_i32_0 : i32, i32
  }
  func.func @transform_12(%arg0: i32) -> (i32, i32) {
    %c0_i32 = arith.constant 0 : i32
    %c0_i32_0 = arith.constant 0 : i32
    return %arg0, %c0_i32 : i32, i32
  }
}

</mosaic_0001>

<sc_bundles>
// kernel: kernel.11.cloned.1.call-start
scs
__scs_entry_jumppad:
0x0: {  	(pc) =	sbr.rel $0x88, $3  }
0x1: {  	(tag) =	ssettag $0x0;
	lr =	simm.s32 $0x1  }
0x2: {  	[smem:$0x3F8F] =	sst lr;
	_ =	strace $0xD0000000  }
0x3: {  	_ = 	snop  }
0x4: {  	_ = 	snop  }
0x5: {  	_ = 	snop  }
0x6: {  	_ = 	snop  }
0x7: {  	_ = 	snop  }
__scs_overlays_trampoline_lowered:
0x8: {  	[smem:$0x3F9E] =	sst s0  }
0x9: {  	[smem:$0x3F9F] =	sst s1  }
0xa: {  	[smem:$0x3FA0] =	sst s2  }
0xb: {  	[smem:$0x3FA1] =	sst s3  }
0xc: {  	[smem:$0x3FA2] =	sst s4  }
0xd: {  	[smem:$0x3FA3] =	sst s5  }
0xe: {  	[smem:$0x3FA4] =	sst s6  }
0xf: {  	[smem:$0x3FA5] =	sst s7  }
0x10: {  	[smem:$0x3FA6] =	sst s8  }
0x11: {  	[smem:$0x3FA7] =	sst s9;
	s0 =	simm.s32 @!p0 $0x0  }
0x12: {  	s1 =	sld [smem:$0x3F8D];
	s0 =	simm.s32 @p0 $0x1  }
0x13: {  	[smem:$0x3FA8] =	sst s0;
	s0 =	simm.s32 @!p1 $0x0  }
0x14: {  	s2 =	sld [smem:$0x3F8C];
	s0 =	simm.s32 @p1 $0x1  }
0x15: {  	[smem:$0x3FA9] =	sst s0;
	s0 =	simm.s32 @!p2 $0x0  }
0x16: {  	s3 =	sld [smem:$0x3FDB];
	s0 =	simm.s32 @p2 $0x1  }
0x17: {  	s4 =	simm.s32 $0x1BF5;
	[smem:$0x3FAB] =	sst s0  }
0x18: {  	s0 =	sld [smem:$0x3F8E];
	_ =	swait.ge [sflag:s4], $0x0  }
0x19: {  	s7 =	sld [smem:$0x3F8F]  }
0x1a: {  	s8 =	sadd.s32 $0xFFFFE003, lr  }
0x1b: {  	s9 =	sadd.s32 $0xFFFFFEF7, lr;
	s5 =	simm.s32 $0xFFFFFFFF;
	p2 =	slt.u32 s8, $0xFFFFF086  }
0x1c: {  	p1 =	slt.u32 s9, $0xF7A;
	s5 =	simm.s32 @!p2 $0x0  }
0x1d: {  	s5 =	simm.s32 @p1 $0x1;
	p0 =	seq.s32 s7, s2  }
0x1e: {  	s7 =	smul.u32 @!p0 $0xF7A, s2;
	p2 =	seq.s32 @!p0 s5, $0x0  }
0x1f: {  	s9 =	smul.u32 $0xF7A, s1;
	s8 =	simm.s32 @!p0 $0x1BF5;
	p2 =	por !p2, p0  }
0x20: {  	[sflag:s8] =	ssyncset.s32 @!p0 $0xFFFFF086;
	s6 =	sadd.s32 @!p0 s3, s7;
	s7 =	simm.s32 @!p0 $0x108  }
0x21: {  	s3 =	sadd.s32 s3, s9;
	s6 =	sadd.s32 @!p0 $0x88, s6;
	s7 =	simm.s32 @p2 $0x1082  }
0x22: {  	[simem:s7], [sflag:s8] =	dma.local @!p0 [hbm:s6], $0xF7A  }
0x23: {  	s9 =	sor.u32 $0xD0000000, s2;
	s6 =	simm.s32 $0x108;
	_ =	swait.ge @!p0 [sflag:s8], $0x0  }
0x24: {  	s3 =	sadd.s32 $0x88, s3;
	s6 =	simm.s32 @!p1 $0x1082;
	[sflag:s4] =	ssyncset.s32 $0xFFFFF086  }
0x25: {  	[simem:s6], [sflag:s4] =	dma.local [hbm:s3], $0xF7A  }
0x26: {  	[smem:$0x3F8F] =	sst s1;
	(tag) =	ssettag s2;
	_ =	strace s9  }
0x27: {  	s1 =	sld [smem:$0x3F9F]  }
0x28: {  	s2 =	sld [smem:$0x3FA0]  }
0x29: {  	s4 =	sld [smem:$0x3FA2]  }
0x2a: {  	p0 =	seq.s32 s5, $0x0;
	s5 =	sld [smem:$0x3FA3]  }
0x2b: {  	s6 =	sld [smem:$0x3FA4]  }
0x2c: {  	s7 =	sld [smem:$0x3FA5]  }
0x2d: {  	s3 =	simm.s32 $0x108;
	s8 =	sld [smem:$0x3FA6]  }
0x2e: {  	s3 =	simm.s32 @!p0 $0x1082;
	s9 =	sld [smem:$0x3FA7]  }
0x2f: {  	lr =	sadd.s32 s0, s3;
	s0 =	sld [smem:$0x3F9E]  }
0x30: {  	s3 =	sld [smem:$0x3FA1]  }
0x31: {  	[smem:$0x3FAA] =	sst s10  }
0x32: {  	s10 =	sld [smem:$0x3FA8];
	_ =	sdelay $0x3  }
0x33: {  	p0 =	seq.s32 s10, $0x1;
	s10 =	sld [smem:$0x3FAA];
	_ =	sdelay $0x3  }
0x34: {  	[smem:$0x3FAA] =	sst s10  }
0x35: {  	s10 =	sld [smem:$0x3FA9];
	_ =	sdelay $0x3  }
0x36: {  	p1 =	seq.s32 s10, $0x1;
	s10 =	sld [smem:$0x3FAA];
	_ =	sdelay $0x3  }
0x37: {  	[smem:$0x3FAA] =	sst s10  }
0x38: {  	s10 =	sld [smem:$0x3FAB]  }
0x39: {  	_ = 	snop;
	(pc) =	sbr.ind lr, $3  }
0x3a: {  	_ = 	snop  }
0x3b: {  	_ = 	snop  }
0x3c: {  	p2 =	seq.s32 s10, $0x1;
	s10 =	sld [smem:$0x3FAA]  }
0x3d: {  	_ =	shalt  }
0x3e: {  	_ =	shalt  }
0x3f: {  	_ =	shalt  }
0x40: {  	_ =	shalt  }
0x41: {  	_ =	shalt  }
0x42: {  	_ =	shalt  }
0x43: {  	_ =	shalt  }
0x44: {  	_ =	shalt  }
0x45: {  	_ =	shalt  }
0x46: {  	_ =	shalt  }
0x47: {  	_ =	shalt  }
0x48: {  	_ =	shalt  }
0x49: {  	_ =	shalt  }
0x4a: {  	_ =	shalt  }
0x4b: {  	_ =	shalt  }
0x4c: {  	_ =	shalt  }
0x4d: {  	_ =	shalt  }
0x4e: {  	_ =	shalt  }
0x4f: {  	_ =	shalt  }
0x50: {  	_ =	shalt  }
0x51: {  	_ =	shalt  }
0x52: {  	_ =	shalt  }
0x53: {  	_ =	shalt  }
0x54: {  	_ =	shalt  }
0x55: {  	_ =	shalt  }
0x56: {  	_ =	shalt  }
0x57: {  	_ =	shalt  }
0x58: {  	_ =	shalt  }
0x59: {  	_ =	shalt  }
0x5a: {  	_ =	shalt  }
0x5b: {  	_ =	shalt  }
0x5c: {  	_ =	shalt  }
0x5d: {  	_ =	shalt  }
0x5e: {  	_ =	shalt  }
0x5f: {  	_ =	shalt  }
0x60: {  	_ =	shalt  }
0x61: {  	_ =	shalt  }
0x62: {  	_ =	shalt  }
0x63: {  	_ =	shalt  }
0x64: {  	_ =	shalt  }
0x65: {  	_ =	shalt  }
0x66: {  	_ =	shalt  }
0x67: {  	_ =	shalt  }
0x68: {  	_ =	shalt  }
0x69: {  	_ =	shalt  }
0x6a: {  	_ =	shalt  }
0x6b: {  	_ =	shalt  }
0x6c: {  	_ =	shalt  }
0x6d: {  	_ =	shalt  }
0x6e: {  	_ =	shalt  }
0x6f: {  	_ =	shalt  }
0x70: {  	_ =	shalt  }
0x71: {  	_ =	shalt  }
0x72: {  	_ =	shalt  }
0x73: {  	_ =	shalt  }
0x74: {  	_ =	shalt  }
0x75: {  	_ =	shalt  }
0x76: {  	_ =	shalt  }
0x77: {  	_ =	shalt  }
0x78: {  	_ =	shalt  }
0x79: {  	_ =	shalt  }
0x7a: {  	_ =	shalt  }
0x7b: {  	_ =	shalt  }
0x7c: {  	_ =	shalt  }
0x7d: {  	_ =	shalt  }
0x7e: {  	_ =	shalt  }
0x7f: {  	_ =	shalt  }
0x80: {  	_ =	shalt  }
0x81: {  	_ =	shalt  }
0x82: {  	_ =	shalt  }
0x83: {  	_ =	shalt  }
0x84: {  	_ =	shalt  }
0x85: {  	_ =	shalt  }
0x86: {  	_ =	shalt  }
0x87: {  	_ =	shalt  }
.Lfunc_end0:
.L_simem_size_0:
called_computation.1_lowered:
.L_overlay_start_0:
0x88: {  	s2 =	sld [smem:$0x3FD9]  }
0x89: {  	s3 =	sld [smem:$0x3FFE];
	_ =	sdelay $0x1  }
0x8a: {  	s1 =	srdreg.scid  }
0x8b: {  	s0 =	sand.u32 $0x1, s1  }
0x8c: {  	s16 =	sshll.u32 s0, $0xA;
	s2 =	sadd.s32 s3, s2  }
0x8d: {  	s2 =	sadd.s32 s2, s16  }
0x8e: {  	[smem:$0x3FB6] =	sst s2  }
0x8f: {  	_ = 	snop  }
0x90: {  	(tm) =	ssettm $0x1  }
0x91: {  	s17 =	sld [smem:$0x3FFB];
	_ =	sdelay $0x3  }
0x92: {  	_ =	strace s17  }
0x93: {  	s2 =	sld [smem:$0x3FFC];
	_ =	sdelay $0x3  }
0x94: {  	_ =	strace s2  }
0x95: {  	s2 =	sld [smem:$0x3FFD];
	_ =	sdelay $0x3  }
0x96: {  	_ =	strace s2  }
0x97: {  	_ =	strace $0x8FFFFFFF  }
0x98: {  	s18 =	sld [smem:$0x3FDB];
	_ =	sdelay $0x1  }
0x99: {  	s19 =	simm.s32 $_scs_section_size  }
0x9a: {  	s4 =	simm.s32 $_size__tile_overlayer_lowered;
	s5 =	simm.s32 $_tile_overlayer_lowered  }
0x9b: {  	s22 =	simm.s32 $0x1BFF;
	s21 =	sshll.u32 s5, $0x1;
	s2 =	sadd.s32 s19, s18  }
0x9c: {  	s6 =	simm.s32 $0x0;
	s20 =	sshll.u32 s4, $0x1;
	s4 =	sadd.s32 s21, s2  }
0x9d: {  	[timem:s6], [sflag:s22] =	dma.local [hbm:s4], s20  }
0x9e: {  	_ =	swait.ge [sflag:s22], s20  }
0x9f: {  	s3 =	ssub.s32 $0x0, s20;
	[sflag:s22] =	ssyncset.done $0x0  }
0xa0: {  	[sflag:s22] =	ssyncadd.s32 s3;
	_ =	sdelay $0x1  }
0xa1: {  	s23 =	simm.s32 $0x1B8B  }
0xa2: {  	_ =	swait.ge [sflag:s23], $0x1  }
0xa3: {  	[sflag:s23] =	ssyncset.done $0x0  }
0xa4: {  	s25 =	simm.s32 $0x1B8E;
	s24 =	sld [smem:$0x3FFE];
	[sflag:s23] =	ssyncadd.s32 $0xFFFFFFFF  }
0xa5: {  	s26 =	simm.s32 $execute0_lowered;
	[smem:$0x3FD2] =	sst s25  }
0xa6: {  	s4 =	sshll.u32 s26, $0x1;
	_ =	strace $0x80000049;
	[dreg:$0x1] =	wrdreg $0xFFFFFFFF  }
0xa7: {  	s28 =	simm.s32 $_size_execute0_lowered;
	s2 =	sadd.s32 s2, s4;
	[dreg:$0x0] =	wrdreg $0x0  }
0xa8: {  	s4 =	sshll.u32 s28, $0x1;
	[dreg:$0x2] =	wrdreg s2  }
0xa9: {  	[dreg:$0x3] =	wrdreg s4  }
0xaa: {  	[dreg:$0x4] =	wrdreg $0xC0  }
0xab: {  	_ =	task [dreg:s6], $0x5FFFF  }
0xac: {  	[dreg:$0x1] =	wrdreg $0xFFFFFFFF  }
0xad: {  	[dreg:$0x0] =	wrdreg $0x60  }
0xae: {  	[dreg:$0x2] =	wrdreg s24  }
0xaf: {  	[dreg:$0x3] =	wrdreg $0x14F000  }
0xb0: {  	[dreg:$0x4] =	wrdreg $0xAF000  }
0xb1: {  	[dreg:$0x5] =	wrdreg $0x9  }
0xb2: {  	_ =	task.clear_ibuf [dreg:s6], $0x6FFFF;
	_ =	strace $0x90000049  }
0xb3: {  	s29 =	simm.s32 $0x9;
	_ =	strace $0x8000004B  }
0xb4: {  	_ =	swait.ge [sflag:s29], $0x1  }
0xb5: {  	[sflag:s29] =	ssyncadd.s32 $0xFFFFFFFF  }
0xb6: {  	_ =	strace $0x9000004B  }
0xb7: {  	_ =	sfence  }
0xb8: {  	s30 =	sld [smem:$0x0];
	_ =	sdelay $0x2  }
0xb9: {  	s31 =	sshll.u32 s1, $0xD;
	s1 =	sshrl.u32 s1, $0x2  }
0xba: {  	s3 =	sand.u32 $0x4000, s31;
	s1 =	sadd.s32 s1, s30  }
0xbb: {  	s0 =	sor.u32 s3, s0;
	s1 =	sshll.u32 s1, $0x11  }
0xbc: {  	s0 =	sor.u32 s1, s0  }
0xbd: {  	s0 =	sadd.s32 $0x8F2B, s0  }
0xbe: {  	[sflag:s0] =	ssyncadd.remote.s32 $0x1  }
0xbf: {  	_ =	sfence.sel $0xFFFF  }
0xc0: {  	[dreg:$0x0] =	wrdreg $0xFFFFFFFF;
	(pc) =	sbr.abs _section_cstart, $3  }
0xc1: {  	[dreg:$0x1] =	wrdreg $0xFFFFFFFF  }
0xc2: {  	_ =	task.clear_ibuf [dreg:s6], $0x2FFFF;
	_ =	strace $0x9FFFFFFF  }
0xc3: {  	(tm) =	ssettm $0x7FFFFFFF  }
tec
execute0_lowered:
.L_overlay_start_1:
0x0: {  	(tag) =	ssettag $0x1  }
0x1: {  	s0 =	rddreg [dreg:$0x0]  }
0x2: {  	s2 =	rddreg [dreg:$0x1]  }
0x3: {  	s3 =	rddreg [dreg:$0x2];
	s10 =	stileid.u32  }
0x4: {  	s1 =	srdreg.scid;
	s4 =	simm.s32 $0x0;
	s30 =	simm.s32 $0x6  }
0x5: {  	s31 =	simm.s32 $0x7;
	s1 =	sand.u32 $0x1, s1;
	s5 =	sshll.u32 s10, $0x1  }
0x6: {  	s6 =	smul.u32 $0xA000, s10;
	[smem:$0x7FF] =	sst s4;
	s23 =	sshll.u32 s10, $0x6  }
0x7: {  	s5 =	sor.u32 s1, s5;
	s8 =	ssub.s32 $0x2, s1;
	s1 =	smul.u32 $0xA0000, s1  }
0x8: {  	_ =	strace $0x8000004A;
	s5 =	smul.u32 $0x2780, s5;
	s7 =	sshrl.u32 s6, $0x3  }
0x9: {  	s9 =	sshrl.u32 s8, $0x1;
	s15 =	sadd.s32 s6, s2;
	s24 =	sadd.s32 $0x2000, s6  }
0xa: {  	s25 =	sadd.s32 $0x4000, s6;
	s16 =	sadd.s32 $0x6000, s6;
	s7 =	sadd.s32 s7, s0  }
0xb: {  	s14 =	ssub.s32 s8, s9;
	s8 =	sor.u32 $0x1C01, s23;
	s9 =	sadd.s32 s6, s3  }
0xc: {  	s10 =	sadd.s32 s24, s3;
	s11 =	sadd.s32 s25, s3;
	s12 =	sadd.s32 s16, s3  }
0xd: {  	s13 =	sadd.s32 s6, s1;
	s6 =	sadd.s32 $0x8000, s6;
	s26 =	sadd.s32 s1, s25  }
0xe: {  	s28 =	sadd.s32 s1, s16;
	s21 =	sshrl.u32 s15, $0x3;
	s23 =	simm.s32 $0x8  }
0xf: {  	s25 =	simm.s32 $0x80;
	s5 =	sshrl.u32 s5, $0x3;
	s7 =	sadd.s32 $0x17000, s7  }
0x10: {  	s17 =	sshrl.u32 s13, $0x3;
	s13 =	sadd.s32 s6, s3;
	s5 =	sadd.s32 s5, s0  }
0x11: {  	s0 =	sadd.s32 $0x2B000, s0;
	[dreg:$0x6] =	wrdreg s7;
	s22 =	sadd.s32 $0x3400, s5  }
0x12: {  	s7 =	sshrl.u32 s28, $0x3;
	s5 =	sadd.s32 $0xD200, s5;
	[dreg:$0x4] =	wrdreg s22  }
0x13: {  	s17 =	sadd.s32 s0, s17;
	[dreg:$0x5] =	wrdreg s5;
	s5 =	sadd.s32 s1, s24  }
0x14: {  	s29 =	sadd.s32 s0, s7;
	[dreg:$0x7] =	wrdreg s17;
	s5 =	sshrl.u32 s5, $0x3  }
0x15: {  	s19 =	smax.u32 s14, $0x1;
	[dreg:$0xa] =	wrdreg s29;
	s5 =	sadd.s32 s0, s5  }
0x16: {  	s1 =	sadd.s32 s1, s6;
	[dreg:$0x8] =	wrdreg s5;
	s5 =	sshrl.u32 s26, $0x3  }
0x17: {  	s22 =	simm.s32 $0x4F00;
	s1 =	sshrl.u32 s1, $0x3;
	s5 =	sadd.s32 s0, s5  }
0x18: {  	s24 =	simm.s32 $0x1;
	s0 =	sadd.s32 s0, s1;
	[dreg:$0x9] =	wrdreg s5  }
0x19: {  	v0 =	vimm.f32 $0.0e+00;
	s1 =	simm.s32 $0x0;
	[dreg:$0xb] =	wrdreg s0;
	s0 =	simm.s32 $0x5  }
.LBB2_1:
0x1a: {  	s5 =	rddreg [dreg:$0x4]  }
0x1b: {  	[tilespmem:s4], [sflag:$0x1] =	stream.linear.gather [hbm4b:s5+s4], $0x2780, $0x38;
	[tilespmem:$0x1EF00] =	vst v63  }
0x1c: {  	s26 =	rddreg [dreg:$0x5];
	s6 =	simm.s32 $0x2780;
	s29 =	sand.u32 $0x7FC0, s4  }
0x1d: {  	[tilespmem:s6], [sflag:$0x1] =	stream.linear.gather [hbm4b:s26+s4], $0x2780, $0x38;
	[tilespmem:$0x1EF00] =	vst v63  }
0x1e: {  	s28 =	rddreg [dreg:$0x6];
	s5 =	simm.s32 $0x40;
	s6 =	sshrl.u32 s29, $0x2  }
0x1f: {  	[spmem:s21], [sflag:s8] =	dma.local [hbm:s28], $0x1400  }
.LBB2_2:
0x20: {  	p0 =	sne.s32 s5, $0x7FC0;
	[tilespmem:s6+$0x4F00] =	vst v0;
	s6 =	smov.u32 s5;
	s5 =	sadd.s32 $0x40, s5  }
.Ltmp0:
0x21: {  	(pc) =	sbr.rel @p0 .LBB2_2-.Ltmp0, $3  }
0x22: {  	_ =	sdelay $0x1  }
0x23: {  	s6 =	sand.u32 $0x7FC0, s6  }
0x24: {  	s6 =	sshrl.u32 s6, $0x2  }
0x25: {  	[tilespmem:s6+$0x4F00] =	vst v0  }
0x26: {  	[spmem:s9] =	stream.linear.scatter [tilespmem:s22], [sflag:$0x8], $0x2000, $0x38;
	[tilespmem:$0x1EF00] =	vst v63  }
0x27: {  	_ =	swait.ge [sflag:s23], $0x2000  }
0x28: {  	[sflag:s23] =	ssyncset.done $0x0  }
0x29: {  	[sflag:s23] =	ssyncadd.s32 $0xFFFFE000  }
0x2a: {  	[spmem:s10] =	stream.linear.scatter [tilespmem:s22], [sflag:$0x8], $0x2000, $0x38;
	[tilespmem:$0x1EF00] =	vst v63  }
0x2b: {  	_ =	swait.ge [sflag:s23], $0x2000  }
0x2c: {  	[sflag:s23] =	ssyncset.done $0x0  }
0x2d: {  	[sflag:s23] =	ssyncadd.s32 $0xFFFFE000  }
0x2e: {  	[spmem:s11] =	stream.linear.scatter [tilespmem:s22], [sflag:$0x8], $0x2000, $0x38;
	[tilespmem:$0x1EF00] =	vst v63  }
0x2f: {  	_ =	swait.ge [sflag:s23], $0x2000  }
0x30: {  	[sflag:s23] =	ssyncset.done $0x0  }
0x31: {  	[sflag:s23] =	ssyncadd.s32 $0xFFFFE000  }
0x32: {  	[spmem:s12] =	stream.linear.scatter [tilespmem:s22], [sflag:$0x8], $0x2000, $0x38;
	[tilespmem:$0x1EF00] =	vst v63  }
0x33: {  	_ =	swait.ge [sflag:s23], $0x2000  }
0x34: {  	[sflag:s23] =	ssyncset.done $0x0  }
0x35: {  	[sflag:s23] =	ssyncadd.s32 $0xFFFFE000  }
0x36: {  	[spmem:s13] =	stream.linear.scatter [tilespmem:s22], [sflag:$0x8], $0x2000, $0x38;
	[tilespmem:$0x1EF00] =	vst v63  }
0x37: {  	_ =	swait.ge [sflag:s23], $0x2000  }
0x38: {  	[sflag:s23] =	ssyncset.done $0x0  }
0x39: {  	[sflag:s23] =	ssyncadd.s32 $0xFFFFE000  }
0x3a: {  	_ =	swait.ge [sflag:s24], $0x2780  }
0x3b: {  	[sflag:s24] =	ssyncset.done $0x0  }
0x3c: {  	[sflag:s24] =	ssyncadd.s32 $0xFFFFD880  }
0x3d: {  	_ =	swait.ge [sflag:s24], $0x2780  }
0x3e: {  	[sflag:s24] =	ssyncset.done $0x0  }
0x3f: {  	[sflag:s24] =	ssyncadd.s32 $0xFFFFD880  }
0x40: {  	_ =	swait.ge [sflag:s24], $0x1400  }
0x41: {  	[sflag:s24] =	ssyncset.done $0x0  }
0x42: {  	[sflag:s24] =	ssyncadd.s32 $0xFFFFEC00  }
0x43: {  	s5 =	simm.s32 $0x0;
	[bflag:$0x0] =	sbarrier.arrive $0xFFFF  }
0x44: {  	[tilespmem:s22], [sflag:$0x2] =	stream.indirect.gather [spmem:s2], $0x40, s5, s25, $0xb8;
	[tilespmem:$0x1EF00] =	vst v63  }
0x45: {  	s15 =	simm.s32 $0x6F00;
	s5 =	smul.u32 $0xAB, s5  }
0x46: {  	[tilespmem:s15], [sflag:$0x3] =	stream.indirect.gather [spmem:s2], $0x40, s25, s25, $0xb8;
	[tilespmem:$0x1EF00] =	vst v63  }
0x47: {  	s5 =	sshrl.u32 s5, $0x9  }
0x48: {  	s16 =	simm.s32 $0x100;
	s5 =	sand.u32 $0x7F, s5  }
0x49: {  	s7 =	simm.s32 $0x8F00;
	s26 =	simm.s32 $0x1;
	s5 =	smul.u32 $0x3, s5  }
0x4a: {  	[tilespmem:s7], [sflag:$0x4] =	stream.indirect.gather [spmem:s2], $0x40, s16, s25, $0xb8;
	[tilespmem:$0x1EF00] =	vst v63  }
0x4b: {  	s17 =	smul.u32 $0xAB, s26;
	s5 =	ssub.s32 $0x0, s5  }
0x4c: {  	s20 =	simm.s32 $0x180;
	p0 =	por $0x0, $0x0;
	s5 =	sand.u32 $0xFF, s5  }
0x4d: {  	s29 =	simm.s32 $0x2800;
	s6 =	sshrl.u32 s17, $0x9;
	s28 =	sadd.s32 $0x2, s5  }
0x4e: {  	s6 =	sand.u32 $0x7F, s6;
	s15 =	simm.s32 $0x2780;
	_ =	swait.ge [sflag:s28], $0x2000  }
0x4f: {  	s18 =	sshll.u32 s5, $0xD;
	s14 =	sadd.s32 $0x5, s5;
	[sflag:s28] =	ssyncset.done $0x0  }
0x50: {  	s5 =	simm.s32 $0x2;
	s7 =	sadd.s32 $0x4F00, s18;
	[sflag:s28] =	ssyncadd.s32 $0xFFFFE000  }
0x51: {  	[spmem:s3] =	stream.indirect.scatter.add.f32 [tilespmem:s7], [sflag:s14], $0x40, s15, s25, $0xb8;
	[tilespmem:$0x1EF00] =	vst v63  }
0x52: {  	s15 =	smul.u32 $0x3, s6;
	s6 =	simm.s32 $0x180;
	_ =	swait.ge @!p0 [sflag:s14], $0x2000  }
.LBB2_4:
0x53: {  	[sflag:s14] =	ssyncset.done @!p0 $0x0;
	s20 =	sadd.s32 $0x80, s20  }
0x54: {  	s16 =	smov.u32 s26;
	s26 =	smov.u32 s5;
	s5 =	sadd.s32 $0x1, s5  }
0x55: {  	p1 =	sne.s32 s5, $0x4F;
	s15 =	ssub.s32 s16, s15;
	[sflag:s14] =	ssyncadd.s32 @!p0 $0xFFFFE000  }
0x56: {  	s14 =	sand.u32 $0xFF, s15;
	s15 =	simm.s32 @!p0 $0x80  }
0x57: {  	s17 =	sshll.u32 s14, $0xD;
	s18 =	sadd.s32 $0x2, s14  }
0x58: {  	[tilespmem:s7], [sflag:s28] =	stream.indirect.gather @!p0 [spmem:s2], $0x40, s6, s15, $0xb8;
	[tilespmem:$0x1EF00] =	vst v63  }
0x59: {  	s7 =	smul.u32 $0xAB, s26;
	s6 =	smov.u32 s20;
	s28 =	smov.u32 s18  }
.Ltmp1:
0x5a: {  	p0 =	sgt.u32 s16, $0x4B;
	_ =	swait.ge [sflag:s28], $0x2000;
	(pc) =	sbr.rel @p1 .LBB2_4-.Ltmp1, $4  }
0x5b: {  	s14 =	sadd.s32 $0x5, s14;
	s7 =	sshrl.u32 s7, $0x9;
	[sflag:s28] =	ssyncset.done $0x0  }
0x5c: {  	s15 =	sand.u32 $0x7F, s7;
	s7 =	sadd.s32 $0x4F00, s17;
	[sflag:s28] =	ssyncadd.s32 $0xFFFFE000  }
0x5d: {  	[spmem:s3] =	stream.indirect.scatter.add.f32 [tilespmem:s7], [sflag:s14], $0x40, s29, s25, $0xb8;
	[tilespmem:$0x1EF00] =	vst v63  }
0x5e: {  	s15 =	smul.u32 $0x3, s15;
	s29 =	sadd.s32 $0x80, s29;
	_ =	swait.ge @!p0 [sflag:s14], $0x2000  }
0x5f: {  	[sflag:s14] =	ssyncset.done @!p0 $0x0  }
0x60: {  	s5 =	simm.s32 @!p0 $0x80;
	[sflag:s14] =	ssyncadd.s32 @!p0 $0xFFFFE000;
	s15 =	ssub.s32 s26, s15  }
0x61: {  	[tilespmem:s7], [sflag:s28] =	stream.indirect.gather @!p0 [spmem:s2], $0x40, s6, s5, $0xb8;
	[tilespmem:$0x1EF00] =	vst v63  }
0x62: {  	s5 =	sand.u32 $0xFF, s15  }
0x63: {  	s6 =	sadd.s32 $0x2, s5  }
0x64: {  	_ =	swait.ge [sflag:s6], $0x2000  }
0x65: {  	p0 =	sgt.u32 s26, $0x4B;
	s16 =	sshll.u32 s5, $0xD;
	[sflag:s6] =	ssyncset.done $0x0  }
0x66: {  	s5 =	sadd.s32 $0x5, s5;
	s7 =	sadd.s32 $0x4F00, s16;
	[sflag:s6] =	ssyncadd.s32 $0xFFFFE000  }
0x67: {  	[spmem:s3] =	stream.indirect.scatter.add.f32 [tilespmem:s7], [sflag:s5], $0x40, s29, s25, $0xb8;
	[tilespmem:$0x1EF00] =	vst v63  }
0x68: {  	_ =	swait.ge @!p0 [sflag:s5], $0x2000  }
0x69: {  	[sflag:s5] =	ssyncset.done @!p0 $0x0  }
0x6a: {  	s14 =	sadd.s32 $0x80, s20;
	[sflag:s5] =	ssyncadd.s32 @!p0 $0xFFFFE000;
	s5 =	simm.s32 @!p0 $0x80  }
0x6b: {  	[tilespmem:s7], [sflag:s6] =	stream.indirect.gather @!p0 [spmem:s2], $0x40, s14, s5, $0xb8;
	[tilespmem:$0x1EF00] =	vst v63  }
0x6c: {  	_ =	swait.ge [sflag:s30], $0x2000  }
0x6d: {  	[sflag:s30] =	ssyncset.done $0x0  }
0x6e: {  	[sflag:s30] =	ssyncadd.s32 $0xFFFFE000  }
0x6f: {  	_ =	swait.ge [sflag:s31], $0x2000  }
0x70: {  	[sflag:s31] =	ssyncset.done $0x0  }
0x71: {  	[sflag:s31] =	ssyncadd.s32 $0xFFFFE000  }
0x72: {  	_ =	swait.ge [sflag:s0], $0x2000  }
0x73: {  	[sflag:s0] =	ssyncset.done $0x0  }
0x74: {  	[sflag:s0] =	ssyncadd.s32 $0xFFFFE000  }
0x75: {  	[bflag:$0x0] =	sbarrier.arrive $0xFFFF  }
0x76: {  	s17 =	sshrl.u32 s9, $0x3;
	s18 =	rddreg [dreg:$0x7]  }
0x77: {  	[hbm:s18], [sflag:s8] =	dma.local [spmem:s17], $0x400  }
0x78: {  	s20 =	sshrl.u32 s10, $0x3;
	s6 =	rddreg [dreg:$0x8]  }
0x79: {  	[hbm:s6], [sflag:s8] =	dma.local [spmem:s20], $0x400  }
0x7a: {  	s26 =	sshrl.u32 s11, $0x3;
	s6 =	rddreg [dreg:$0x9]  }
0x7b: {  	[hbm:s6], [sflag:s8] =	dma.local [spmem:s26], $0x400  }
0x7c: {  	s28 =	sshrl.u32 s12, $0x3;
	s6 =	rddreg [dreg:$0xa]  }
0x7d: {  	[hbm:s6], [sflag:s8] =	dma.local [spmem:s28], $0x400  }
0x7e: {  	s29 =	sshrl.u32 s13, $0x3;
	s6 =	rddreg [dreg:$0xb]  }
0x7f: {  	[hbm:s6], [sflag:s8] =	dma.local [spmem:s29], $0x400  }
0x80: {  	_ =	swait.ge [sflag:s24], $0x400  }
0x81: {  	[sflag:s24] =	ssyncset.done $0x0  }
0x82: {  	[sflag:s24] =	ssyncadd.s32 $0xFFFFFC00  }
0x83: {  	_ =	swait.ge [sflag:s24], $0x400  }
0x84: {  	[sflag:s24] =	ssyncset.done $0x0  }
0x85: {  	[sflag:s24] =	ssyncadd.s32 $0xFFFFFC00  }
0x86: {  	_ =	swait.ge [sflag:s24], $0x400  }
0x87: {  	[sflag:s24] =	ssyncset.done $0x0  }
0x88: {  	s1 =	sadd.s32 $0x1, s1;
	[sflag:s24] =	ssyncadd.s32 $0xFFFFFC00  }
0x89: {  	p0 =	sne.s32 s1, s19;
	_ =	swait.ge [sflag:s24], $0x400  }
.Ltmp2:
0x8a: {  	[sflag:s24] =	ssyncset.done $0x0;
	(pc) =	sbr.rel @p0 .LBB2_1-.Ltmp2, $4  }
0x8b: {  	[sflag:s24] =	ssyncadd.s32 $0xFFFFFC00  }
0x8c: {  	_ =	swait.ge [sflag:s24], $0x400  }
0x8d: {  	[sflag:s24] =	ssyncset.done $0x0  }
0x8e: {  	[sflag:s24] =	ssyncadd.s32 $0xFFFFFC00  }
0x8f: {  	_ =	sfence.sel $0x180000  }
0x90: {  	[bflag:$0x0] =	sbarrier.arrive $0xFFFF  }
0x91: {  	_ =	strace $0x9000004A  }
0x92: {  	s0 =	stileid.u32;
	[bflag:$0x2] =	sbarrier.arrive $0xFFFF  }
0x93: {  	p0 =	sne.s32 s0, $0x0;
	s0 =	rddreg [dreg:$0x3]  }
0x94: {  	s0 =	sadd.s32 @!p0 $0x100000, s0  }
0x95: {  	[sflag:s0] =	ssyncadd.tile.s32 @!p0 $0x1;
	_ =	shalt  }
.Lfunc_end2:
_tile_overlayer_lowered:
.L_overlay_start_2:
0x96: {  	(tag) =	ssettag $0x2  }
0x97: {  	s0 =	rddreg [dreg:$0x0];
	s2 =	stileid.u32  }
0x98: {  	s1 =	rddreg [dreg:$0x1];
	p0 =	sne.s32 s2, $0x0  }
0x99: {  	s3 =	rddreg [dreg:$0x2];
	[bflag:$0x3] =	sbarrier.arrive $0xFFFF;
	s2 =	simm.s32 @!p0 $0x1C08  }
0x9a: {  	[timem:s3], [sflag:s2] =	dma.local @!p0 [hbm:s0], s1  }
0x9b: {  	s0 =	simm.s32 @!p0 $0x8  }
0x9c: {  	_ =	swait.ge @!p0 [sflag:s0], s1  }
0x9d: {  	s1 =	ssub.s32 @!p0 $0x0, s1;
	[sflag:s0] =	ssyncset.done @!p0 $0x0  }
0x9e: {  	[sflag:s0] =	ssyncadd.s32 @!p0 s1  }
0x9f: {  	[bflag:$0x3] =	sbarrier.arrive $0xFFFF  }
0xa0: {  	_ =	shalt  }

// kernel: kernel.14.cloned.1.call-start
scs
__scs_entry_jumppad:
0x0: {  	(pc) =	sbr.rel $0x88, $3  }
0x1: {  	(tag) =	ssettag $0x0;
	lr =	simm.s32 $0x1  }
0x2: {  	[smem:$0x3F8F] =	sst lr;
	_ =	strace $0xD0000000  }
0x3: {  	_ = 	snop  }
0x4: {  	_ = 	snop  }
0x5: {  	_ = 	snop  }
0x6: {  	_ = 	snop  }
0x7: {  	_ = 	snop  }
__scs_overlays_trampoline_lowered:
0x8: {  	[smem:$0x3F9E] =	sst s0  }
0x9: {  	[smem:$0x3F9F] =	sst s1  }
0xa: {  	[smem:$0x3FA0] =	sst s2  }
0xb: {  	[smem:$0x3FA1] =	sst s3  }
0xc: {  	[smem:$0x3FA2] =	sst s4  }
0xd: {  	[smem:$0x3FA3] =	sst s5  }
0xe: {  	[smem:$0x3FA4] =	sst s6  }
0xf: {  	[smem:$0x3FA5] =	sst s7  }
0x10: {  	[smem:$0x3FA6] =	sst s8  }
0x11: {  	[smem:$0x3FA7] =	sst s9;
	s0 =	simm.s32 @!p0 $0x0  }
0x12: {  	s1 =	sld [smem:$0x3F8D];
	s0 =	simm.s32 @p0 $0x1  }
0x13: {  	[smem:$0x3FA8] =	sst s0;
	s0 =	simm.s32 @!p1 $0x0  }
0x14: {  	s2 =	sld [smem:$0x3F8C];
	s0 =	simm.s32 @p1 $0x1  }
0x15: {  	[smem:$0x3FA9] =	sst s0;
	s0 =	simm.s32 @!p2 $0x0  }
0x16: {  	s3 =	sld [smem:$0x3FDB];
	s0 =	simm.s32 @p2 $0x1  }
0x17: {  	s4 =	simm.s32 $0x1BF5;
	[smem:$0x3FAB] =	sst s0  }
0x18: {  	s0 =	sld [smem:$0x3F8E];
	_ =	swait.ge [sflag:s4], $0x0  }
0x19: {  	s7 =	sld [smem:$0x3F8F]  }
0x1a: {  	s8 =	sadd.s32 $0xFFFFE003, lr  }
0x1b: {  	s9 =	sadd.s32 $0xFFFFFEF7, lr;
	s5 =	simm.s32 $0xFFFFFFFF;
	p2 =	slt.u32 s8, $0xFFFFF086  }
0x1c: {  	p1 =	slt.u32 s9, $0xF7A;
	s5 =	simm.s32 @!p2 $0x0  }
0x1d: {  	s5 =	simm.s32 @p1 $0x1;
	p0 =	seq.s32 s7, s2  }
0x1e: {  	s7 =	smul.u32 @!p0 $0xF7A, s2;
	p2 =	seq.s32 @!p0 s5, $0x0  }
0x1f: {  	s9 =	smul.u32 $0xF7A, s1;
	s8 =	simm.s32 @!p0 $0x1BF5;
	p2 =	por !p2, p0  }
0x20: {  	[sflag:s8] =	ssyncset.s32 @!p0 $0xFFFFF086;
	s6 =	sadd.s32 @!p0 s3, s7;
	s7 =	simm.s32 @!p0 $0x108  }
0x21: {  	s3 =	sadd.s32 s3, s9;
	s6 =	sadd.s32 @!p0 $0x88, s6;
	s7 =	simm.s32 @p2 $0x1082  }
0x22: {  	[simem:s7], [sflag:s8] =	dma.local @!p0 [hbm:s6], $0xF7A  }
0x23: {  	s9 =	sor.u32 $0xD0000000, s2;
	s6 =	simm.s32 $0x108;
	_ =	swait.ge @!p0 [sflag:s8], $0x0  }
0x24: {  	s3 =	sadd.s32 $0x88, s3;
	s6 =	simm.s32 @!p1 $0x1082;
	[sflag:s4] =	ssyncset.s32 $0xFFFFF086  }
0x25: {  	[simem:s6], [sflag:s4] =	dma.local [hbm:s3], $0xF7A  }
0x26: {  	[smem:$0x3F8F] =	sst s1;
	(tag) =	ssettag s2;
	_ =	strace s9  }
0x27: {  	s1 =	sld [smem:$0x3F9F]  }
0x28: {  	s2 =	sld [smem:$0x3FA0]  }
0x29: {  	s4 =	sld [smem:$0x3FA2]  }
0x2a: {  	p0 =	seq.s32 s5, $0x0;
	s5 =	sld [smem:$0x3FA3]  }
0x2b: {  	s6 =	sld [smem:$0x3FA4]  }
0x2c: {  	s7 =	sld [smem:$0x3FA5]  }
0x2d: {  	s3 =	simm.s32 $0x108;
	s8 =	sld [smem:$0x3FA6]  }
0x2e: {  	s3 =	simm.s32 @!p0 $0x1082;
	s9 =	sld [smem:$0x3FA7]  }
0x2f: {  	lr =	sadd.s32 s0, s3;
	s0 =	sld [smem:$0x3F9E]  }
0x30: {  	s3 =	sld [smem:$0x3FA1]  }
0x31: {  	[smem:$0x3FAA] =	sst s10  }
0x32: {  	s10 =	sld [smem:$0x3FA8];
	_ =	sdelay $0x3  }
0x33: {  	p0 =	seq.s32 s10, $0x1;
	s10 =	sld [smem:$0x3FAA];
	_ =	sdelay $0x3  }
0x34: {  	[smem:$0x3FAA] =	sst s10  }
0x35: {  	s10 =	sld [smem:$0x3FA9];
	_ =	sdelay $0x3  }
0x36: {  	p1 =	seq.s32 s10, $0x1;
	s10 =	sld [smem:$0x3FAA];
	_ =	sdelay $0x3  }
0x37: {  	[smem:$0x3FAA] =	sst s10  }
0x38: {  	s10 =	sld [smem:$0x3FAB]  }
0x39: {  	_ = 	snop;
	(pc) =	sbr.ind lr, $3  }
0x3a: {  	_ = 	snop  }
0x3b: {  	_ = 	snop  }
0x3c: {  	p2 =	seq.s32 s10, $0x1;
	s10 =	sld [smem:$0x3FAA]  }
0x3d: {  	_ =	shalt  }
0x3e: {  	_ =	shalt  }
0x3f: {  	_ =	shalt  }
0x40: {  	_ =	shalt  }
0x41: {  	_ =	shalt  }
0x42: {  	_ =	shalt  }
0x43: {  	_ =	shalt  }
0x44: {  	_ =	shalt  }
0x45: {  	_ =	shalt  }
0x46: {  	_ =	shalt  }
0x47: {  	_ =	shalt  }
0x48: {  	_ =	shalt  }
0x49: {  	_ =	shalt  }
0x4a: {  	_ =	shalt  }
0x4b: {  	_ =	shalt  }
0x4c: {  	_ =	shalt  }
0x4d: {  	_ =	shalt  }
0x4e: {  	_ =	shalt  }
0x4f: {  	_ =	shalt  }
0x50: {  	_ =	shalt  }
0x51: {  	_ =	shalt  }
0x52: {  	_ =	shalt  }
0x53: {  	_ =	shalt  }
0x54: {  	_ =	shalt  }
0x55: {  	_ =	shalt  }
0x56: {  	_ =	shalt  }
0x57: {  	_ =	shalt  }
0x58: {  	_ =	shalt  }
0x59: {  	_ =	shalt  }
0x5a: {  	_ =	shalt  }
0x5b: {  	_ =	shalt  }
0x5c: {  	_ =	shalt  }
0x5d: {  	_ =	shalt  }
0x5e: {  	_ =	shalt  }
0x5f: {  	_ =	shalt  }
0x60: {  	_ =	shalt  }
0x61: {  	_ =	shalt  }
0x62: {  	_ =	shalt  }
0x63: {  	_ =	shalt  }
0x64: {  	_ =	shalt  }
0x65: {  	_ =	shalt  }
0x66: {  	_ =	shalt  }
0x67: {  	_ =	shalt  }
0x68: {  	_ =	shalt  }
0x69: {  	_ =	shalt  }
0x6a: {  	_ =	shalt  }
0x6b: {  	_ =	shalt  }
0x6c: {  	_ =	shalt  }
0x6d: {  	_ =	shalt  }
0x6e: {  	_ =	shalt  }
0x6f: {  	_ =	shalt  }
0x70: {  	_ =	shalt  }
0x71: {  	_ =	shalt  }
0x72: {  	_ =	shalt  }
0x73: {  	_ =	shalt  }
0x74: {  	_ =	shalt  }
0x75: {  	_ =	shalt  }
0x76: {  	_ =	shalt  }
0x77: {  	_ =	shalt  }
0x78: {  	_ =	shalt  }
0x79: {  	_ =	shalt  }
0x7a: {  	_ =	shalt  }
0x7b: {  	_ =	shalt  }
0x7c: {  	_ =	shalt  }
0x7d: {  	_ =	shalt  }
0x7e: {  	_ =	shalt  }
0x7f: {  	_ =	shalt  }
0x80: {  	_ =	shalt  }
0x81: {  	_ =	shalt  }
0x82: {  	_ =	shalt  }
0x83: {  	_ =	shalt  }
0x84: {  	_ =	shalt  }
0x85: {  	_ =	shalt  }
0x86: {  	_ =	shalt  }
0x87: {  	_ =	shalt  }
.Lfunc_end0:
.L_simem_size_0:
called_computation.2_lowered:
.L_overlay_start_0:
0x88: {  	s2 =	sld [smem:$0x3FD9]  }
0x89: {  	s3 =	sld [smem:$0x3FFE];
	_ =	sdelay $0x1  }
0x8a: {  	s1 =	srdreg.scid  }
0x8b: {  	s0 =	sand.u32 $0x1, s1  }
0x8c: {  	s16 =	sshll.u32 s0, $0xA;
	s2 =	sadd.s32 s3, s2  }
0x8d: {  	s2 =	sadd.s32 s2, s16  }
0x8e: {  	[smem:$0x3FB6] =	sst s2  }
0x8f: {  	_ = 	snop  }
0x90: {  	(tm) =	ssettm $0x1  }
0x91: {  	s17 =	sld [smem:$0x3FFB];
	_ =	sdelay $0x3  }
0x92: {  	_ =	strace s17  }
0x93: {  	s2 =	sld [smem:$0x3FFC];
	_ =	sdelay $0x3  }
0x94: {  	_ =	strace s2  }
0x95: {  	s2 =	sld [smem:$0x3FFD];
	_ =	sdelay $0x3  }
0x96: {  	_ =	strace s2  }
0x97: {  	_ =	strace $0x8FFFFFFF  }
0x98: {  	s18 =	sld [smem:$0x3FDB];
	_ =	sdelay $0x1  }
0x99: {  	s19 =	simm.s32 $_scs_section_size  }
0x9a: {  	s4 =	simm.s32 $_size__tile_overlayer_lowered;
	s5 =	simm.s32 $_tile_overlayer_lowered  }
0x9b: {  	s22 =	simm.s32 $0x1BFF;
	s21 =	sshll.u32 s5, $0x1;
	s2 =	sadd.s32 s19, s18  }
0x9c: {  	s6 =	simm.s32 $0x0;
	s20 =	sshll.u32 s4, $0x1;
	s4 =	sadd.s32 s21, s2  }
0x9d: {  	[timem:s6], [sflag:s22] =	dma.local [hbm:s4], s20  }
0x9e: {  	_ =	swait.ge [sflag:s22], s20  }
0x9f: {  	s3 =	ssub.s32 $0x0, s20;
	[sflag:s22] =	ssyncset.done $0x0  }
0xa0: {  	[sflag:s22] =	ssyncadd.s32 s3;
	_ =	sdelay $0x1  }
0xa1: {  	s23 =	simm.s32 $0x1B8B  }
0xa2: {  	_ =	swait.ge [sflag:s23], $0x1  }
0xa3: {  	[sflag:s23] =	ssyncset.done $0x0  }
0xa4: {  	s25 =	simm.s32 $0x1B8E;
	s24 =	sld [smem:$0x3FFE];
	[sflag:s23] =	ssyncadd.s32 $0xFFFFFFFF  }
0xa5: {  	s26 =	simm.s32 $execute0_lowered;
	[smem:$0x3FD2] =	sst s25  }
0xa6: {  	s4 =	sshll.u32 s26, $0x1;
	_ =	strace $0x8000004C;
	[dreg:$0x1] =	wrdreg $0xFFFFFFFF  }
0xa7: {  	s28 =	simm.s32 $_size_execute0_lowered;
	s2 =	sadd.s32 s2, s4;
	[dreg:$0x0] =	wrdreg $0x0  }
0xa8: {  	s4 =	sshll.u32 s28, $0x1;
	[dreg:$0x2] =	wrdreg s2  }
0xa9: {  	[dreg:$0x3] =	wrdreg s4  }
0xaa: {  	[dreg:$0x4] =	wrdreg $0xC0  }
0xab: {  	_ =	task [dreg:s6], $0x5FFFF  }
0xac: {  	[dreg:$0x1] =	wrdreg $0xFFFFFFFF  }
0xad: {  	[dreg:$0x0] =	wrdreg $0x60  }
0xae: {  	[dreg:$0x2] =	wrdreg s24  }
0xaf: {  	[dreg:$0x3] =	wrdreg $0x14F000  }
0xb0: {  	[dreg:$0x4] =	wrdreg $0xAF000  }
0xb1: {  	[dreg:$0x5] =	wrdreg $0x9  }
0xb2: {  	_ =	task.clear_ibuf [dreg:s6], $0x6FFFF;
	_ =	strace $0x9000004C  }
0xb3: {  	s29 =	simm.s32 $0x9;
	_ =	strace $0x8000004E  }
0xb4: {  	_ =	swait.ge [sflag:s29], $0x1  }
0xb5: {  	[sflag:s29] =	ssyncadd.s32 $0xFFFFFFFF  }
0xb6: {  	_ =	strace $0x9000004E  }
0xb7: {  	_ =	sfence  }
0xb8: {  	s30 =	sld [smem:$0x0];
	_ =	sdelay $0x2  }
0xb9: {  	s31 =	sshll.u32 s1, $0xD;
	s1 =	sshrl.u32 s1, $0x2  }
0xba: {  	s3 =	sand.u32 $0x4000, s31;
	s1 =	sadd.s32 s1, s30  }
0xbb: {  	s0 =	sor.u32 s3, s0;
	s1 =	sshll.u32 s1, $0x11  }
0xbc: {  	s0 =	sor.u32 s1, s0  }
0xbd: {  	s0 =	sadd.s32 $0x8F2B, s0  }
0xbe: {  	[sflag:s0] =	ssyncadd.remote.s32 $0x1  }
0xbf: {  	_ =	sfence.sel $0xFFFF  }
0xc0: {  	[dreg:$0x0] =	wrdreg $0xFFFFFFFF;
	(pc) =	sbr.abs _section_cstart, $3  }
0xc1: {  	[dreg:$0x1] =	wrdreg $0xFFFFFFFF  }
0xc2: {  	_ =	task.clear_ibuf [dreg:s6], $0x2FFFF;
	_ =	strace $0x9FFFFFFF  }
0xc3: {  	(tm) =	ssettm $0x7FFFFFFF  }
tec
execute0_lowered:
.L_overlay_start_1:
0x0: {  	(tag) =	ssettag $0x1  }
0x1: {  	s0 =	rddreg [dreg:$0x0]  }
0x2: {  	s2 =	rddreg [dreg:$0x1]  }
0x3: {  	s3 =	rddreg [dreg:$0x2];
	s10 =	stileid.u32  }
0x4: {  	s1 =	srdreg.scid;
	s4 =	simm.s32 $0x0;
	s30 =	simm.s32 $0x6  }
0x5: {  	s31 =	simm.s32 $0x7;
	s1 =	sand.u32 $0x1, s1;
	s5 =	sshll.u32 s10, $0x1  }
0x6: {  	s6 =	smul.u32 $0xA000, s10;
	[smem:$0x7FF] =	sst s4;
	s23 =	sshll.u32 s10, $0x6  }
0x7: {  	s5 =	sor.u32 s1, s5;
	s8 =	ssub.s32 $0x2, s1;
	s1 =	smul.u32 $0xA0000, s1  }
0x8: {  	_ =	strace $0x8000004D;
	s5 =	smul.u32 $0x2780, s5;
	s7 =	sshrl.u32 s6, $0x3  }
0x9: {  	s9 =	sshrl.u32 s8, $0x1;
	s15 =	sadd.s32 s6, s2;
	s24 =	sadd.s32 $0x2000, s6  }
0xa: {  	s25 =	sadd.s32 $0x4000, s6;
	s16 =	sadd.s32 $0x6000, s6;
	s7 =	sadd.s32 s7, s0  }
0xb: {  	s14 =	ssub.s32 s8, s9;
	s8 =	sor.u32 $0x1C01, s23;
	s9 =	sadd.s32 s6, s3  }
0xc: {  	s10 =	sadd.s32 s24, s3;
	s11 =	sadd.s32 s25, s3;
	s12 =	sadd.s32 s16, s3  }
0xd: {  	s13 =	sadd.s32 s6, s1;
	s6 =	sadd.s32 $0x8000, s6;
	s26 =	sadd.s32 s1, s25  }
0xe: {  	s28 =	sadd.s32 s1, s16;
	s21 =	sshrl.u32 s15, $0x3;
	s23 =	simm.s32 $0x8  }
0xf: {  	s25 =	simm.s32 $0x80;
	s5 =	sshrl.u32 s5, $0x3;
	s7 =	sadd.s32 $0x17000, s7  }
0x10: {  	s17 =	sshrl.u32 s13, $0x3;
	s13 =	sadd.s32 s6, s3;
	s5 =	sadd.s32 s5, s0  }
0x11: {  	s0 =	sadd.s32 $0x2B000, s0;
	[dreg:$0x6] =	wrdreg s7;
	s22 =	sadd.s32 $0x3400, s5  }
0x12: {  	s7 =	sshrl.u32 s28, $0x3;
	s5 =	sadd.s32 $0xD200, s5;
	[dreg:$0x4] =	wrdreg s22  }
0x13: {  	s17 =	sadd.s32 s0, s17;
	[dreg:$0x5] =	wrdreg s5;
	s5 =	sadd.s32 s1, s24  }
0x14: {  	s29 =	sadd.s32 s0, s7;
	[dreg:$0x7] =	wrdreg s17;
	s5 =	sshrl.u32 s5, $0x3  }
0x15: {  	s19 =	smax.u32 s14, $0x1;
	[dreg:$0xa] =	wrdreg s29;
	s5 =	sadd.s32 s0, s5  }
0x16: {  	s1 =	sadd.s32 s1, s6;
	[dreg:$0x8] =	wrdreg s5;
	s5 =	sshrl.u32 s26, $0x3  }
0x17: {  	s22 =	simm.s32 $0x4F00;
	s1 =	sshrl.u32 s1, $0x3;
	s5 =	sadd.s32 s0, s5  }
0x18: {  	s24 =	simm.s32 $0x1;
	s0 =	sadd.s32 s0, s1;
	[dreg:$0x9] =	wrdreg s5  }
0x19: {  	v0 =	vimm.f32 $0.0e+00;
	s1 =	simm.s32 $0x0;
	[dreg:$0xb] =	wrdreg s0;
	s0 =	simm.s32 $0x5  }
.LBB2_1:
0x1a: {  	s5 =	rddreg [dreg:$0x4]  }
0x1b: {  	[tilespmem:s4], [sflag:$0x1] =	stream.linear.gather [hbm4b:s5+s4], $0x2780, $0x38;
	[tilespmem:$0x1EF00] =	vst v63  }
0x1c: {  	s26 =	rddreg [dreg:$0x5];
	s6 =	simm.s32 $0x2780;
	s29 =	sand.u32 $0x7FC0, s4  }
0x1d: {  	[tilespmem:s6], [sflag:$0x1] =	stream.linear.gather [hbm4b:s26+s4], $0x2780, $0x38;
	[tilespmem:$0x1EF00] =	vst v63  }
0x1e: {  	s28 =	rddreg [dreg:$0x6];
	s5 =	simm.s32 $0x40;
	s6 =	sshrl.u32 s29, $0x2  }
0x1f: {  	[spmem:s21], [sflag:s8] =	dma.local [hbm:s28], $0x1400  }
.LBB2_2:
0x20: {  	p0 =	sne.s32 s5, $0x7FC0;
	[tilespmem:s6+$0x4F00] =	vst v0;
	s6 =	smov.u32 s5;
	s5 =	sadd.s32 $0x40, s5  }
.Ltmp0:
0x21: {  	(pc) =	sbr.rel @p0 .LBB2_2-.Ltmp0, $3  }
0x22: {  	_ =	sdelay $0x1  }
0x23: {  	s6 =	sand.u32 $0x7FC0, s6  }
0x24: {  	s6 =	sshrl.u32 s6, $0x2  }
0x25: {  	[tilespmem:s6+$0x4F00] =	vst v0  }
0x26: {  	[spmem:s9] =	stream.linear.scatter [tilespmem:s22], [sflag:$0x8], $0x2000, $0x38;
	[tilespmem:$0x1EF00] =	vst v63  }
0x27: {  	_ =	swait.ge [sflag:s23], $0x2000  }
0x28: {  	[sflag:s23] =	ssyncset.done $0x0  }
0x29: {  	[sflag:s23] =	ssyncadd.s32 $0xFFFFE000  }
0x2a: {  	[spmem:s10] =	stream.linear.scatter [tilespmem:s22], [sflag:$0x8], $0x2000, $0x38;
	[tilespmem:$0x1EF00] =	vst v63  }
0x2b: {  	_ =	swait.ge [sflag:s23], $0x2000  }
0x2c: {  	[sflag:s23] =	ssyncset.done $0x0  }
0x2d: {  	[sflag:s23] =	ssyncadd.s32 $0xFFFFE000  }
0x2e: {  	[spmem:s11] =	stream.linear.scatter [tilespmem:s22], [sflag:$0x8], $0x2000, $0x38;
	[tilespmem:$0x1EF00] =	vst v63  }
0x2f: {  	_ =	swait.ge [sflag:s23], $0x2000  }
0x30: {  	[sflag:s23] =	ssyncset.done $0x0  }
0x31: {  	[sflag:s23] =	ssyncadd.s32 $0xFFFFE000  }
0x32: {  	[spmem:s12] =	stream.linear.scatter [tilespmem:s22], [sflag:$0x8], $0x2000, $0x38;
	[tilespmem:$0x1EF00] =	vst v63  }
0x33: {  	_ =	swait.ge [sflag:s23], $0x2000  }
0x34: {  	[sflag:s23] =	ssyncset.done $0x0  }
0x35: {  	[sflag:s23] =	ssyncadd.s32 $0xFFFFE000  }
0x36: {  	[spmem:s13] =	stream.linear.scatter [tilespmem:s22], [sflag:$0x8], $0x2000, $0x38;
	[tilespmem:$0x1EF00] =	vst v63  }
0x37: {  	_ =	swait.ge [sflag:s23], $0x2000  }
0x38: {  	[sflag:s23] =	ssyncset.done $0x0  }
0x39: {  	[sflag:s23] =	ssyncadd.s32 $0xFFFFE000  }
0x3a: {  	_ =	swait.ge [sflag:s24], $0x2780  }
0x3b: {  	[sflag:s24] =	ssyncset.done $0x0  }
0x3c: {  	[sflag:s24] =	ssyncadd.s32 $0xFFFFD880  }
0x3d: {  	_ =	swait.ge [sflag:s24], $0x2780  }
0x3e: {  	[sflag:s24] =	ssyncset.done $0x0  }
0x3f: {  	[sflag:s24] =	ssyncadd.s32 $0xFFFFD880  }
0x40: {  	_ =	swait.ge [sflag:s24], $0x1400  }
0x41: {  	[sflag:s24] =	ssyncset.done $0x0  }
0x42: {  	[sflag:s24] =	ssyncadd.s32 $0xFFFFEC00  }
0x43: {  	s5 =	simm.s32 $0x0;
	[bflag:$0x0] =	sbarrier.arrive $0xFFFF  }
0x44: {  	[tilespmem:s22], [sflag:$0x2] =	stream.indirect.gather [spmem:s2], $0x40, s5, s25, $0xb8;
	[tilespmem:$0x1EF00] =	vst v63  }
0x45: {  	s15 =	simm.s32 $0x6F00;
	s5 =	smul.u32 $0xAB, s5  }
0x46: {  	[tilespmem:s15], [sflag:$0x3] =	stream.indirect.gather [spmem:s2], $0x40, s25, s25, $0xb8;
	[tilespmem:$0x1EF00] =	vst v63  }
0x47: {  	s5 =	sshrl.u32 s5, $0x9  }
0x48: {  	s16 =	simm.s32 $0x100;
	s5 =	sand.u32 $0x7F, s5  }
0x49: {  	s7 =	simm.s32 $0x8F00;
	s26 =	simm.s32 $0x1;
	s5 =	smul.u32 $0x3, s5  }
0x4a: {  	[tilespmem:s7], [sflag:$0x4] =	stream.indirect.gather [spmem:s2], $0x40, s16, s25, $0xb8;
	[tilespmem:$0x1EF00] =	vst v63  }
0x4b: {  	s17 =	smul.u32 $0xAB, s26;
	s5 =	ssub.s32 $0x0, s5  }
0x4c: {  	s20 =	simm.s32 $0x180;
	p0 =	por $0x0, $0x0;
	s5 =	sand.u32 $0xFF, s5  }
0x4d: {  	s29 =	simm.s32 $0x2800;
	s6 =	sshrl.u32 s17, $0x9;
	s28 =	sadd.s32 $0x2, s5  }
0x4e: {  	s6 =	sand.u32 $0x7F, s6;
	s15 =	simm.s32 $0x2780;
	_ =	swait.ge [sflag:s28], $0x2000  }
0x4f: {  	s18 =	sshll.u32 s5, $0xD;
	s14 =	sadd.s32 $0x5, s5;
	[sflag:s28] =	ssyncset.done $0x0  }
0x50: {  	s5 =	simm.s32 $0x2;
	s7 =	sadd.s32 $0x4F00, s18;
	[sflag:s28] =	ssyncadd.s32 $0xFFFFE000  }
0x51: {  	[spmem:s3] =	stream.indirect.scatter.add.f32 [tilespmem:s7], [sflag:s14], $0x40, s15, s25, $0xb8;
	[tilespmem:$0x1EF00] =	vst v63  }
0x52: {  	s15 =	smul.u32 $0x3, s6;
	s6 =	simm.s32 $0x180;
	_ =	swait.ge @!p0 [sflag:s14], $0x2000  }
.LBB2_4:
0x53: {  	[sflag:s14] =	ssyncset.done @!p0 $0x0;
	s20 =	sadd.s32 $0x80, s20  }
0x54: {  	s16 =	smov.u32 s26;
	s26 =	smov.u32 s5;
	s5 =	sadd.s32 $0x1, s5  }
0x55: {  	p1 =	sne.s32 s5, $0x4F;
	s15 =	ssub.s32 s16, s15;
	[sflag:s14] =	ssyncadd.s32 @!p0 $0xFFFFE000  }
0x56: {  	s14 =	sand.u32 $0xFF, s15;
	s15 =	simm.s32 @!p0 $0x80  }
0x57: {  	s17 =	sshll.u32 s14, $0xD;
	s18 =	sadd.s32 $0x2, s14  }
0x58: {  	[tilespmem:s7], [sflag:s28] =	stream.indirect.gather @!p0 [spmem:s2], $0x40, s6, s15, $0xb8;
	[tilespmem:$0x1EF00] =	vst v63  }
0x59: {  	s7 =	smul.u32 $0xAB, s26;
	s6 =	smov.u32 s20;
	s28 =	smov.u32 s18  }
.Ltmp1:
0x5a: {  	p0 =	sgt.u32 s16, $0x4B;
	_ =	swait.ge [sflag:s28], $0x2000;
	(pc) =	sbr.rel @p1 .LBB2_4-.Ltmp1, $4  }
0x5b: {  	s14 =	sadd.s32 $0x5, s14;
	s7 =	sshrl.u32 s7, $0x9;
	[sflag:s28] =	ssyncset.done $0x0  }
0x5c: {  	s15 =	sand.u32 $0x7F, s7;
	s7 =	sadd.s32 $0x4F00, s17;
	[sflag:s28] =	ssyncadd.s32 $0xFFFFE000  }
0x5d: {  	[spmem:s3] =	stream.indirect.scatter.add.f32 [tilespmem:s7], [sflag:s14], $0x40, s29, s25, $0xb8;
	[tilespmem:$0x1EF00] =	vst v63  }
0x5e: {  	s15 =	smul.u32 $0x3, s15;
	s29 =	sadd.s32 $0x80, s29;
	_ =	swait.ge @!p0 [sflag:s14], $0x2000  }
0x5f: {  	[sflag:s14] =	ssyncset.done @!p0 $0x0  }
0x60: {  	s5 =	simm.s32 @!p0 $0x80;
	[sflag:s14] =	ssyncadd.s32 @!p0 $0xFFFFE000;
	s15 =	ssub.s32 s26, s15  }
0x61: {  	[tilespmem:s7], [sflag:s28] =	stream.indirect.gather @!p0 [spmem:s2], $0x40, s6, s5, $0xb8;
	[tilespmem:$0x1EF00] =	vst v63  }
0x62: {  	s5 =	sand.u32 $0xFF, s15  }
0x63: {  	s6 =	sadd.s32 $0x2, s5  }
0x64: {  	_ =	swait.ge [sflag:s6], $0x2000  }
0x65: {  	p0 =	sgt.u32 s26, $0x4B;
	s16 =	sshll.u32 s5, $0xD;
	[sflag:s6] =	ssyncset.done $0x0  }
0x66: {  	s5 =	sadd.s32 $0x5, s5;
	s7 =	sadd.s32 $0x4F00, s16;
	[sflag:s6] =	ssyncadd.s32 $0xFFFFE000  }
0x67: {  	[spmem:s3] =	stream.indirect.scatter.add.f32 [tilespmem:s7], [sflag:s5], $0x40, s29, s25, $0xb8;
	[tilespmem:$0x1EF00] =	vst v63  }
0x68: {  	_ =	swait.ge @!p0 [sflag:s5], $0x2000  }
0x69: {  	[sflag:s5] =	ssyncset.done @!p0 $0x0  }
0x6a: {  	s14 =	sadd.s32 $0x80, s20;
	[sflag:s5] =	ssyncadd.s32 @!p0 $0xFFFFE000;
	s5 =	simm.s32 @!p0 $0x80  }
0x6b: {  	[tilespmem:s7], [sflag:s6] =	stream.indirect.gather @!p0 [spmem:s2], $0x40, s14, s5, $0xb8;
	[tilespmem:$0x1EF00] =	vst v63  }
0x6c: {  	_ =	swait.ge [sflag:s30], $0x2000  }
0x6d: {  	[sflag:s30] =	ssyncset.done $0x0  }
0x6e: {  	[sflag:s30] =	ssyncadd.s32 $0xFFFFE000  }
0x6f: {  	_ =	swait.ge [sflag:s31], $0x2000  }
0x70: {  	[sflag:s31] =	ssyncset.done $0x0  }
0x71: {  	[sflag:s31] =	ssyncadd.s32 $0xFFFFE000  }
0x72: {  	_ =	swait.ge [sflag:s0], $0x2000  }
0x73: {  	[sflag:s0] =	ssyncset.done $0x0  }
0x74: {  	[sflag:s0] =	ssyncadd.s32 $0xFFFFE000  }
0x75: {  	[bflag:$0x0] =	sbarrier.arrive $0xFFFF  }
0x76: {  	s17 =	sshrl.u32 s9, $0x3;
	s18 =	rddreg [dreg:$0x7]  }
0x77: {  	[hbm:s18], [sflag:s8] =	dma.local [spmem:s17], $0x400  }
0x78: {  	s20 =	sshrl.u32 s10, $0x3;
	s6 =	rddreg [dreg:$0x8]  }
0x79: {  	[hbm:s6], [sflag:s8] =	dma.local [spmem:s20], $0x400  }
0x7a: {  	s26 =	sshrl.u32 s11, $0x3;
	s6 =	rddreg [dreg:$0x9]  }
0x7b: {  	[hbm:s6], [sflag:s8] =	dma.local [spmem:s26], $0x400  }
0x7c: {  	s28 =	sshrl.u32 s12, $0x3;
	s6 =	rddreg [dreg:$0xa]  }
0x7d: {  	[hbm:s6], [sflag:s8] =	dma.local [spmem:s28], $0x400  }
0x7e: {  	s29 =	sshrl.u32 s13, $0x3;
	s6 =	rddreg [dreg:$0xb]  }
0x7f: {  	[hbm:s6], [sflag:s8] =	dma.local [spmem:s29], $0x400  }
0x80: {  	_ =	swait.ge [sflag:s24], $0x400  }
0x81: {  	[sflag:s24] =	ssyncset.done $0x0  }
0x82: {  	[sflag:s24] =	ssyncadd.s32 $0xFFFFFC00  }
0x83: {  	_ =	swait.ge [sflag:s24], $0x400  }
0x84: {  	[sflag:s24] =	ssyncset.done $0x0  }
0x85: {  	[sflag:s24] =	ssyncadd.s32 $0xFFFFFC00  }
0x86: {  	_ =	swait.ge [sflag:s24], $0x400  }
0x87: {  	[sflag:s24] =	ssyncset.done $0x0  }
0x88: {  	s1 =	sadd.s32 $0x1, s1;
	[sflag:s24] =	ssyncadd.s32 $0xFFFFFC00  }
0x89: {  	p0 =	sne.s32 s1, s19;
	_ =	swait.ge [sflag:s24], $0x400  }
.Ltmp2:
0x8a: {  	[sflag:s24] =	ssyncset.done $0x0;
	(pc) =	sbr.rel @p0 .LBB2_1-.Ltmp2, $4  }
0x8b: {  	[sflag:s24] =	ssyncadd.s32 $0xFFFFFC00  }
0x8c: {  	_ =	swait.ge [sflag:s24], $0x400  }
0x8d: {  	[sflag:s24] =	ssyncset.done $0x0  }
0x8e: {  	[sflag:s24] =	ssyncadd.s32 $0xFFFFFC00  }
0x8f: {  	_ =	sfence.sel $0x180000  }
0x90: {  	[bflag:$0x0] =	sbarrier.arrive $0xFFFF  }
0x91: {  	_ =	strace $0x9000004D  }
0x92: {  	s0 =	stileid.u32;
	[bflag:$0x2] =	sbarrier.arrive $0xFFFF  }
0x93: {  	p0 =	sne.s32 s0, $0x0;
	s0 =	rddreg [dreg:$0x3]  }
0x94: {  	s0 =	sadd.s32 @!p0 $0x100000, s0  }
0x95: {  	[sflag:s0] =	ssyncadd.tile.s32 @!p0 $0x1;
	_ =	shalt  }
.Lfunc_end2:
_tile_overlayer_lowered:
.L_overlay_start_2:
0x96: {  	(tag) =	ssettag $0x2  }
0x97: {  	s0 =	rddreg [dreg:$0x0];
	s2 =	stileid.u32  }
0x98: {  	s1 =	rddreg [dreg:$0x1];
	p0 =	sne.s32 s2, $0x0  }
0x99: {  	s3 =	rddreg [dreg:$0x2];
	[bflag:$0x3] =	sbarrier.arrive $0xFFFF;
	s2 =	simm.s32 @!p0 $0x1C08  }
0x9a: {  	[timem:s3], [sflag:s2] =	dma.local @!p0 [hbm:s0], s1  }
0x9b: {  	s0 =	simm.s32 @!p0 $0x8  }
0x9c: {  	_ =	swait.ge @!p0 [sflag:s0], s1  }
0x9d: {  	s1 =	ssub.s32 @!p0 $0x0, s1;
	[sflag:s0] =	ssyncset.done @!p0 $0x0  }
0x9e: {  	[sflag:s0] =	ssyncadd.s32 @!p0 s1  }
0x9f: {  	[bflag:$0x3] =	sbarrier.arrive $0xFFFF  }
0xa0: {  	_ =	shalt  }

// kernel: kernel.8.cloned.1.call-start
scs
__scs_entry_jumppad:
0x0: {  	(pc) =	sbr.rel $0x88, $3  }
0x1: {  	(tag) =	ssettag $0x0;
	lr =	simm.s32 $0x1  }
0x2: {  	[smem:$0x3F8F] =	sst lr;
	_ =	strace $0xD0000000  }
0x3: {  	_ = 	snop  }
0x4: {  	_ = 	snop  }
0x5: {  	_ = 	snop  }
0x6: {  	_ = 	snop  }
0x7: {  	_ = 	snop  }
__scs_overlays_trampoline_lowered:
0x8: {  	[smem:$0x3F9E] =	sst s0  }
0x9: {  	[smem:$0x3F9F] =	sst s1  }
0xa: {  	[smem:$0x3FA0] =	sst s2  }
0xb: {  	[smem:$0x3FA1] =	sst s3  }
0xc: {  	[smem:$0x3FA2] =	sst s4  }
0xd: {  	[smem:$0x3FA3] =	sst s5  }
0xe: {  	[smem:$0x3FA4] =	sst s6  }
0xf: {  	[smem:$0x3FA5] =	sst s7  }
0x10: {  	[smem:$0x3FA6] =	sst s8  }
0x11: {  	[smem:$0x3FA7] =	sst s9;
	s0 =	simm.s32 @!p0 $0x0  }
0x12: {  	s1 =	sld [smem:$0x3F8D];
	s0 =	simm.s32 @p0 $0x1  }
0x13: {  	[smem:$0x3FA8] =	sst s0;
	s0 =	simm.s32 @!p1 $0x0  }
0x14: {  	s2 =	sld [smem:$0x3F8C];
	s0 =	simm.s32 @p1 $0x1  }
0x15: {  	[smem:$0x3FA9] =	sst s0;
	s0 =	simm.s32 @!p2 $0x0  }
0x16: {  	s3 =	sld [smem:$0x3FDB];
	s0 =	simm.s32 @p2 $0x1  }
0x17: {  	s4 =	simm.s32 $0x1BF5;
	[smem:$0x3FAB] =	sst s0  }
0x18: {  	s0 =	sld [smem:$0x3F8E];
	_ =	swait.ge [sflag:s4], $0x0  }
0x19: {  	s7 =	sld [smem:$0x3F8F]  }
0x1a: {  	s8 =	sadd.s32 $0xFFFFE003, lr  }
0x1b: {  	s9 =	sadd.s32 $0xFFFFFEF7, lr;
	s5 =	simm.s32 $0xFFFFFFFF;
	p2 =	slt.u32 s8, $0xFFFFF086  }
0x1c: {  	p1 =	slt.u32 s9, $0xF7A;
	s5 =	simm.s32 @!p2 $0x0  }
0x1d: {  	s5 =	simm.s32 @p1 $0x1;
	p0 =	seq.s32 s7, s2  }
0x1e: {  	s7 =	smul.u32 @!p0 $0xF7A, s2;
	p2 =	seq.s32 @!p0 s5, $0x0  }
0x1f: {  	s9 =	smul.u32 $0xF7A, s1;
	s8 =	simm.s32 @!p0 $0x1BF5;
	p2 =	por !p2, p0  }
0x20: {  	[sflag:s8] =	ssyncset.s32 @!p0 $0xFFFFF086;
	s6 =	sadd.s32 @!p0 s3, s7;
	s7 =	simm.s32 @!p0 $0x108  }
0x21: {  	s3 =	sadd.s32 s3, s9;
	s6 =	sadd.s32 @!p0 $0x88, s6;
	s7 =	simm.s32 @p2 $0x1082  }
0x22: {  	[simem:s7], [sflag:s8] =	dma.local @!p0 [hbm:s6], $0xF7A  }
0x23: {  	s9 =	sor.u32 $0xD0000000, s2;
	s6 =	simm.s32 $0x108;
	_ =	swait.ge @!p0 [sflag:s8], $0x0  }
0x24: {  	s3 =	sadd.s32 $0x88, s3;
	s6 =	simm.s32 @!p1 $0x1082;
	[sflag:s4] =	ssyncset.s32 $0xFFFFF086  }
0x25: {  	[simem:s6], [sflag:s4] =	dma.local [hbm:s3], $0xF7A  }
0x26: {  	[smem:$0x3F8F] =	sst s1;
	(tag) =	ssettag s2;
	_ =	strace s9  }
0x27: {  	s1 =	sld [smem:$0x3F9F]  }
0x28: {  	s2 =	sld [smem:$0x3FA0]  }
0x29: {  	s4 =	sld [smem:$0x3FA2]  }
0x2a: {  	p0 =	seq.s32 s5, $0x0;
	s5 =	sld [smem:$0x3FA3]  }
0x2b: {  	s6 =	sld [smem:$0x3FA4]  }
0x2c: {  	s7 =	sld [smem:$0x3FA5]  }
0x2d: {  	s3 =	simm.s32 $0x108;
	s8 =	sld [smem:$0x3FA6]  }
0x2e: {  	s3 =	simm.s32 @!p0 $0x1082;
	s9 =	sld [smem:$0x3FA7]  }
0x2f: {  	lr =	sadd.s32 s0, s3;
	s0 =	sld [smem:$0x3F9E]  }
0x30: {  	s3 =	sld [smem:$0x3FA1]  }
0x31: {  	[smem:$0x3FAA] =	sst s10  }
0x32: {  	s10 =	sld [smem:$0x3FA8];
	_ =	sdelay $0x3  }
0x33: {  	p0 =	seq.s32 s10, $0x1;
	s10 =	sld [smem:$0x3FAA];
	_ =	sdelay $0x3  }
0x34: {  	[smem:$0x3FAA] =	sst s10  }
0x35: {  	s10 =	sld [smem:$0x3FA9];
	_ =	sdelay $0x3  }
0x36: {  	p1 =	seq.s32 s10, $0x1;
	s10 =	sld [smem:$0x3FAA];
	_ =	sdelay $0x3  }
0x37: {  	[smem:$0x3FAA] =	sst s10  }
0x38: {  	s10 =	sld [smem:$0x3FAB]  }
0x39: {  	_ = 	snop;
	(pc) =	sbr.ind lr, $3  }
0x3a: {  	_ = 	snop  }
0x3b: {  	_ = 	snop  }
0x3c: {  	p2 =	seq.s32 s10, $0x1;
	s10 =	sld [smem:$0x3FAA]  }
0x3d: {  	_ =	shalt  }
0x3e: {  	_ =	shalt  }
0x3f: {  	_ =	shalt  }
0x40: {  	_ =	shalt  }
0x41: {  	_ =	shalt  }
0x42: {  	_ =	shalt  }
0x43: {  	_ =	shalt  }
0x44: {  	_ =	shalt  }
0x45: {  	_ =	shalt  }
0x46: {  	_ =	shalt  }
0x47: {  	_ =	shalt  }
0x48: {  	_ =	shalt  }
0x49: {  	_ =	shalt  }
0x4a: {  	_ =	shalt  }
0x4b: {  	_ =	shalt  }
0x4c: {  	_ =	shalt  }
0x4d: {  	_ =	shalt  }
0x4e: {  	_ =	shalt  }
0x4f: {  	_ =	shalt  }
0x50: {  	_ =	shalt  }
0x51: {  	_ =	shalt  }
0x52: {  	_ =	shalt  }
0x53: {  	_ =	shalt  }
0x54: {  	_ =	shalt  }
0x55: {  	_ =	shalt  }
0x56: {  	_ =	shalt  }
0x57: {  	_ =	shalt  }
0x58: {  	_ =	shalt  }
0x59: {  	_ =	shalt  }
0x5a: {  	_ =	shalt  }
0x5b: {  	_ =	shalt  }
0x5c: {  	_ =	shalt  }
0x5d: {  	_ =	shalt  }
0x5e: {  	_ =	shalt  }
0x5f: {  	_ =	shalt  }
0x60: {  	_ =	shalt  }
0x61: {  	_ =	shalt  }
0x62: {  	_ =	shalt  }
0x63: {  	_ =	shalt  }
0x64: {  	_ =	shalt  }
0x65: {  	_ =	shalt  }
0x66: {  	_ =	shalt  }
0x67: {  	_ =	shalt  }
0x68: {  	_ =	shalt  }
0x69: {  	_ =	shalt  }
0x6a: {  	_ =	shalt  }
0x6b: {  	_ =	shalt  }
0x6c: {  	_ =	shalt  }
0x6d: {  	_ =	shalt  }
0x6e: {  	_ =	shalt  }
0x6f: {  	_ =	shalt  }
0x70: {  	_ =	shalt  }
0x71: {  	_ =	shalt  }
0x72: {  	_ =	shalt  }
0x73: {  	_ =	shalt  }
0x74: {  	_ =	shalt  }
0x75: {  	_ =	shalt  }
0x76: {  	_ =	shalt  }
0x77: {  	_ =	shalt  }
0x78: {  	_ =	shalt  }
0x79: {  	_ =	shalt  }
0x7a: {  	_ =	shalt  }
0x7b: {  	_ =	shalt  }
0x7c: {  	_ =	shalt  }
0x7d: {  	_ =	shalt  }
0x7e: {  	_ =	shalt  }
0x7f: {  	_ =	shalt  }
0x80: {  	_ =	shalt  }
0x81: {  	_ =	shalt  }
0x82: {  	_ =	shalt  }
0x83: {  	_ =	shalt  }
0x84: {  	_ =	shalt  }
0x85: {  	_ =	shalt  }
0x86: {  	_ =	shalt  }
0x87: {  	_ =	shalt  }
.Lfunc_end0:
.L_simem_size_0:
called_computation_lowered:
.L_overlay_start_0:
0x88: {  	s2 =	sld [smem:$0x3FD9]  }
0x89: {  	s3 =	sld [smem:$0x3FFE];
	_ =	sdelay $0x1  }
0x8a: {  	s1 =	srdreg.scid  }
0x8b: {  	s0 =	sand.u32 $0x1, s1  }
0x8c: {  	s16 =	sshll.u32 s0, $0xA;
	s2 =	sadd.s32 s3, s2  }
0x8d: {  	s2 =	sadd.s32 s2, s16  }
0x8e: {  	[smem:$0x3FB6] =	sst s2  }
0x8f: {  	_ = 	snop  }
0x90: {  	(tm) =	ssettm $0x1  }
0x91: {  	s17 =	sld [smem:$0x3FFB];
	_ =	sdelay $0x3  }
0x92: {  	_ =	strace s17  }
0x93: {  	s2 =	sld [smem:$0x3FFC];
	_ =	sdelay $0x3  }
0x94: {  	_ =	strace s2  }
0x95: {  	s2 =	sld [smem:$0x3FFD];
	_ =	sdelay $0x3  }
0x96: {  	_ =	strace s2  }
0x97: {  	_ =	strace $0x8FFFFFFF  }
0x98: {  	s18 =	sld [smem:$0x3FDB];
	_ =	sdelay $0x1  }
0x99: {  	s19 =	simm.s32 $_scs_section_size  }
0x9a: {  	s4 =	simm.s32 $_size__tile_overlayer_lowered;
	s5 =	simm.s32 $_tile_overlayer_lowered  }
0x9b: {  	s22 =	simm.s32 $0x1BFF;
	s21 =	sshll.u32 s5, $0x1;
	s2 =	sadd.s32 s19, s18  }
0x9c: {  	s6 =	simm.s32 $0x0;
	s20 =	sshll.u32 s4, $0x1;
	s4 =	sadd.s32 s21, s2  }
0x9d: {  	[timem:s6], [sflag:s22] =	dma.local [hbm:s4], s20  }
0x9e: {  	_ =	swait.ge [sflag:s22], s20  }
0x9f: {  	s3 =	ssub.s32 $0x0, s20;
	[sflag:s22] =	ssyncset.done $0x0  }
0xa0: {  	[sflag:s22] =	ssyncadd.s32 s3;
	_ =	sdelay $0x1  }
0xa1: {  	s23 =	simm.s32 $0x1B8B  }
0xa2: {  	_ =	swait.ge [sflag:s23], $0x1  }
0xa3: {  	[sflag:s23] =	ssyncset.done $0x0  }
0xa4: {  	s25 =	simm.s32 $0x1B8E;
	s24 =	sld [smem:$0x3FFE];
	[sflag:s23] =	ssyncadd.s32 $0xFFFFFFFF  }
0xa5: {  	s26 =	simm.s32 $execute0_lowered;
	[smem:$0x3FD2] =	sst s25  }
0xa6: {  	s4 =	sshll.u32 s26, $0x1;
	_ =	strace $0x80000046;
	[dreg:$0x1] =	wrdreg $0xFFFFFFFF  }
0xa7: {  	s28 =	simm.s32 $_size_execute0_lowered;
	s2 =	sadd.s32 s2, s4;
	[dreg:$0x0] =	wrdreg $0x0  }
0xa8: {  	s4 =	sshll.u32 s28, $0x1;
	[dreg:$0x2] =	wrdreg s2  }
0xa9: {  	[dreg:$0x3] =	wrdreg s4  }
0xaa: {  	[dreg:$0x4] =	wrdreg $0xC0  }
0xab: {  	_ =	task [dreg:s6], $0x5FFFF  }
0xac: {  	[dreg:$0x1] =	wrdreg $0xFFFFFFFF  }
0xad: {  	[dreg:$0x0] =	wrdreg $0x60  }
0xae: {  	[dreg:$0x2] =	wrdreg s24  }
0xaf: {  	[dreg:$0x3] =	wrdreg $0x2F800  }
0xb0: {  	[dreg:$0x4] =	wrdreg $0x9  }
0xb1: {  	_ =	task.clear_ibuf [dreg:s6], $0x5FFFF;
	_ =	strace $0x90000046  }
0xb2: {  	s29 =	simm.s32 $0x9;
	_ =	strace $0x80000048  }
0xb3: {  	_ =	swait.ge [sflag:s29], $0x1  }
0xb4: {  	[sflag:s29] =	ssyncadd.s32 $0xFFFFFFFF  }
0xb5: {  	_ =	strace $0x90000048  }
0xb6: {  	_ =	sfence  }
0xb7: {  	s30 =	sld [smem:$0x0];
	_ =	sdelay $0x2  }
0xb8: {  	s31 =	sshll.u32 s1, $0xD;
	s1 =	sshrl.u32 s1, $0x2  }
0xb9: {  	s3 =	sand.u32 $0x4000, s31;
	s1 =	sadd.s32 s1, s30  }
0xba: {  	s0 =	sor.u32 s3, s0;
	s1 =	sshll.u32 s1, $0x11  }
0xbb: {  	s0 =	sor.u32 s1, s0  }
0xbc: {  	s0 =	sadd.s32 $0x8F2B, s0  }
0xbd: {  	[sflag:s0] =	ssyncadd.remote.s32 $0x1  }
0xbe: {  	_ =	sfence.sel $0xFFFF  }
0xbf: {  	[dreg:$0x0] =	wrdreg $0xFFFFFFFF;
	(pc) =	sbr.abs _section_cstart, $3  }
0xc0: {  	[dreg:$0x1] =	wrdreg $0xFFFFFFFF  }
0xc1: {  	_ =	task.clear_ibuf [dreg:s6], $0x2FFFF;
	_ =	strace $0x9FFFFFFF  }
0xc2: {  	(tm) =	ssettm $0x7FFFFFFF  }
0xc3: {  	_ =	shalt  }
tec
execute0_lowered:
.L_overlay_start_1:
0x0: {  	(tag) =	ssettag $0x1  }
0x1: {  	s1 =	srdreg.scid;
	s4 =	rddreg [dreg:$0x0]  }
0x2: {  	s0 =	stileid.u32;
	s2 =	rddreg [dreg:$0x1];
	s3 =	simm.s32 $0x0  }
0x3: {  	s19 =	simm.s32 $0x0;
	s6 =	sand.u32 $0x1, s1;
	s1 =	rddreg [dreg:$0x2]  }
0x4: {  	s29 =	sshll.u32 s0, $0x1;
	[smem:$0x7FF] =	sst s3;
	s9 =	smul.u32 $0x2800, s0  }
0x5: {  	s14 =	sadd.s32 $0x17000, s4;
	s5 =	sor.u32 s6, s29;
	s12 =	smul.u32 $0x28000, s6  }
0x6: {  	_ =	strace $0x80000047;
	s7 =	ssub.s32 $0x2, s6;
	s5 =	smul.u32 $0x2780, s5  }
0x7: {  	s8 =	sshrl.u32 s7, $0x1;
	s10 =	sadd.s32 $0x800, s9;
	s13 =	sadd.s32 $0x1000, s9  }
0x8: {  	s16 =	sadd.s32 $0x1800, s9;
	s17 =	sadd.s32 $0x2000, s9;
	s15 =	ssub.s32 s7, s8  }
0x9: {  	s6 =	sadd.s32 s10, s2;
	s7 =	sadd.s32 s13, s2;
	s8 =	sadd.s32 s16, s2  }
0xa: {  	s11 =	sadd.s32 s9, s12;
	s18 =	sadd.s32 s12, s10;
	s13 =	sadd.s32 s12, s13  }
0xb: {  	s16 =	sadd.s32 s12, s16;
	s5 =	sshrl.u32 s5, $0x3;
	s11 =	sshrl.u32 s11, $0x3  }
0xc: {  	s30 =	sshrl.u32 s18, $0x3;
	s13 =	sshrl.u32 s13, $0x3;
	s16 =	sshrl.u32 s16, $0x3  }
0xd: {  	s15 =	smax.u32 s15, $0x1;
	s18 =	simm.s32 $0x80;
	s5 =	sadd.s32 s4, s5  }
0xe: {  	s10 =	sadd.s32 s14, s11;
	s11 =	sadd.s32 s14, s30;
	s4 =	sadd.s32 $0xD200, s5  }
0xf: {  	s5 =	sadd.s32 s9, s2;
	s9 =	sadd.s32 s17, s2;
	s17 =	sadd.s32 s12, s17  }
0x10: {  	s12 =	sadd.s32 s14, s13;
	s13 =	sadd.s32 s14, s16;
	s31 =	sshrl.u32 s17, $0x3  }
0x11: {  	v0 =	vimm.f32 $0.0e+00;
	v1 =	vimm.f32 $1.000000000e+00;
	s16 =	simm.s32 $0x1;
	s17 =	simm.s32 $0x2780;
	s14 =	sadd.s32 s14, s31  }
.LBB2_1:
0x12: {  	[tilespmem:s3], [sflag:$0x1] =	stream.linear.gather [hbm4b:s4+s3], $0x2780, $0x38;
	[tilespmem:$0x5780] =	vst v63  }
0x13: {  	_ =	swait.ge [sflag:s16], $0x2780  }
0x14: {  	[sflag:s16] =	ssyncset.done $0x0  }
0x15: {  	s20 =	simm.s32 $0x40;
	s21 =	simm.s32 $0x0;
	[sflag:s16] =	ssyncadd.s32 $0xFFFFD880  }
.LBB2_2:
0x16: {  	p0 =	sne.s32 s20, $0x1FC0;
	[tilespmem:s21+$0x2780] =	vst v0;
	s21 =	smov.u32 s20;
	s20 =	sadd.s32 $0x40, s20  }
.Ltmp0:
0x17: {  	(pc) =	sbr.rel @p0 .LBB2_2-.Ltmp0, $2  }
0x18: {  	_ =	sdelay $0x2  }
0x19: {  	s21 =	sshra.s32 s21, $0x2  }
0x1a: {  	[tilespmem:s21+$0x2780] =	vst v0  }
0x1b: {  	[spmem:s5] =	stream.linear.scatter [tilespmem:s17], [sflag:$0x1], $0x800, $0x38;
	[tilespmem:$0x5780] =	vst v63  }
0x1c: {  	_ =	swait.ge [sflag:s16], $0x800  }
0x1d: {  	[sflag:s16] =	ssyncset.done $0x0  }
0x1e: {  	[sflag:s16] =	ssyncadd.s32 $0xFFFFF800  }
0x1f: {  	[spmem:s6] =	stream.linear.scatter [tilespmem:s17], [sflag:$0x1], $0x800, $0x38;
	[tilespmem:$0x5780] =	vst v63  }
0x20: {  	_ =	swait.ge [sflag:s16], $0x800  }
0x21: {  	[sflag:s16] =	ssyncset.done $0x0  }
0x22: {  	[sflag:s16] =	ssyncadd.s32 $0xFFFFF800  }
0x23: {  	[spmem:s7] =	stream.linear.scatter [tilespmem:s17], [sflag:$0x1], $0x800, $0x38;
	[tilespmem:$0x5780] =	vst v63  }
0x24: {  	_ =	swait.ge [sflag:s16], $0x800  }
0x25: {  	[sflag:s16] =	ssyncset.done $0x0  }
0x26: {  	[sflag:s16] =	ssyncadd.s32 $0xFFFFF800  }
0x27: {  	[spmem:s8] =	stream.linear.scatter [tilespmem:s17], [sflag:$0x1], $0x800, $0x38;
	[tilespmem:$0x5780] =	vst v63  }
0x28: {  	_ =	swait.ge [sflag:s16], $0x800  }
0x29: {  	[sflag:s16] =	ssyncset.done $0x0  }
0x2a: {  	[sflag:s16] =	ssyncadd.s32 $0xFFFFF800  }
0x2b: {  	[spmem:s9] =	stream.linear.scatter [tilespmem:s17], [sflag:$0x1], $0x800, $0x38;
	[tilespmem:$0x5780] =	vst v63  }
0x2c: {  	_ =	swait.ge [sflag:s16], $0x800  }
0x2d: {  	[sflag:s16] =	ssyncset.done $0x0  }
0x2e: {  	s20 =	simm.s32 $0x40;
	s21 =	simm.s32 $0x0;
	[sflag:s16] =	ssyncadd.s32 $0xFFFFF800  }
.LBB2_4:
0x2f: {  	p0 =	sne.s32 s20, $0x1FC0;
	[tilespmem:s21+$0x2780] =	vst v1;
	s21 =	smov.u32 s20;
	s20 =	sadd.s32 $0x40, s20  }
.Ltmp1:
0x30: {  	(pc) =	sbr.rel @p0 .LBB2_4-.Ltmp1, $2  }
0x31: {  	_ =	sdelay $0x2  }
0x32: {  	s21 =	sshra.s32 s21, $0x2  }
0x33: {  	[tilespmem:s21+$0x2780] =	vst v1  }
0x34: {  	s20 =	simm.s32 $0x0;
	[bflag:$0x0] =	sbarrier.arrive $0xFFFF  }
0x35: {  	[spmem:s2] =	stream.indirect.scatter.add.f32 [tilespmem:s17], [sflag:$0x1], $0x10, s20, s18, $0xb8;
	[tilespmem:$0x5780] =	vst v63  }
0x36: {  	_ =	swait.ge [sflag:s16], $0x800  }
0x37: {  	s20 =	simm.s32 $0x200;
	[sflag:s16] =	ssyncset.done $0x0  }
.LBB2_6:
0x38: {  	s21 =	sshra.s32 s20, $0x2;
	[sflag:s16] =	ssyncadd.s32 $0xFFFFF800;
	p0 =	sne.s32 s20, $0x9C00  }
0x39: {  	[spmem:s2] =	stream.indirect.scatter.add.f32 [tilespmem:s17], [sflag:$0x1], $0x10, s21, s18, $0xb8;
	[tilespmem:$0x5780] =	vst v63  }
.Ltmp2:
0x3a: {  	_ = 	snop;
	(pc) =	sbr.rel @p0 .LBB2_6-.Ltmp2, $4  }
0x3b: {  	_ = 	snop  }
0x3c: {  	s20 =	sadd.s32 $0x200, s20  }
0x3d: {  	_ =	swait.ge [sflag:s16], $0x800  }
0x3e: {  	[sflag:s16] =	ssyncset.done $0x0  }
0x3f: {  	[sflag:s16] =	ssyncadd.s32 $0xFFFFF800;
	s20 =	sshll.u32 s0, $0x6  }
0x40: {  	s21 =	sshrl.u32 s5, $0x3;
	[bflag:$0x0] =	sbarrier.arrive $0xFFFF;
	s20 =	sor.u32 $0x1C01, s20  }
0x41: {  	[hbm:s10], [sflag:s20] =	dma.local [spmem:s21], $0x100  }
0x42: {  	_ =	swait.ge [sflag:s16], $0x100  }
0x43: {  	[sflag:s16] =	ssyncset.done $0x0  }
0x44: {  	s28 =	sshrl.u32 s6, $0x3;
	[sflag:s16] =	ssyncadd.s32 $0xFFFFFF00  }
0x45: {  	[hbm:s11], [sflag:s20] =	dma.local [spmem:s28], $0x100  }
0x46: {  	_ =	swait.ge [sflag:s16], $0x100  }
0x47: {  	[sflag:s16] =	ssyncset.done $0x0  }
0x48: {  	s29 =	sshrl.u32 s7, $0x3;
	[sflag:s16] =	ssyncadd.s32 $0xFFFFFF00  }
0x49: {  	[hbm:s12], [sflag:s20] =	dma.local [spmem:s29], $0x100  }
0x4a: {  	_ =	swait.ge [sflag:s16], $0x100  }
0x4b: {  	[sflag:s16] =	ssyncset.done $0x0  }
0x4c: {  	s30 =	sshrl.u32 s8, $0x3;
	[sflag:s16] =	ssyncadd.s32 $0xFFFFFF00  }
0x4d: {  	[hbm:s13], [sflag:s20] =	dma.local [spmem:s30], $0x100  }
0x4e: {  	s19 =	sadd.s32 $0x1, s19;
	_ =	swait.ge [sflag:s16], $0x100  }
0x4f: {  	p0 =	sne.s32 s19, s15;
	[sflag:s16] =	ssyncset.done $0x0  }
.Ltmp3:
0x50: {  	s31 =	sshrl.u32 s9, $0x3;
	[sflag:s16] =	ssyncadd.s32 $0xFFFFFF00;
	(pc) =	sbr.rel @p0 .LBB2_1-.Ltmp3, $4  }
0x51: {  	[hbm:s14], [sflag:s20] =	dma.local [spmem:s31], $0x100  }
0x52: {  	_ =	swait.ge [sflag:s16], $0x100  }
0x53: {  	[sflag:s16] =	ssyncset.done $0x0  }
0x54: {  	[sflag:s16] =	ssyncadd.s32 $0xFFFFFF00  }
0x55: {  	_ =	sfence.sel $0x180000  }
0x56: {  	[bflag:$0x0] =	sbarrier.arrive $0xFFFF  }
0x57: {  	p0 =	sne.s32 s0, $0x0;
	_ =	strace $0x90000047  }
0x58: {  	s0 =	sadd.s32 @!p0 $0x100000, s1;
	[bflag:$0x2] =	sbarrier.arrive $0xFFFF  }
0x59: {  	[sflag:s0] =	ssyncadd.tile.s32 @!p0 $0x1;
	_ =	shalt  }
.Lfunc_end2:
_tile_overlayer_lowered:
.L_overlay_start_2:
0x5a: {  	(tag) =	ssettag $0x2  }
0x5b: {  	s0 =	rddreg [dreg:$0x0];
	s2 =	stileid.u32  }
0x5c: {  	s1 =	rddreg [dreg:$0x1];
	p0 =	sne.s32 s2, $0x0  }
0x5d: {  	s3 =	rddreg [dreg:$0x2];
	[bflag:$0x3] =	sbarrier.arrive $0xFFFF;
	s2 =	simm.s32 @!p0 $0x1C01  }
0x5e: {  	[timem:s3], [sflag:s2] =	dma.local @!p0 [hbm:s0], s1  }
0x5f: {  	s0 =	simm.s32 @!p0 $0x1  }
0x60: {  	_ =	swait.ge @!p0 [sflag:s0], s1  }
0x61: {  	s1 =	ssub.s32 @!p0 $0x0, s1;
	[sflag:s0] =	ssyncset.done @!p0 $0x0  }
0x62: {  	[sflag:s0] =	ssyncadd.s32 @!p0 s1  }
0x63: {  	[bflag:$0x3] =	sbarrier.arrive $0xFFFF  }
0x64: {  	_ =	shalt  }

</sc_bundles>
